<compile_context>
chip_gen: v7x
topology: tpu7x:2x2x1
jax: 0.10.2.dev20260603
libtpu: 0.0.44.dev20260713+nightly
codegen_flags: <defaults>
</compile_context>

<pallas_src>
import functools

import jax
import jax.numpy as jnp
from jax import lax
from jax.experimental import pallas as pl
from jax.experimental.pallas import tpu as pltpu
from jax.experimental.pallas import tpu_sc as plsc

N = 10000
NP = 10240
E = 320000
EROWS = 2560
EP = EROWS * 128
NC, NS = 2, 16
NW = NC * NS
TPW = EROWS // NW
RPT = NP // NS
D2 = 48
BM = 1024


def _mesh():
    return plsc.VectorSubcoreMesh(core_axis_name="c", subcore_axis_name="s")


@functools.partial(
    pl.kernel,
    out_type=jax.ShapeDtypeStruct((NW, NP), jnp.float32),
    mesh=_mesh(),
    compiler_params=pltpu.CompilerParams(needs_layout_passes=False),
    scratch_types=[
        pltpu.VMEM((TPW, 128), jnp.int32),
        pltpu.VMEM((NP,), jnp.float32),
    ],
)
def _deg_kernel(dst_hbm, out_hbm, dstv, cnt):
    c = lax.axis_index("c")
    s = lax.axis_index("s")
    wid = s * NC + c
    pltpu.sync_copy(dst_hbm.at[pl.ds(wid * TPW, TPW)], dstv)
    zero = jnp.zeros((16,), jnp.float32)

    def zbody(i, carry):
        cnt[pl.ds(i * 16, 16)] = zero
        return carry

    lax.fori_loop(0, NP // 16, zbody, 0)
    ones = jnp.ones((16,), jnp.float32)

    def ebody(j, carry):
        for k in range(8):
            idx = dstv[j, pl.ds(k * 16, 16)]
            plsc.addupdate_scatter(cnt, [idx], ones)
        return carry

    lax.fori_loop(0, TPW, ebody, 0)
    pltpu.sync_copy(cnt, out_hbm.at[wid])


def _agg_phase(hs_hbm, srcp_hbm, dstp_hbm, out_hbm, srcv, dstv, rows0, rows1,
               table, hs_spm, gsem0, gsem1, ssem0, ssem1, *, d, c, s):
    zero = jnp.zeros((16,), jnp.float32)

    pltpu.sync_copy(hs_hbm.at[pl.ds(s * RPT, RPT)],
                    hs_spm.at[pl.ds(s * RPT, RPT)])

    def zbody(i, carry):
        for k in range(d // 16):
            rows0[i, pl.ds(k * 16, 16)] = zero
        return carry

    lax.fori_loop(0, 16, zbody, 0)

    def zcopy(i, carry):
        pltpu.sync_copy(rows0.at[pl.ds(0, 16)], table.at[pl.ds(s * RPT + i * 16, 16)])
        return carry

    lax.fori_loop(0, RPT // 16, zcopy, 0)
    plsc.subcore_barrier()

    bufs = (rows0, rows1)
    gsems = (gsem0, gsem1)
    ssems = (ssem0, ssem1)
    tile_base = (s * NC + c) * TPW

    def gbody(g, carry):
        base = tile_base + g * 8
        pltpu.sync_copy(srcp_hbm.at[pl.ds(base, 8)], srcv)
        pltpu.sync_copy(dstp_hbm.at[pl.ds(base, 8)], dstv)
        cp = pltpu.async_copy(hs_spm.at[srcv.at[0]], bufs[0], gsems[0])
        for j in range(8):
            if j + 1 < 8:
                nxt = pltpu.async_copy(
                    hs_spm.at[srcv.at[j + 1]], bufs[(j + 1) % 2],
                    gsems[(j + 1) % 2])
            cp.wait()
            pltpu.sync_copy(bufs[j % 2], table.at[dstv.at[j]], add=True)
            if j + 1 < 8:
                cp = nxt
        return carry

    lax.fori_loop(0, TPW // 8, gbody, 0)
    plsc.subcore_barrier()
    pltpu.sync_copy(table.at[pl.ds(s * RPT, RPT)],
                    out_hbm.at[c, pl.ds(s * RPT, RPT)])


def _agg2_body(hsa_hbm, hsb_hbm, srcp_hbm, dstp_hbm, outa_hbm, outb_hbm,
               srcv, dstv, rows0, rows1, table, hs_spm,
               gsem0, gsem1, ssem0, ssem1, *, d):
    c = lax.axis_index("c")
    s = lax.axis_index("s")
    for hs_hbm, out_hbm in ((hsa_hbm, outa_hbm), (hsb_hbm, outb_hbm)):
        _agg_phase(hs_hbm, srcp_hbm, dstp_hbm, out_hbm, srcv, dstv,
                   rows0, rows1, table, hs_spm,
                   gsem0, gsem1, ssem0, ssem1, d=d, c=c, s=s)
        plsc.subcore_barrier()


def _agg1_body(hs_hbm, srcp_hbm, dstp_hbm, out_hbm,
               srcv, dstv, rows0, rows1, table, hs_spm,
               gsem0, gsem1, ssem0, ssem1, *, d):
    c = lax.axis_index("c")
    s = lax.axis_index("s")
    _agg_phase(hs_hbm, srcp_hbm, dstp_hbm, out_hbm, srcv, dstv,
               rows0, rows1, table, hs_spm,
               gsem0, gsem1, ssem0, ssem1, d=d, c=c, s=s)


def _make_agg(d, nphase):
    out1 = jax.ShapeDtypeStruct((NC, NP, d), jnp.float32)
    return functools.partial(
        pl.kernel,
        out_type=(out1,) * nphase if nphase > 1 else out1,
        mesh=_mesh(),
        compiler_params=pltpu.CompilerParams(
            needs_layout_passes=False,
            use_tc_tiling_on_sc=False if d % 128 else None,
        ),
        scratch_types=[
            pltpu.VMEM((8, 128), jnp.int32),
            pltpu.VMEM((8, 128), jnp.int32),
            pltpu.VMEM((128, d), jnp.float32),
            pltpu.VMEM((128, d), jnp.float32),
            pltpu.VMEM_SHARED((NP, d), jnp.float32),
            pltpu.VMEM_SHARED((NP, d), jnp.float32),
            pltpu.SemaphoreType.DMA,
            pltpu.SemaphoreType.DMA,
            pltpu.SemaphoreType.DMA,
            pltpu.SemaphoreType.DMA,
        ],
    )(functools.partial(_agg2_body if nphase > 1 else _agg1_body, d=d))


_agg64x2 = _make_agg(64, 2)
_agg48 = _make_agg(D2, 1)


def _dinv_of(degb):
    return lax.rsqrt(jnp.sum(degb[...], axis=0) + 1.0)


def _tc1_body(xb, degb, w1, outa, outb):
    dinv = _dinv_of(degb)
    h = jnp.dot(xb[...], w1[...], preferred_element_type=jnp.float32)
    hs = h * dinv[:, None]
    outa[...] = hs[:, :64]
    outb[...] = hs[:, 64:]


def _tc2_body(t1a, t1b, hs1a, hs1b, degb, w2p, b1r, out):
    dinv = _dinv_of(degb)
    agga = t1a[0] + t1a[1] + hs1a[...]
    aggb = t1b[0] + t1b[1] + hs1b[...]
    b1 = b1r[...]
    oa = jnp.maximum(dinv[:, None] * agga + b1[:, :64], 0.0)
    ob = jnp.maximum(dinv[:, None] * aggb + b1[:, 64:], 0.0)
    w2 = w2p[...]
    h2 = (jnp.dot(oa, w2[:64], preferred_element_type=jnp.float32)
          + jnp.dot(ob, w2[64:], preferred_element_type=jnp.float32))
    out[...] = h2 * dinv[:, None]


def _tc3_body(t2b, hs2b, degb, b2p, out):
    dinv = _dinv_of(degb)
    agg = t2b[0] + t2b[1] + hs2b[...]
    z = dinv[:, None] * agg + b2p[...]
    col = lax.broadcasted_iota(jnp.int32, (BM, D2), 1)
    z = jnp.where(col < 33, z, -1e30)
    m = jnp.max(z, axis=1, keepdims=True)
    e = jnp.exp(z - m)
    lse = jnp.log(jnp.sum(e, axis=1, keepdims=True))
    out[...] = z - m - lse


_GRID = (NP // BM,)
_b_feat = pl.BlockSpec((BM, 128), lambda i: (i, 0))
_b_h = pl.BlockSpec((BM, 64), lambda i: (i, 0))
_b_48 = pl.BlockSpec((BM, D2), lambda i: (i, 0))
_b_deg = pl.BlockSpec((NW, BM), lambda i: (0, i))
_b_w2 = pl.BlockSpec((128, D2), lambda i: (0, 0))
_b_row = pl.BlockSpec((1, 128), lambda i: (0, 0))
_b_row48 = pl.BlockSpec((1, D2), lambda i: (0, 0))
_b_tabh = pl.BlockSpec((NC, BM, 64), lambda i: (0, i, 0))
_b_tab48 = pl.BlockSpec((NC, BM, D2), lambda i: (0, i, 0))

_tc1 = pl.pallas_call(
    _tc1_body, grid=_GRID,
    in_specs=[_b_feat, _b_deg, pl.BlockSpec((128, 128), lambda i: (0, 0))],
    out_specs=[_b_h, _b_h],
    out_shape=[jax.ShapeDtypeStruct((NP, 64), jnp.float32),
               jax.ShapeDtypeStruct((NP, 64), jnp.float32)],
)
_tc2 = pl.pallas_call(
    _tc2_body, grid=_GRID,
    in_specs=[_b_tabh, _b_tabh, _b_h, _b_h, _b_deg, _b_w2, _b_row],
    out_specs=_b_48,
    out_shape=jax.ShapeDtypeStruct((NP, D2), jnp.float32),
)
_tc3 = pl.pallas_call(
    _tc3_body, grid=_GRID,
    in_specs=[_b_tab48, _b_48, _b_deg, _b_row48],
    out_specs=_b_48,
    out_shape=jax.ShapeDtypeStruct((NP, D2), jnp.float32),
)


def kernel(x, edge_index, W1, b1, W2, b2):
    src = edge_index[0].astype(jnp.int32)
    dst = edge_index[1].astype(jnp.int32)
    srcp = jnp.full((EP,), N, jnp.int32).at[:E].set(src).reshape(EROWS, 128)
    dstp = jnp.full((EP,), N, jnp.int32).at[:E].set(dst).reshape(EROWS, 128)
    xp = jnp.zeros((NP, 128), jnp.float32).at[:N].set(x)

    degt = _deg_kernel(dstp)
    hs1a, hs1b = _tc1(xp, degt, W1)
    t1a, t1b = _agg64x2(hs1a, hs1b, srcp, dstp)
    w2p = jnp.zeros((128, D2), jnp.float32).at[:, :33].set(W2)
    hs2 = _tc2(t1a, t1b, hs1a, hs1b, degt, w2p, b1.reshape(1, 128))
    t2 = _agg48(hs2, srcp, dstp)
    b2p = jnp.zeros((1, D2), jnp.float32).at[0, :33].set(b2)
    outp = _tc3(t2, hs2, degt, b2p)
    return outp[:N, :33]

# --- scband reference (transcript-rebuilt; emitter-appended) ---
"""Pipeline reference for scband-gcnclassification-78735340470401 (READ-ONLY COPY).

The authoritative reference and input builder live on the scoring server;
editing this copy changes nothing except your own understanding.
"""

import jax, jax.numpy as jnp
import numpy as np

N_NODES = 10000
N_EDGES = 320000
D_FEAT = 128
HIDDEN = 128
N_CLASSES = 33  # max_neighbors + 1


def gcn_conv(x, edge_index, W, b):
    num_nodes = x.shape[0]
    h = x @ W
    src = edge_index[0]
    dst = edge_index[1]
    # add self loops (PyG GCNConv default)
    loop = jnp.arange(num_nodes, dtype=src.dtype)
    src = jnp.concatenate([src, loop])
    dst = jnp.concatenate([dst, loop])
    # symmetric normalization D^-1/2 (A+I) D^-1/2
    deg = jnp.zeros((num_nodes,), dtype=h.dtype).at[dst].add(1.0)
    dinv = jnp.where(deg > 0, deg ** -0.5, 0.0)
    norm = dinv[src] * dinv[dst]
    msg = h[src] * norm[:, None]
    out = jnp.zeros((num_nodes, h.shape[1]), dtype=h.dtype).at[dst].add(msg)
    return out + b


def setup_inputs(seed: int = 0) -> dict:
    key = jax.random.key(seed)
    k1, k2, k3, k4 = jax.random.split(key, 4)
    x = jax.random.normal(k1, (N_NODES, D_FEAT), dtype=jnp.float32)
    edge_index = jax.random.randint(k2, (2, N_EDGES), 0, N_NODES, dtype=jnp.int64)
    W1 = jax.random.normal(k3, (D_FEAT, HIDDEN), dtype=jnp.float32) * 0.05
    b1 = jnp.zeros((HIDDEN,), dtype=jnp.float32)
    W2 = jax.random.normal(k4, (HIDDEN, N_CLASSES), dtype=jnp.float32) * 0.05
    b2 = jnp.zeros((N_CLASSES,), dtype=jnp.float32)
    return {"x": x, "edge_index": edge_index, "W1": W1, "b1": b1, "W2": W2, "b2": b2}


def reference(x, edge_index, W1, b1, W2, b2):
    h = gcn_conv(x, edge_index, W1, b1)
    h = jax.nn.relu(h)
    # F.dropout(training=self.training): identity in eval mode
    out = gcn_conv(h, edge_index, W2, b2)
    return jax.nn.log_softmax(out, axis=1)

if __name__ == "__main__":
    import jax
    _d = setup_inputs()
    print(jax.jit(kernel)(*tuple(_d.values())))

</pallas_src>

<mosaic_0001>
#map = affine_map<(d0, d1) -> (0, 0)>
module attributes {stable_mosaic.version = 14 : i64} {
  func.func @_deg_kernel(%arg0: i32, %arg1: i32, %arg2: memref<2560x128xi32, #tpu.memory_space<hbm>>, %arg3: memref<32x10240xf32, #tpu.memory_space<hbm>>, %arg4: memref<80x128xi32, #tpu.memory_space<vmem>>, %arg5: memref<10240xf32, #tpu.memory_space<vmem>>) attributes {dimension_semantics = [#tpu.dimension_semantics<core_parallel>, #tpu.dimension_semantics<subcore_parallel>], iteration_bounds = array<i64: 2, 16>, scalar_prefetch = 0 : i64, scratch_operands = 2 : i64, tpu.core_type = #tpu.core_type<sc_vector_subcore>, window_params = [{transform_indices = #map}, {transform_indices = #map}]} {
    %mul3A = arith.constant 2 : i32
    %mul3A_0 = arith.muli %arg1, %mul3A : i32
    %add3A = arith.addi %mul3A_0, %arg0 : i32
    %mul3A_1 = arith.constant 80 : i32
    %mul3A_2 = arith.muli %add3A, %mul3A_1 : i32
    "tpu.region"() ({
      %run_scoped3A = tpu.sem_alloc : memref<!tpu.dma_semaphore, #tpu.memory_space<semaphore_mem>>
      %dma_start3A = arith.constant 0 : i32
      %dma_start3A_17 = tpu.memref_slice %arg2[%mul3A_2, %dma_start3A] : memref<2560x128xi32, #tpu.memory_space<hbm>> -> memref<80x128xi32, #tpu.memory_space<hbm>>
      %dma_start3A_18 = arith.constant 0 : i32
      %dma_start3A_19 = tpu.memref_slice %arg2[%mul3A_2, %dma_start3A_18] : memref<2560x128xi32, #tpu.memory_space<hbm>> -> memref<80x128xi32, #tpu.memory_space<hbm>>
      tpu.enqueue_dma source(%dma_start3A_19 : memref<80x128xi32, #tpu.memory_space<hbm>>) target(%arg4 : memref<80x128xi32, #tpu.memory_space<vmem>>) target_semaphore(%run_scoped3A : memref<!tpu.dma_semaphore, #tpu.memory_space<semaphore_mem>>)
      %dma_wait3A = arith.constant 0 : i32
      %dma_wait3A_20 = tpu.memref_slice %arg2[%mul3A_2, %dma_wait3A] : memref<2560x128xi32, #tpu.memory_space<hbm>> -> memref<80x128xi32, #tpu.memory_space<hbm>>
      %dma_wait3A_21 = arith.constant 0 : i32
      %dma_wait3A_22 = tpu.memref_slice %arg2[%mul3A_2, %dma_wait3A_21] : memref<2560x128xi32, #tpu.memory_space<hbm>> -> memref<80x128xi32, #tpu.memory_space<hbm>>
      tpu.wait_dma2 semaphore(%run_scoped3A : memref<!tpu.dma_semaphore, #tpu.memory_space<semaphore_mem>>) src(%dma_wait3A_22 : memref<80x128xi32, #tpu.memory_space<hbm>>) dst(%arg4 : memref<80x128xi32, #tpu.memory_space<vmem>>)
      tpu.yield
    }) : () -> ()
    %broadcast_in_dim3A = arith.constant 0.000000e+00 : f32
    %broadcast_in_dim3A_3 = vector.broadcast %broadcast_in_dim3A : f32 to vector<16xf32>
    %scan3A = arith.constant 0 : i32
    %scan3A_4 = arith.constant 0 : i32
    %scan3A_5 = arith.constant 640 : i32
    %scan3A_6 = arith.addi %scan3A_4, %scan3A_5 : i32
    %scan3A_7 = arith.constant 1 : i32
    scf.for %scan3A_17 = %scan3A_4 to %scan3A_6 step %scan3A_7  : i32 {
      %mul3A_18 = arith.constant 16 : i32
      %mul3A_19 = arith.muli %scan3A_17, %mul3A_18 : i32
      %swap3A = arith.index_cast %mul3A_19 : i32 to index
      %swap3A_20 = tpu.vector_load %arg5[%swap3A] {strides = array<i32>} : memref<10240xf32, #tpu.memory_space<vmem>>, vector<16xf32>,
      tpu.vector_store %arg5[%swap3A], %broadcast_in_dim3A_3 {strides = array<i32>} : memref<10240xf32, #tpu.memory_space<vmem>>, vector<16xf32>,
    }
    %scan3A_8 = arith.constant 640 : i32
    %broadcast_in_dim3A_9 = arith.constant 1.000000e+00 : f32
    %broadcast_in_dim3A_10 = vector.broadcast %broadcast_in_dim3A_9 : f32 to vector<16xf32>
    %scan3A_11 = arith.constant 0 : i32
    %scan3A_12 = arith.constant 0 : i32
    %scan3A_13 = arith.constant 80 : i32
    %scan3A_14 = arith.addi %scan3A_12, %scan3A_13 : i32
    %scan3A_15 = arith.constant 1 : i32
    scf.for %scan3A_17 = %scan3A_12 to %scan3A_14 step %scan3A_15  : i32 {
      %get3A = arith.index_cast %scan3A_17 : i32 to index
      %get3A_18 = arith.constant 0 : index
      %get3A_19 = tpu.vector_load %arg4[%get3A, %get3A_18] {strides = array<i32>} : memref<80x128xi32, #tpu.memory_space<vmem>>, vector<16xi32>,
      tpu.vector_store_idx %arg5[%get3A_19], %broadcast_in_dim3A_10 {add = true} : memref<10240xf32, #tpu.memory_space<vmem>>[vector<16xi32>], vector<16xf32>,
      %get3A_20 = arith.index_cast %scan3A_17 : i32 to index
      %get3A_21 = arith.constant 16 : index
      %get3A_22 = tpu.vector_load %arg4[%get3A_20, %get3A_21] {strides = array<i32>} : memref<80x128xi32, #tpu.memory_space<vmem>>, vector<16xi32>,
      tpu.vector_store_idx %arg5[%get3A_22], %broadcast_in_dim3A_10 {add = true} : memref<10240xf32, #tpu.memory_space<vmem>>[vector<16xi32>], vector<16xf32>,
      %get3A_23 = arith.index_cast %scan3A_17 : i32 to index
      %get3A_24 = arith.constant 32 : index
      %get3A_25 = tpu.vector_load %arg4[%get3A_23, %get3A_24] {strides = array<i32>} : memref<80x128xi32, #tpu.memory_space<vmem>>, vector<16xi32>,
      tpu.vector_store_idx %arg5[%get3A_25], %broadcast_in_dim3A_10 {add = true} : memref<10240xf32, #tpu.memory_space<vmem>>[vector<16xi32>], vector<16xf32>,
      %get3A_26 = arith.index_cast %scan3A_17 : i32 to index
      %get3A_27 = arith.constant 48 : index
      %get3A_28 = tpu.vector_load %arg4[%get3A_26, %get3A_27] {strides = array<i32>} : memref<80x128xi32, #tpu.memory_space<vmem>>, vector<16xi32>,
      tpu.vector_store_idx %arg5[%get3A_28], %broadcast_in_dim3A_10 {add = true} : memref<10240xf32, #tpu.memory_space<vmem>>[vector<16xi32>], vector<16xf32>,
      %get3A_29 = arith.index_cast %scan3A_17 : i32 to index
      %get3A_30 = arith.constant 64 : index
      %get3A_31 = tpu.vector_load %arg4[%get3A_29, %get3A_30] {strides = array<i32>} : memref<80x128xi32, #tpu.memory_space<vmem>>, vector<16xi32>,
      tpu.vector_store_idx %arg5[%get3A_31], %broadcast_in_dim3A_10 {add = true} : memref<10240xf32, #tpu.memory_space<vmem>>[vector<16xi32>], vector<16xf32>,
      %get3A_32 = arith.index_cast %scan3A_17 : i32 to index
      %get3A_33 = arith.constant 80 : index
      %get3A_34 = tpu.vector_load %arg4[%get3A_32, %get3A_33] {strides = array<i32>} : memref<80x128xi32, #tpu.memory_space<vmem>>, vector<16xi32>,
      tpu.vector_store_idx %arg5[%get3A_34], %broadcast_in_dim3A_10 {add = true} : memref<10240xf32, #tpu.memory_space<vmem>>[vector<16xi32>], vector<16xf32>,
      %get3A_35 = arith.index_cast %scan3A_17 : i32 to index
      %get3A_36 = arith.constant 96 : index
      %get3A_37 = tpu.vector_load %arg4[%get3A_35, %get3A_36] {strides = array<i32>} : memref<80x128xi32, #tpu.memory_space<vmem>>, vector<16xi32>,
      tpu.vector_store_idx %arg5[%get3A_37], %broadcast_in_dim3A_10 {add = true} : memref<10240xf32, #tpu.memory_space<vmem>>[vector<16xi32>], vector<16xf32>,
      %get3A_38 = arith.index_cast %scan3A_17 : i32 to index
      %get3A_39 = arith.constant 112 : index
      %get3A_40 = tpu.vector_load %arg4[%get3A_38, %get3A_39] {strides = array<i32>} : memref<80x128xi32, #tpu.memory_space<vmem>>, vector<16xi32>,
      tpu.vector_store_idx %arg5[%get3A_40], %broadcast_in_dim3A_10 {add = true} : memref<10240xf32, #tpu.memory_space<vmem>>[vector<16xi32>], vector<16xf32>,
    }
    %scan3A_16 = arith.constant 80 : i32
    "tpu.region"() ({
      %run_scoped3A = tpu.sem_alloc : memref<!tpu.dma_semaphore, #tpu.memory_space<semaphore_mem>>
      %dma_start3A = arith.constant 0 : i32
      %dma_start3A_17 = tpu.memref_slice %arg3[%add3A, %dma_start3A] : memref<32x10240xf32, #tpu.memory_space<hbm>> -> memref<1x10240xf32, #tpu.memory_space<hbm>>
      %dma_start3A_18 = tpu.memref_squeeze %dma_start3A_17 : memref<1x10240xf32, #tpu.memory_space<hbm>> -> memref<10240xf32, #tpu.memory_space<hbm>>
      %dma_start3A_19 = arith.constant 0 : i32
      %dma_start3A_20 = tpu.memref_slice %arg3[%add3A, %dma_start3A_19] : memref<32x10240xf32, #tpu.memory_space<hbm>> -> memref<1x10240xf32, #tpu.memory_space<hbm>>
      %dma_start3A_21 = tpu.memref_squeeze %dma_start3A_20 : memref<1x10240xf32, #tpu.memory_space<hbm>> -> memref<10240xf32, #tpu.memory_space<hbm>>
      tpu.enqueue_dma source(%arg5 : memref<10240xf32, #tpu.memory_space<vmem>>) target(%dma_start3A_21 : memref<10240xf32, #tpu.memory_space<hbm>>) target_semaphore(%run_scoped3A : memref<!tpu.dma_semaphore, #tpu.memory_space<semaphore_mem>>)
      %dma_wait3A = arith.constant 0 : i32
      %dma_wait3A_22 = tpu.memref_slice %arg3[%add3A, %dma_wait3A] : memref<32x10240xf32, #tpu.memory_space<hbm>> -> memref<1x10240xf32, #tpu.memory_space<hbm>>
      %dma_wait3A_23 = tpu.memref_squeeze %dma_wait3A_22 : memref<1x10240xf32, #tpu.memory_space<hbm>> -> memref<10240xf32, #tpu.memory_space<hbm>>
      %dma_wait3A_24 = arith.constant 0 : i32
      %dma_wait3A_25 = tpu.memref_slice %arg3[%add3A, %dma_wait3A_24] : memref<32x10240xf32, #tpu.memory_space<hbm>> -> memref<1x10240xf32, #tpu.memory_space<hbm>>
      %dma_wait3A_26 = tpu.memref_squeeze %dma_wait3A_25 : memref<1x10240xf32, #tpu.memory_space<hbm>> -> memref<10240xf32, #tpu.memory_space<hbm>>
      tpu.wait_dma2 semaphore(%run_scoped3A : memref<!tpu.dma_semaphore, #tpu.memory_space<semaphore_mem>>) src(%arg5 : memref<10240xf32, #tpu.memory_space<vmem>>) dst(%dma_wait3A_26 : memref<10240xf32, #tpu.memory_space<hbm>>)
      tpu.yield
    }) : () -> ()
    return
  }
}

#map = affine_map<(d0, d1) -> (0, 0)>
#map1 = affine_map<(d0, d1) -> (0, 0, 0)>
module attributes {stable_mosaic.version = 14 : i64} {
  func.func @_agg2_body(%arg0: i32, %arg1: i32, %arg2: memref<10240x64xf32, #tpu.memory_space<hbm>>, %arg3: memref<10240x64xf32, #tpu.memory_space<hbm>>, %arg4: memref<2560x128xi32, #tpu.memory_space<hbm>>, %arg5: memref<2560x128xi32, #tpu.memory_space<hbm>>, %arg6: memref<2x10240x64xf32, #tpu.memory_space<hbm>>, %arg7: memref<2x10240x64xf32, #tpu.memory_space<hbm>>, %arg8: memref<8x128xi32, #tpu.memory_space<vmem>>, %arg9: memref<8x128xi32, #tpu.memory_space<vmem>>, %arg10: memref<128x64xf32, #tpu.memory_space<vmem>>, %arg11: memref<128x64xf32, #tpu.memory_space<vmem>>, %arg12: memref<10240x64xf32, #tpu.memory_space<vmem_shared>>, %arg13: memref<10240x64xf32, #tpu.memory_space<vmem_shared>>, %arg14: memref<!tpu.dma_semaphore, #tpu.memory_space<semaphore_mem>>, %arg15: memref<!tpu.dma_semaphore, #tpu.memory_space<semaphore_mem>>, %arg16: memref<!tpu.dma_semaphore, #tpu.memory_space<semaphore_mem>>, %arg17: memref<!tpu.dma_semaphore, #tpu.memory_space<semaphore_mem>>) attributes {dimension_semantics = [#tpu.dimension_semantics<core_parallel>, #tpu.dimension_semantics<subcore_parallel>], iteration_bounds = array<i64: 2, 16>, scalar_prefetch = 0 : i64, scratch_operands = 10 : i64, tpu.core_type = #tpu.core_type<sc_vector_subcore>, window_params = [{transform_indices = #map}, {transform_indices = #map}, {transform_indices = #map}, {transform_indices = #map}, {transform_indices = #map1}, {transform_indices = #map1}]} {
    %broadcast_in_dim3A = arith.constant 0.000000e+00 : f32
    %broadcast_in_dim3A_0 = vector.broadcast %broadcast_in_dim3A : f32 to vector<16xf32>
    %mul3A = arith.constant 640 : i32
    %mul3A_1 = arith.muli %arg1, %mul3A : i32
    %mul3A_2 = arith.constant 640 : i32
    %mul3A_3 = arith.muli %arg1, %mul3A_2 : i32
    "tpu.region"() ({
      %run_scoped3A = tpu.sem_alloc : memref<!tpu.dma_semaphore, #tpu.memory_space<semaphore_mem>>
      %dma_start3A = arith.constant 0 : i32
      %dma_start3A_67 = tpu.memref_slice %arg13[%mul3A_3, %dma_start3A] : memref<10240x64xf32, #tpu.memory_space<vmem_shared>> -> memref<640x64xf32, #tpu.memory_space<vmem_shared>>
      %dma_start3A_68 = arith.constant 0 : i32
      %dma_start3A_69 = tpu.memref_slice %arg2[%mul3A_1, %dma_start3A_68] : memref<10240x64xf32, #tpu.memory_space<hbm>> -> memref<640x64xf32, #tpu.memory_space<hbm>>
      tpu.enqueue_dma source(%dma_start3A_69 : memref<640x64xf32, #tpu.memory_space<hbm>>) target(%dma_start3A_67 : memref<640x64xf32, #tpu.memory_space<vmem_shared>>) target_semaphore(%run_scoped3A : memref<!tpu.dma_semaphore, #tpu.memory_space<semaphore_mem>>)
      %dma_wait3A = arith.constant 0 : i32
      %dma_wait3A_70 = tpu.memref_slice %arg13[%mul3A_3, %dma_wait3A] : memref<10240x64xf32, #tpu.memory_space<vmem_shared>> -> memref<640x64xf32, #tpu.memory_space<vmem_shared>>
      %dma_wait3A_71 = arith.constant 0 : i32
      %dma_wait3A_72 = tpu.memref_slice %arg2[%mul3A_1, %dma_wait3A_71] : memref<10240x64xf32, #tpu.memory_space<hbm>> -> memref<640x64xf32, #tpu.memory_space<hbm>>
      tpu.wait_dma2 semaphore(%run_scoped3A : memref<!tpu.dma_semaphore, #tpu.memory_space<semaphore_mem>>) src(%dma_wait3A_72 : memref<640x64xf32, #tpu.memory_space<hbm>>) dst(%dma_wait3A_70 : memref<640x64xf32, #tpu.memory_space<vmem_shared>>)
      tpu.yield
    }) : () -> ()
    %scan3A = arith.constant 0 : i32
    %scan3A_4 = arith.constant 0 : i32
    %scan3A_5 = arith.constant 16 : i32
    %scan3A_6 = arith.addi %scan3A_4, %scan3A_5 : i32
    %scan3A_7 = arith.constant 1 : i32
    scf.for %scan3A_67 = %scan3A_4 to %scan3A_6 step %scan3A_7  : i32 {
      %swap3A = arith.index_cast %scan3A_67 : i32 to index
      %swap3A_68 = arith.constant 0 : index
      %swap3A_69 = tpu.vector_load %arg10[%swap3A, %swap3A_68] {strides = array<i32>} : memref<128x64xf32, #tpu.memory_space<vmem>>, vector<16xf32>,
      tpu.vector_store %arg10[%swap3A, %swap3A_68], %broadcast_in_dim3A_0 {strides = array<i32>} : memref<128x64xf32, #tpu.memory_space<vmem>>, vector<16xf32>,
      %swap3A_70 = arith.index_cast %scan3A_67 : i32 to index
      %swap3A_71 = arith.constant 16 : index
      %swap3A_72 = tpu.vector_load %arg10[%swap3A_70, %swap3A_71] {strides = array<i32>} : memref<128x64xf32, #tpu.memory_space<vmem>>, vector<16xf32>,
      tpu.vector_store %arg10[%swap3A_70, %swap3A_71], %broadcast_in_dim3A_0 {strides = array<i32>} : memref<128x64xf32, #tpu.memory_space<vmem>>, vector<16xf32>,
      %swap3A_73 = arith.index_cast %scan3A_67 : i32 to index
      %swap3A_74 = arith.constant 32 : index
      %swap3A_75 = tpu.vector_load %arg10[%swap3A_73, %swap3A_74] {strides = array<i32>} : memref<128x64xf32, #tpu.memory_space<vmem>>, vector<16xf32>,
      tpu.vector_store %arg10[%swap3A_73, %swap3A_74], %broadcast_in_dim3A_0 {strides = array<i32>} : memref<128x64xf32, #tpu.memory_space<vmem>>, vector<16xf32>,
      %swap3A_76 = arith.index_cast %scan3A_67 : i32 to index
      %swap3A_77 = arith.constant 48 : index
      %swap3A_78 = tpu.vector_load %arg10[%swap3A_76, %swap3A_77] {strides = array<i32>} : memref<128x64xf32, #tpu.memory_space<vmem>>, vector<16xf32>,
      tpu.vector_store %arg10[%swap3A_76, %swap3A_77], %broadcast_in_dim3A_0 {strides = array<i32>} : memref<128x64xf32, #tpu.memory_space<vmem>>, vector<16xf32>,
    }
    %scan3A_8 = arith.constant 16 : i32
    %scan3A_9 = arith.constant 0 : i32
    %scan3A_10 = arith.constant 0 : i32
    %scan3A_11 = arith.constant 40 : i32
    %scan3A_12 = arith.addi %scan3A_10, %scan3A_11 : i32
    %scan3A_13 = arith.constant 1 : i32
    scf.for %scan3A_67 = %scan3A_10 to %scan3A_12 step %scan3A_13  : i32 {
      %mul3A_68 = arith.constant 640 : i32
      %mul3A_69 = arith.muli %arg1, %mul3A_68 : i32
      %mul3A_70 = arith.constant 16 : i32
      %mul3A_71 = arith.muli %scan3A_67, %mul3A_70 : i32
      %add3A_72 = arith.addi %mul3A_69, %mul3A_71 : i32
      "tpu.region"() ({
        %run_scoped3A = tpu.sem_alloc : memref<!tpu.dma_semaphore, #tpu.memory_space<semaphore_mem>>
        %dma_start3A = arith.constant 0 : i32
        %dma_start3A_73 = arith.constant 0 : i32
        %dma_start3A_74 = tpu.memref_slice %arg10[%dma_start3A, %dma_start3A_73] : memref<128x64xf32, #tpu.memory_space<vmem>> -> memref<16x64xf32, #tpu.memory_space<vmem>>
        %dma_start3A_75 = arith.constant 0 : i32
        %dma_start3A_76 = tpu.memref_slice %arg12[%add3A_72, %dma_start3A_75] : memref<10240x64xf32, #tpu.memory_space<vmem_shared>> -> memref<16x64xf32, #tpu.memory_space<vmem_shared>>
        %dma_start3A_77 = arith.constant 0 : i32
        %dma_start3A_78 = tpu.memref_slice %arg12[%add3A_72, %dma_start3A_77] : memref<10240x64xf32, #tpu.memory_space<vmem_shared>> -> memref<16x64xf32, #tpu.memory_space<vmem_shared>>
        %dma_start3A_79 = arith.constant 0 : i32
        %dma_start3A_80 = arith.constant 0 : i32
        %dma_start3A_81 = tpu.memref_slice %arg10[%dma_start3A_79, %dma_start3A_80] : memref<128x64xf32, #tpu.memory_space<vmem>> -> memref<16x64xf32, #tpu.memory_space<vmem>>
        tpu.enqueue_dma source(%dma_start3A_81 : memref<16x64xf32, #tpu.memory_space<vmem>>) target(%dma_start3A_78 : memref<16x64xf32, #tpu.memory_space<vmem_shared>>) target_semaphore(%run_scoped3A : memref<!tpu.dma_semaphore, #tpu.memory_space<semaphore_mem>>)
        %dma_wait3A = arith.constant 0 : i32
        %dma_wait3A_82 = arith.constant 0 : i32
        %dma_wait3A_83 = tpu.memref_slice %arg10[%dma_wait3A, %dma_wait3A_82] : memref<128x64xf32, #tpu.memory_space<vmem>> -> memref<16x64xf32, #tpu.memory_space<vmem>>
        %dma_wait3A_84 = arith.constant 0 : i32
        %dma_wait3A_85 = tpu.memref_slice %arg12[%add3A_72, %dma_wait3A_84] : memref<10240x64xf32, #tpu.memory_space<vmem_shared>> -> memref<16x64xf32, #tpu.memory_space<vmem_shared>>
        %dma_wait3A_86 = arith.constant 0 : i32
        %dma_wait3A_87 = tpu.memref_slice %arg12[%add3A_72, %dma_wait3A_86] : memref<10240x64xf32, #tpu.memory_space<vmem_shared>> -> memref<16x64xf32, #tpu.memory_space<vmem_shared>>
        %dma_wait3A_88 = arith.constant 0 : i32
        %dma_wait3A_89 = arith.constant 0 : i32
        %dma_wait3A_90 = tpu.memref_slice %arg10[%dma_wait3A_88, %dma_wait3A_89] : memref<128x64xf32, #tpu.memory_space<vmem>> -> memref<16x64xf32, #tpu.memory_space<vmem>>
        tpu.wait_dma2 semaphore(%run_scoped3A : memref<!tpu.dma_semaphore, #tpu.memory_space<semaphore_mem>>) src(%dma_wait3A_90 : memref<16x64xf32, #tpu.memory_space<vmem>>) dst(%dma_wait3A_87 : memref<16x64xf32, #tpu.memory_space<vmem_shared>>)
        tpu.yield
      }) : () -> ()
    }
    %scan3A_14 = arith.constant 40 : i32
    %barrier3A = arith.constant 0 : index
    tpu.barrier barrier_id(%barrier3A)
    %mul3A_15 = arith.constant 2 : i32
    %mul3A_16 = arith.muli %arg1, %mul3A_15 : i32
    %add3A = arith.addi %mul3A_16, %arg0 : i32
    %mul3A_17 = arith.constant 80 : i32
    %mul3A_18 = arith.muli %add3A, %mul3A_17 : i32
    %scan3A_19 = arith.constant 0 : i32
    %scan3A_20 = arith.constant 0 : i32
    %scan3A_21 = arith.constant 10 : i32
    %scan3A_22 = arith.addi %scan3A_20, %scan3A_21 : i32
    %scan3A_23 = arith.constant 1 : i32
    scf.for %scan3A_67 = %scan3A_20 to %scan3A_22 step %scan3A_23  : i32 {
      %mul3A_68 = arith.constant 8 : i32
      %mul3A_69 = arith.muli %scan3A_67, %mul3A_68 : i32
      %add3A_70 = arith.addi %mul3A_18, %mul3A_69 : i32
      "tpu.region"() ({
        %run_scoped3A_188 = tpu.sem_alloc : memref<!tpu.dma_semaphore, #tpu.memory_space<semaphore_mem>>
        %dma_start3A_189 = arith.constant 0 : i32
        %dma_start3A_190 = tpu.memref_slice %arg4[%add3A_70, %dma_start3A_189] : memref<2560x128xi32, #tpu.memory_space<hbm>> -> memref<8x128xi32, #tpu.memory_space<hbm>>
        %dma_start3A_191 = arith.constant 0 : i32
        %dma_start3A_192 = tpu.memref_slice %arg4[%add3A_70, %dma_start3A_191] : memref<2560x128xi32, #tpu.memory_space<hbm>> -> memref<8x128xi32, #tpu.memory_space<hbm>>
        tpu.enqueue_dma source(%dma_start3A_192 : memref<8x128xi32, #tpu.memory_space<hbm>>) target(%arg8 : memref<8x128xi32, #tpu.memory_space<vmem>>) target_semaphore(%run_scoped3A_188 : memref<!tpu.dma_semaphore, #tpu.memory_space<semaphore_mem>>)
        %dma_wait3A_193 = arith.constant 0 : i32
        %dma_wait3A_194 = tpu.memref_slice %arg4[%add3A_70, %dma_wait3A_193] : memref<2560x128xi32, #tpu.memory_space<hbm>> -> memref<8x128xi32, #tpu.memory_space<hbm>>
        %dma_wait3A_195 = arith.constant 0 : i32
        %dma_wait3A_196 = tpu.memref_slice %arg4[%add3A_70, %dma_wait3A_195] : memref<2560x128xi32, #tpu.memory_space<hbm>> -> memref<8x128xi32, #tpu.memory_space<hbm>>
        tpu.wait_dma2 semaphore(%run_scoped3A_188 : memref<!tpu.dma_semaphore, #tpu.memory_space<semaphore_mem>>) src(%dma_wait3A_196 : memref<8x128xi32, #tpu.memory_space<hbm>>) dst(%arg8 : memref<8x128xi32, #tpu.memory_space<vmem>>)
        tpu.yield
      }) : () -> ()
      "tpu.region"() ({
        %run_scoped3A_188 = tpu.sem_alloc : memref<!tpu.dma_semaphore, #tpu.memory_space<semaphore_mem>>
        %dma_start3A_189 = arith.constant 0 : i32
        %dma_start3A_190 = tpu.memref_slice %arg5[%add3A_70, %dma_start3A_189] : memref<2560x128xi32, #tpu.memory_space<hbm>> -> memref<8x128xi32, #tpu.memory_space<hbm>>
        %dma_start3A_191 = arith.constant 0 : i32
        %dma_start3A_192 = tpu.memref_slice %arg5[%add3A_70, %dma_start3A_191] : memref<2560x128xi32, #tpu.memory_space<hbm>> -> memref<8x128xi32, #tpu.memory_space<hbm>>
        tpu.enqueue_dma source(%dma_start3A_192 : memref<8x128xi32, #tpu.memory_space<hbm>>) target(%arg9 : memref<8x128xi32, #tpu.memory_space<vmem>>) target_semaphore(%run_scoped3A_188 : memref<!tpu.dma_semaphore, #tpu.memory_space<semaphore_mem>>)
        %dma_wait3A_193 = arith.constant 0 : i32
        %dma_wait3A_194 = tpu.memref_slice %arg5[%add3A_70, %dma_wait3A_193] : memref<2560x128xi32, #tpu.memory_space<hbm>> -> memref<8x128xi32, #tpu.memory_space<hbm>>
        %dma_wait3A_195 = arith.constant 0 : i32
        %dma_wait3A_196 = tpu.memref_slice %arg5[%add3A_70, %dma_wait3A_195] : memref<2560x128xi32, #tpu.memory_space<hbm>> -> memref<8x128xi32, #tpu.memory_space<hbm>>
        tpu.wait_dma2 semaphore(%run_scoped3A_188 : memref<!tpu.dma_semaphore, #tpu.memory_space<semaphore_mem>>) src(%dma_wait3A_196 : memref<8x128xi32, #tpu.memory_space<hbm>>) dst(%arg9 : memref<8x128xi32, #tpu.memory_space<vmem>>)
        tpu.yield
      }) : () -> ()
      %dma_start3A = arith.constant 0 : i32
      %dma_start3A_71 = arith.constant 0 : i32
      %dma_start3A_72 = tpu.memref_slice %arg8[%dma_start3A, %dma_start3A_71] : memref<8x128xi32, #tpu.memory_space<vmem>> -> memref<1x128xi32, #tpu.memory_space<vmem>>
      %dma_start3A_73 = tpu.memref_squeeze %dma_start3A_72 : memref<1x128xi32, #tpu.memory_space<vmem>> -> memref<128xi32, #tpu.memory_space<vmem>>
      %dma_start3A_74 = arith.constant 0 : i32
      %dma_start3A_75 = arith.constant 0 : i32
      %dma_start3A_76 = tpu.memref_slice %arg13[%dma_start3A_74, %dma_start3A_75] : memref<10240x64xf32, #tpu.memory_space<vmem_shared>> -> memref<10240x64xf32, #tpu.memory_space<vmem_shared>>
      tpu.enqueue_indirect_dma source(%dma_start3A_76 : memref<10240x64xf32, #tpu.memory_space<vmem_shared>>) target(%arg10 : memref<128x64xf32, #tpu.memory_space<vmem>>) offsets(%dma_start3A_73 : memref<128xi32, #tpu.memory_space<vmem>>) semaphore(%arg14 : memref<!tpu.dma_semaphore, #tpu.memory_space<semaphore_mem>>)
      %dma_start3A_77 = arith.constant 1 : i32
      %dma_start3A_78 = arith.constant 0 : i32
      %dma_start3A_79 = tpu.memref_slice %arg8[%dma_start3A_77, %dma_start3A_78] : memref<8x128xi32, #tpu.memory_space<vmem>> -> memref<1x128xi32, #tpu.memory_space<vmem>>
      %dma_start3A_80 = tpu.memref_squeeze %dma_start3A_79 : memref<1x128xi32, #tpu.memory_space<vmem>> -> memref<128xi32, #tpu.memory_space<vmem>>
      %dma_start3A_81 = arith.constant 0 : i32
      %dma_start3A_82 = arith.constant 0 : i32
      %dma_start3A_83 = tpu.memref_slice %arg13[%dma_start3A_81, %dma_start3A_82] : memref<10240x64xf32, #tpu.memory_space<vmem_shared>> -> memref<10240x64xf32, #tpu.memory_space<vmem_shared>>
      tpu.enqueue_indirect_dma source(%dma_start3A_83 : memref<10240x64xf32, #tpu.memory_space<vmem_shared>>) target(%arg11 : memref<128x64xf32, #tpu.memory_space<vmem>>) offsets(%dma_start3A_80 : memref<128xi32, #tpu.memory_space<vmem>>) semaphore(%arg15 : memref<!tpu.dma_semaphore, #tpu.memory_space<semaphore_mem>>)
      %dma_wait3A = arith.constant 0 : i32
      %dma_wait3A_84 = arith.constant 0 : i32
      %dma_wait3A_85 = tpu.memref_slice %arg8[%dma_wait3A, %dma_wait3A_84] : memref<8x128xi32, #tpu.memory_space<vmem>> -> memref<1x128xi32, #tpu.memory_space<vmem>>
      %dma_wait3A_86 = tpu.memref_squeeze %dma_wait3A_85 : memref<1x128xi32, #tpu.memory_space<vmem>> -> memref<128xi32, #tpu.memory_space<vmem>>
      %dma_wait3A_87 = arith.constant 0 : i32
      %dma_wait3A_88 = arith.constant 0 : i32
      %dma_wait3A_89 = tpu.memref_slice %arg13[%dma_wait3A_87, %dma_wait3A_88] : memref<10240x64xf32, #tpu.memory_space<vmem_shared>> -> memref<10240x64xf32, #tpu.memory_space<vmem_shared>>
      tpu.wait_indirect_dma semaphore(%arg14 : memref<!tpu.dma_semaphore, #tpu.memory_space<semaphore_mem>>) src(%dma_wait3A_89 : memref<10240x64xf32, #tpu.memory_space<vmem_shared>>) dst(%arg10 : memref<128x64xf32, #tpu.memory_space<vmem>>)
      %run_scoped3A = arith.constant 0 : i32
      "tpu.region"() ({
        %run_scoped3A_188 = tpu.sem_alloc : memref<!tpu.dma_semaphore, #tpu.memory_space<semaphore_mem>>
        %dma_start3A_189 = arith.constant 0 : i32
        %dma_start3A_190 = tpu.memref_slice %arg9[%run_scoped3A, %dma_start3A_189] : memref<8x128xi32, #tpu.memory_space<vmem>> -> memref<1x128xi32, #tpu.memory_space<vmem>>
        %dma_start3A_191 = tpu.memref_squeeze %dma_start3A_190 : memref<1x128xi32, #tpu.memory_space<vmem>> -> memref<128xi32, #tpu.memory_space<vmem>>
        %dma_start3A_192 = arith.constant 0 : i32
        %dma_start3A_193 = arith.constant 0 : i32
        %dma_start3A_194 = tpu.memref_slice %arg12[%dma_start3A_192, %dma_start3A_193] : memref<10240x64xf32, #tpu.memory_space<vmem_shared>> -> memref<10240x64xf32, #tpu.memory_space<vmem_shared>>
        tpu.enqueue_indirect_dma source(%arg10 : memref<128x64xf32, #tpu.memory_space<vmem>>) target(%dma_start3A_194 : memref<10240x64xf32, #tpu.memory_space<vmem_shared>>) offsets(%dma_start3A_191 : memref<128xi32, #tpu.memory_space<vmem>>) semaphore(%run_scoped3A_188 : memref<!tpu.dma_semaphore, #tpu.memory_space<semaphore_mem>>) {add = true}
        %dma_wait3A_195 = arith.constant 0 : i32
        %dma_wait3A_196 = tpu.memref_slice %arg9[%run_scoped3A, %dma_wait3A_195] : memref<8x128xi32, #tpu.memory_space<vmem>> -> memref<1x128xi32, #tpu.memory_space<vmem>>
        %dma_wait3A_197 = tpu.memref_squeeze %dma_wait3A_196 : memref<1x128xi32, #tpu.memory_space<vmem>> -> memref<128xi32, #tpu.memory_space<vmem>>
        %dma_wait3A_198 = arith.constant 0 : i32
        %dma_wait3A_199 = arith.constant 0 : i32
        %dma_wait3A_200 = tpu.memref_slice %arg12[%dma_wait3A_198, %dma_wait3A_199] : memref<10240x64xf32, #tpu.memory_space<vmem_shared>> -> memref<10240x64xf32, #tpu.memory_space<vmem_shared>>
        tpu.wait_indirect_dma semaphore(%run_scoped3A_188 : memref<!tpu.dma_semaphore, #tpu.memory_space<semaphore_mem>>) src(%arg10 : memref<128x64xf32, #tpu.memory_space<vmem>>) dst(%dma_wait3A_200 : memref<10240x64xf32, #tpu.memory_space<vmem_shared>>)
        tpu.yield
      }) : () -> ()
      %dma_start3A_90 = arith.constant 2 : i32
      %dma_start3A_91 = arith.constant 0 : i32
      %dma_start3A_92 = tpu.memref_slice %arg8[%dma_start3A_90, %dma_start3A_91] : memref<8x128xi32, #tpu.memory_space<vmem>> -> memref<1x128xi32, #tpu.memory_space<vmem>>
      %dma_start3A_93 = tpu.memref_squeeze %dma_start3A_92 : memref<1x128xi32, #tpu.memory_space<vmem>> -> memref<128xi32, #tpu.memory_space<vmem>>
      %dma_start3A_94 = arith.constant 0 : i32
      %dma_start3A_95 = arith.constant 0 : i32
      %dma_start3A_96 = tpu.memref_slice %arg13[%dma_start3A_94, %dma_start3A_95] : memref<10240x64xf32, #tpu.memory_space<vmem_shared>> -> memref<10240x64xf32, #tpu.memory_space<vmem_shared>>
      tpu.enqueue_indirect_dma source(%dma_start3A_96 : memref<10240x64xf32, #tpu.memory_space<vmem_shared>>) target(%arg10 : memref<128x64xf32, #tpu.memory_space<vmem>>) offsets(%dma_start3A_93 : memref<128xi32, #tpu.memory_space<vmem>>) semaphore(%arg14 : memref<!tpu.dma_semaphore, #tpu.memory_space<semaphore_mem>>)
      %dma_wait3A_97 = arith.constant 1 : i32
      %dma_wait3A_98 = arith.constant 0 : i32
      %dma_wait3A_99 = tpu.memref_slice %arg8[%dma_wait3A_97, %dma_wait3A_98] : memref<8x128xi32, #tpu.memory_space<vmem>> -> memref<1x128xi32, #tpu.memory_space<vmem>>
      %dma_wait3A_100 = tpu.memref_squeeze %dma_wait3A_99 : memref<1x128xi32, #tpu.memory_space<vmem>> -> memref<128xi32, #tpu.memory_space<vmem>>
      %dma_wait3A_101 = arith.constant 0 : i32
      %dma_wait3A_102 = arith.constant 0 : i32
      %dma_wait3A_103 = tpu.memref_slice %arg13[%dma_wait3A_101, %dma_wait3A_102] : memref<10240x64xf32, #tpu.memory_space<vmem_shared>> -> memref<10240x64xf32, #tpu.memory_space<vmem_shared>>
      tpu.wait_indirect_dma semaphore(%arg15 : memref<!tpu.dma_semaphore, #tpu.memory_space<semaphore_mem>>) src(%dma_wait3A_103 : memref<10240x64xf32, #tpu.memory_space<vmem_shared>>) dst(%arg11 : memref<128x64xf32, #tpu.memory_space<vmem>>)
      %run_scoped3A_104 = arith.constant 1 : i32
      "tpu.region"() ({
        %run_scoped3A_188 = tpu.sem_alloc : memref<!tpu.dma_semaphore, #tpu.memory_space<semaphore_mem>>
        %dma_start3A_189 = arith.constant 0 : i32
        %dma_start3A_190 = tpu.memref_slice %arg9[%run_scoped3A_104, %dma_start3A_189] : memref<8x128xi32, #tpu.memory_space<vmem>> -> memref<1x128xi32, #tpu.memory_space<vmem>>
        %dma_start3A_191 = tpu.memref_squeeze %dma_start3A_190 : memref<1x128xi32, #tpu.memory_space<vmem>> -> memref<128xi32, #tpu.memory_space<vmem>>
        %dma_start3A_192 = arith.constant 0 : i32
        %dma_start3A_193 = arith.constant 0 : i32
        %dma_start3A_194 = tpu.memref_slice %arg12[%dma_start3A_192, %dma_start3A_193] : memref<10240x64xf32, #tpu.memory_space<vmem_shared>> -> memref<10240x64xf32, #tpu.memory_space<vmem_shared>>
        tpu.enqueue_indirect_dma source(%arg11 : memref<128x64xf32, #tpu.memory_space<vmem>>) target(%dma_start3A_194 : memref<10240x64xf32, #tpu.memory_space<vmem_shared>>) offsets(%dma_start3A_191 : memref<128xi32, #tpu.memory_space<vmem>>) semaphore(%run_scoped3A_188 : memref<!tpu.dma_semaphore, #tpu.memory_space<semaphore_mem>>) {add = true}
        %dma_wait3A_195 = arith.constant 0 : i32
        %dma_wait3A_196 = tpu.memref_slice %arg9[%run_scoped3A_104, %dma_wait3A_195] : memref<8x128xi32, #tpu.memory_space<vmem>> -> memref<1x128xi32, #tpu.memory_space<vmem>>
        %dma_wait3A_197 = tpu.memref_squeeze %dma_wait3A_196 : memref<1x128xi32, #tpu.memory_space<vmem>> -> memref<128xi32, #tpu.memory_space<vmem>>
        %dma_wait3A_198 = arith.constant 0 : i32
        %dma_wait3A_199 = arith.constant 0 : i32
        %dma_wait3A_200 = tpu.memref_slice %arg12[%dma_wait3A_198, %dma_wait3A_199] : memref<10240x64xf32, #tpu.memory_space<vmem_shared>> -> memref<10240x64xf32, #tpu.memory_space<vmem_shared>>
        tpu.wait_indirect_dma semaphore(%run_scoped3A_188 : memref<!tpu.dma_semaphore, #tpu.memory_space<semaphore_mem>>) src(%arg11 : memref<128x64xf32, #tpu.memory_space<vmem>>) dst(%dma_wait3A_200 : memref<10240x64xf32, #tpu.memory_space<vmem_shared>>)
        tpu.yield
      }) : () -> ()
      %dma_start3A_105 = arith.constant 3 : i32
      %dma_start3A_106 = arith.constant 0 : i32
      %dma_start3A_107 = tpu.memref_slice %arg8[%dma_start3A_105, %dma_start3A_106] : memref<8x128xi32, #tpu.memory_space<vmem>> -> memref<1x128xi32, #tpu.memory_space<vmem>>
      %dma_start3A_108 = tpu.memref_squeeze %dma_start3A_107 : memref<1x128xi32, #tpu.memory_space<vmem>> -> memref<128xi32, #tpu.memory_space<vmem>>
      %dma_start3A_109 = arith.constant 0 : i32
      %dma_start3A_110 = arith.constant 0 : i32
      %dma_start3A_111 = tpu.memref_slice %arg13[%dma_start3A_109, %dma_start3A_110] : memref<10240x64xf32, #tpu.memory_space<vmem_shared>> -> memref<10240x64xf32, #tpu.memory_space<vmem_shared>>
      tpu.enqueue_indirect_dma source(%dma_start3A_111 : memref<10240x64xf32, #tpu.memory_space<vmem_shared>>) target(%arg11 : memref<128x64xf32, #tpu.memory_space<vmem>>) offsets(%dma_start3A_108 : memref<128xi32, #tpu.memory_space<vmem>>) semaphore(%arg15 : memref<!tpu.dma_semaphore, #tpu.memory_space<semaphore_mem>>)
      %dma_wait3A_112 = arith.constant 2 : i32
      %dma_wait3A_113 = arith.constant 0 : i32
      %dma_wait3A_114 = tpu.memref_slice %arg8[%dma_wait3A_112, %dma_wait3A_113] : memref<8x128xi32, #tpu.memory_space<vmem>> -> memref<1x128xi32, #tpu.memory_space<vmem>>
      %dma_wait3A_115 = tpu.memref_squeeze %dma_wait3A_114 : memref<1x128xi32, #tpu.memory_space<vmem>> -> memref<128xi32, #tpu.memory_space<vmem>>
      %dma_wait3A_116 = arith.constant 0 : i32
      %dma_wait3A_117 = arith.constant 0 : i32
      %dma_wait3A_118 = tpu.memref_slice %arg13[%dma_wait3A_116, %dma_wait3A_117] : memref<10240x64xf32, #tpu.memory_space<vmem_shared>> -> memref<10240x64xf32, #tpu.memory_space<vmem_shared>>
      tpu.wait_indirect_dma semaphore(%arg14 : memref<!tpu.dma_semaphore, #tpu.memory_space<semaphore_mem>>) src(%dma_wait3A_118 : memref<10240x64xf32, #tpu.memory_space<vmem_shared>>) dst(%arg10 : memref<128x64xf32, #tpu.memory_space<vmem>>)
      %run_scoped3A_119 = arith.constant 2 : i32
      "tpu.region"() ({
        %run_scoped3A_188 = tpu.sem_alloc : memref<!tpu.dma_semaphore, #tpu.memory_space<semaphore_mem>>
        %dma_start3A_189 = arith.constant 0 : i32
        %dma_start3A_190 = tpu.memref_slice %arg9[%run_scoped3A_119, %dma_start3A_189] : memref<8x128xi32, #tpu.memory_space<vmem>> -> memref<1x128xi32, #tpu.memory_space<vmem>>
        %dma_start3A_191 = tpu.memref_squeeze %dma_start3A_190 : memref<1x128xi32, #tpu.memory_space<vmem>> -> memref<128xi32, #tpu.memory_space<vmem>>
        %dma_start3A_192 = arith.constant 0 : i32
        %dma_start3A_193 = arith.constant 0 : i32
        %dma_start3A_194 = tpu.memref_slice %arg12[%dma_start3A_192, %dma_start3A_193] : memref<10240x64xf32, #tpu.memory_space<vmem_shared>> -> memref<10240x64xf32, #tpu.memory_space<vmem_shared>>
        tpu.enqueue_indirect_dma source(%arg10 : memref<128x64xf32, #tpu.memory_space<vmem>>) target(%dma_start3A_194 : memref<10240x64xf32, #tpu.memory_space<vmem_shared>>) offsets(%dma_start3A_191 : memref<128xi32, #tpu.memory_space<vmem>>) semaphore(%run_scoped3A_188 : memref<!tpu.dma_semaphore, #tpu.memory_space<semaphore_mem>>) {add = true}
        %dma_wait3A_195 = arith.constant 0 : i32
        %dma_wait3A_196 = tpu.memref_slice %arg9[%run_scoped3A_119, %dma_wait3A_195] : memref<8x128xi32, #tpu.memory_space<vmem>> -> memref<1x128xi32, #tpu.memory_space<vmem>>
        %dma_wait3A_197 = tpu.memref_squeeze %dma_wait3A_196 : memref<1x128xi32, #tpu.memory_space<vmem>> -> memref<128xi32, #tpu.memory_space<vmem>>
        %dma_wait3A_198 = arith.constant 0 : i32
        %dma_wait3A_199 = arith.constant 0 : i32
        %dma_wait3A_200 = tpu.memref_slice %arg12[%dma_wait3A_198, %dma_wait3A_199] : memref<10240x64xf32, #tpu.memory_space<vmem_shared>> -> memref<10240x64xf32, #tpu.memory_space<vmem_shared>>
        tpu.wait_indirect_dma semaphore(%run_scoped3A_188 : memref<!tpu.dma_semaphore, #tpu.memory_space<semaphore_mem>>) src(%arg10 : memref<128x64xf32, #tpu.memory_space<vmem>>) dst(%dma_wait3A_200 : memref<10240x64xf32, #tpu.memory_space<vmem_shared>>)
        tpu.yield
      }) : () -> ()
      %dma_start3A_120 = arith.constant 4 : i32
      %dma_start3A_121 = arith.constant 0 : i32
      %dma_start3A_122 = tpu.memref_slice %arg8[%dma_start3A_120, %dma_start3A_121] : memref<8x128xi32, #tpu.memory_space<vmem>> -> memref<1x128xi32, #tpu.memory_space<vmem>>
      %dma_start3A_123 = tpu.memref_squeeze %dma_start3A_122 : memref<1x128xi32, #tpu.memory_space<vmem>> -> memref<128xi32, #tpu.memory_space<vmem>>
      %dma_start3A_124 = arith.constant 0 : i32
      %dma_start3A_125 = arith.constant 0 : i32
      %dma_start3A_126 = tpu.memref_slice %arg13[%dma_start3A_124, %dma_start3A_125] : memref<10240x64xf32, #tpu.memory_space<vmem_shared>> -> memref<10240x64xf32, #tpu.memory_space<vmem_shared>>
      tpu.enqueue_indirect_dma source(%dma_start3A_126 : memref<10240x64xf32, #tpu.memory_space<vmem_shared>>) target(%arg10 : memref<128x64xf32, #tpu.memory_space<vmem>>) offsets(%dma_start3A_123 : memref<128xi32, #tpu.memory_space<vmem>>) semaphore(%arg14 : memref<!tpu.dma_semaphore, #tpu.memory_space<semaphore_mem>>)
      %dma_wait3A_127 = arith.constant 3 : i32
      %dma_wait3A_128 = arith.constant 0 : i32
      %dma_wait3A_129 = tpu.memref_slice %arg8[%dma_wait3A_127, %dma_wait3A_128] : memref<8x128xi32, #tpu.memory_space<vmem>> -> memref<1x128xi32, #tpu.memory_space<vmem>>
      %dma_wait3A_130 = tpu.memref_squeeze %dma_wait3A_129 : memref<1x128xi32, #tpu.memory_space<vmem>> -> memref<128xi32, #tpu.memory_space<vmem>>
      %dma_wait3A_131 = arith.constant 0 : i32
      %dma_wait3A_132 = arith.constant 0 : i32
      %dma_wait3A_133 = tpu.memref_slice %arg13[%dma_wait3A_131, %dma_wait3A_132] : memref<10240x64xf32, #tpu.memory_space<vmem_shared>> -> memref<10240x64xf32, #tpu.memory_space<vmem_shared>>
      tpu.wait_indirect_dma semaphore(%arg15 : memref<!tpu.dma_semaphore, #tpu.memory_space<semaphore_mem>>) src(%dma_wait3A_133 : memref<10240x64xf32, #tpu.memory_space<vmem_shared>>) dst(%arg11 : memref<128x64xf32, #tpu.memory_space<vmem>>)
      %run_scoped3A_134 = arith.constant 3 : i32
      "tpu.region"() ({
        %run_scoped3A_188 = tpu.sem_alloc : memref<!tpu.dma_semaphore, #tpu.memory_space<semaphore_mem>>
        %dma_start3A_189 = arith.constant 0 : i32
        %dma_start3A_190 = tpu.memref_slice %arg9[%run_scoped3A_134, %dma_start3A_189] : memref<8x128xi32, #tpu.memory_space<vmem>> -> memref<1x128xi32, #tpu.memory_space<vmem>>
        %dma_start3A_191 = tpu.memref_squeeze %dma_start3A_190 : memref<1x128xi32, #tpu.memory_space<vmem>> -> memref<128xi32, #tpu.memory_space<vmem>>
        %dma_start3A_192 = arith.constant 0 : i32
        %dma_start3A_193 = arith.constant 0 : i32
        %dma_start3A_194 = tpu.memref_slice %arg12[%dma_start3A_192, %dma_start3A_193] : memref<10240x64xf32, #tpu.memory_space<vmem_shared>> -> memref<10240x64xf32, #tpu.memory_space<vmem_shared>>
        tpu.enqueue_indirect_dma source(%arg11 : memref<128x64xf32, #tpu.memory_space<vmem>>) target(%dma_start3A_194 : memref<10240x64xf32, #tpu.memory_space<vmem_shared>>) offsets(%dma_start3A_191 : memref<128xi32, #tpu.memory_space<vmem>>) semaphore(%run_scoped3A_188 : memref<!tpu.dma_semaphore, #tpu.memory_space<semaphore_mem>>) {add = true}
        %dma_wait3A_195 = arith.constant 0 : i32
        %dma_wait3A_196 = tpu.memref_slice %arg9[%run_scoped3A_134, %dma_wait3A_195] : memref<8x128xi32, #tpu.memory_space<vmem>> -> memref<1x128xi32, #tpu.memory_space<vmem>>
        %dma_wait3A_197 = tpu.memref_squeeze %dma_wait3A_196 : memref<1x128xi32, #tpu.memory_space<vmem>> -> memref<128xi32, #tpu.memory_space<vmem>>
        %dma_wait3A_198 = arith.constant 0 : i32
        %dma_wait3A_199 = arith.constant 0 : i32
        %dma_wait3A_200 = tpu.memref_slice %arg12[%dma_wait3A_198, %dma_wait3A_199] : memref<10240x64xf32, #tpu.memory_space<vmem_shared>> -> memref<10240x64xf32, #tpu.memory_space<vmem_shared>>
        tpu.wait_indirect_dma semaphore(%run_scoped3A_188 : memref<!tpu.dma_semaphore, #tpu.memory_space<semaphore_mem>>) src(%arg11 : memref<128x64xf32, #tpu.memory_space<vmem>>) dst(%dma_wait3A_200 : memref<10240x64xf32, #tpu.memory_space<vmem_shared>>)
        tpu.yield
      }) : () -> ()
      %dma_start3A_135 = arith.constant 5 : i32
      %dma_start3A_136 = arith.constant 0 : i32
      %dma_start3A_137 = tpu.memref_slice %arg8[%dma_start3A_135, %dma_start3A_136] : memref<8x128xi32, #tpu.memory_space<vmem>> -> memref<1x128xi32, #tpu.memory_space<vmem>>
      %dma_start3A_138 = tpu.memref_squeeze %dma_start3A_137 : memref<1x128xi32, #tpu.memory_space<vmem>> -> memref<128xi32, #tpu.memory_space<vmem>>
      %dma_start3A_139 = arith.constant 0 : i32
      %dma_start3A_140 = arith.constant 0 : i32
      %dma_start3A_141 = tpu.memref_slice %arg13[%dma_start3A_139, %dma_start3A_140] : memref<10240x64xf32, #tpu.memory_space<vmem_shared>> -> memref<10240x64xf32, #tpu.memory_space<vmem_shared>>
      tpu.enqueue_indirect_dma source(%dma_start3A_141 : memref<10240x64xf32, #tpu.memory_space<vmem_shared>>) target(%arg11 : memref<128x64xf32, #tpu.memory_space<vmem>>) offsets(%dma_start3A_138 : memref<128xi32, #tpu.memory_space<vmem>>) semaphore(%arg15 : memref<!tpu.dma_semaphore, #tpu.memory_space<semaphore_mem>>)
      %dma_wait3A_142 = arith.constant 4 : i32
      %dma_wait3A_143 = arith.constant 0 : i32
      %dma_wait3A_144 = tpu.memref_slice %arg8[%dma_wait3A_142, %dma_wait3A_143] : memref<8x128xi32, #tpu.memory_space<vmem>> -> memref<1x128xi32, #tpu.memory_space<vmem>>
      %dma_wait3A_145 = tpu.memref_squeeze %dma_wait3A_144 : memref<1x128xi32, #tpu.memory_space<vmem>> -> memref<128xi32, #tpu.memory_space<vmem>>
      %dma_wait3A_146 = arith.constant 0 : i32
      %dma_wait3A_147 = arith.constant 0 : i32
      %dma_wait3A_148 = tpu.memref_slice %arg13[%dma_wait3A_146, %dma_wait3A_147] : memref<10240x64xf32, #tpu.memory_space<vmem_shared>> -> memref<10240x64xf32, #tpu.memory_space<vmem_shared>>
      tpu.wait_indirect_dma semaphore(%arg14 : memref<!tpu.dma_semaphore, #tpu.memory_space<semaphore_mem>>) src(%dma_wait3A_148 : memref<10240x64xf32, #tpu.memory_space<vmem_shared>>) dst(%arg10 : memref<128x64xf32, #tpu.memory_space<vmem>>)
      %run_scoped3A_149 = arith.constant 4 : i32
      "tpu.region"() ({
        %run_scoped3A_188 = tpu.sem_alloc : memref<!tpu.dma_semaphore, #tpu.memory_space<semaphore_mem>>
        %dma_start3A_189 = arith.constant 0 : i32
        %dma_start3A_190 = tpu.memref_slice %arg9[%run_scoped3A_149, %dma_start3A_189] : memref<8x128xi32, #tpu.memory_space<vmem>> -> memref<1x128xi32, #tpu.memory_space<vmem>>
        %dma_start3A_191 = tpu.memref_squeeze %dma_start3A_190 : memref<1x128xi32, #tpu.memory_space<vmem>> -> memref<128xi32, #tpu.memory_space<vmem>>
        %dma_start3A_192 = arith.constant 0 : i32
        %dma_start3A_193 = arith.constant 0 : i32
        %dma_start3A_194 = tpu.memref_slice %arg12[%dma_start3A_192, %dma_start3A_193] : memref<10240x64xf32, #tpu.memory_space<vmem_shared>> -> memref<10240x64xf32, #tpu.memory_space<vmem_shared>>
        tpu.enqueue_indirect_dma source(%arg10 : memref<128x64xf32, #tpu.memory_space<vmem>>) target(%dma_start3A_194 : memref<10240x64xf32, #tpu.memory_space<vmem_shared>>) offsets(%dma_start3A_191 : memref<128xi32, #tpu.memory_space<vmem>>) semaphore(%run_scoped3A_188 : memref<!tpu.dma_semaphore, #tpu.memory_space<semaphore_mem>>) {add = true}
        %dma_wait3A_195 = arith.constant 0 : i32
        %dma_wait3A_196 = tpu.memref_slice %arg9[%run_scoped3A_149, %dma_wait3A_195] : memref<8x128xi32, #tpu.memory_space<vmem>> -> memref<1x128xi32, #tpu.memory_space<vmem>>
        %dma_wait3A_197 = tpu.memref_squeeze %dma_wait3A_196 : memref<1x128xi32, #tpu.memory_space<vmem>> -> memref<128xi32, #tpu.memory_space<vmem>>
        %dma_wait3A_198 = arith.constant 0 : i32
        %dma_wait3A_199 = arith.constant 0 : i32
        %dma_wait3A_200 = tpu.memref_slice %arg12[%dma_wait3A_198, %dma_wait3A_199] : memref<10240x64xf32, #tpu.memory_space<vmem_shared>> -> memref<10240x64xf32, #tpu.memory_space<vmem_shared>>
        tpu.wait_indirect_dma semaphore(%run_scoped3A_188 : memref<!tpu.dma_semaphore, #tpu.memory_space<semaphore_mem>>) src(%arg10 : memref<128x64xf32, #tpu.memory_space<vmem>>) dst(%dma_wait3A_200 : memref<10240x64xf32, #tpu.memory_space<vmem_shared>>)
        tpu.yield
      }) : () -> ()
      %dma_start3A_150 = arith.constant 6 : i32
      %dma_start3A_151 = arith.constant 0 : i32
      %dma_start3A_152 = tpu.memref_slice %arg8[%dma_start3A_150, %dma_start3A_151] : memref<8x128xi32, #tpu.memory_space<vmem>> -> memref<1x128xi32, #tpu.memory_space<vmem>>
      %dma_start3A_153 = tpu.memref_squeeze %dma_start3A_152 : memref<1x128xi32, #tpu.memory_space<vmem>> -> memref<128xi32, #tpu.memory_space<vmem>>
      %dma_start3A_154 = arith.constant 0 : i32
      %dma_start3A_155 = arith.constant 0 : i32
      %dma_start3A_156 = tpu.memref_slice %arg13[%dma_start3A_154, %dma_start3A_155] : memref<10240x64xf32, #tpu.memory_space<vmem_shared>> -> memref<10240x64xf32, #tpu.memory_space<vmem_shared>>
      tpu.enqueue_indirect_dma source(%dma_start3A_156 : memref<10240x64xf32, #tpu.memory_space<vmem_shared>>) target(%arg10 : memref<128x64xf32, #tpu.memory_space<vmem>>) offsets(%dma_start3A_153 : memref<128xi32, #tpu.memory_space<vmem>>) semaphore(%arg14 : memref<!tpu.dma_semaphore, #tpu.memory_space<semaphore_mem>>)
      %dma_wait3A_157 = arith.constant 5 : i32
      %dma_wait3A_158 = arith.constant 0 : i32
      %dma_wait3A_159 = tpu.memref_slice %arg8[%dma_wait3A_157, %dma_wait3A_158] : memref<8x128xi32, #tpu.memory_space<vmem>> -> memref<1x128xi32, #tpu.memory_space<vmem>>
      %dma_wait3A_160 = tpu.memref_squeeze %dma_wait3A_159 : memref<1x128xi32, #tpu.memory_space<vmem>> -> memref<128xi32, #tpu.memory_space<vmem>>
      %dma_wait3A_161 = arith.constant 0 : i32
      %dma_wait3A_162 = arith.constant 0 : i32
      %dma_wait3A_163 = tpu.memref_slice %arg13[%dma_wait3A_161, %dma_wait3A_162] : memref<10240x64xf32, #tpu.memory_space<vmem_shared>> -> memref<10240x64xf32, #tpu.memory_space<vmem_shared>>
      tpu.wait_indirect_dma semaphore(%arg15 : memref<!tpu.dma_semaphore, #tpu.memory_space<semaphore_mem>>) src(%dma_wait3A_163 : memref<10240x64xf32, #tpu.memory_space<vmem_shared>>) dst(%arg11 : memref<128x64xf32, #tpu.memory_space<vmem>>)
      %run_scoped3A_164 = arith.constant 5 : i32
      "tpu.region"() ({
        %run_scoped3A_188 = tpu.sem_alloc : memref<!tpu.dma_semaphore, #tpu.memory_space<semaphore_mem>>
        %dma_start3A_189 = arith.constant 0 : i32
        %dma_start3A_190 = tpu.memref_slice %arg9[%run_scoped3A_164, %dma_start3A_189] : memref<8x128xi32, #tpu.memory_space<vmem>> -> memref<1x128xi32, #tpu.memory_space<vmem>>
        %dma_start3A_191 = tpu.memref_squeeze %dma_start3A_190 : memref<1x128xi32, #tpu.memory_space<vmem>> -> memref<128xi32, #tpu.memory_space<vmem>>
        %dma_start3A_192 = arith.constant 0 : i32
        %dma_start3A_193 = arith.constant 0 : i32
        %dma_start3A_194 = tpu.memref_slice %arg12[%dma_start3A_192, %dma_start3A_193] : memref<10240x64xf32, #tpu.memory_space<vmem_shared>> -> memref<10240x64xf32, #tpu.memory_space<vmem_shared>>
        tpu.enqueue_indirect_dma source(%arg11 : memref<128x64xf32, #tpu.memory_space<vmem>>) target(%dma_start3A_194 : memref<10240x64xf32, #tpu.memory_space<vmem_shared>>) offsets(%dma_start3A_191 : memref<128xi32, #tpu.memory_space<vmem>>) semaphore(%run_scoped3A_188 : memref<!tpu.dma_semaphore, #tpu.memory_space<semaphore_mem>>) {add = true}
        %dma_wait3A_195 = arith.constant 0 : i32
        %dma_wait3A_196 = tpu.memref_slice %arg9[%run_scoped3A_164, %dma_wait3A_195] : memref<8x128xi32, #tpu.memory_space<vmem>> -> memref<1x128xi32, #tpu.memory_space<vmem>>
        %dma_wait3A_197 = tpu.memref_squeeze %dma_wait3A_196 : memref<1x128xi32, #tpu.memory_space<vmem>> -> memref<128xi32, #tpu.memory_space<vmem>>
        %dma_wait3A_198 = arith.constant 0 : i32
        %dma_wait3A_199 = arith.constant 0 : i32
        %dma_wait3A_200 = tpu.memref_slice %arg12[%dma_wait3A_198, %dma_wait3A_199] : memref<10240x64xf32, #tpu.memory_space<vmem_shared>> -> memref<10240x64xf32, #tpu.memory_space<vmem_shared>>
        tpu.wait_indirect_dma semaphore(%run_scoped3A_188 : memref<!tpu.dma_semaphore, #tpu.memory_space<semaphore_mem>>) src(%arg11 : memref<128x64xf32, #tpu.memory_space<vmem>>) dst(%dma_wait3A_200 : memref<10240x64xf32, #tpu.memory_space<vmem_shared>>)
        tpu.yield
      }) : () -> ()
      %dma_start3A_165 = arith.constant 7 : i32
      %dma_start3A_166 = arith.constant 0 : i32
      %dma_start3A_167 = tpu.memref_slice %arg8[%dma_start3A_165, %dma_start3A_166] : memref<8x128xi32, #tpu.memory_space<vmem>> -> memref<1x128xi32, #tpu.memory_space<vmem>>
      %dma_start3A_168 = tpu.memref_squeeze %dma_start3A_167 : memref<1x128xi32, #tpu.memory_space<vmem>> -> memref<128xi32, #tpu.memory_space<vmem>>
      %dma_start3A_169 = arith.constant 0 : i32
      %dma_start3A_170 = arith.constant 0 : i32
      %dma_start3A_171 = tpu.memref_slice %arg13[%dma_start3A_169, %dma_start3A_170] : memref<10240x64xf32, #tpu.memory_space<vmem_shared>> -> memref<10240x64xf32, #tpu.memory_space<vmem_shared>>
      tpu.enqueue_indirect_dma source(%dma_start3A_171 : memref<10240x64xf32, #tpu.memory_space<vmem_shared>>) target(%arg11 : memref<128x64xf32, #tpu.memory_space<vmem>>) offsets(%dma_start3A_168 : memref<128xi32, #tpu.memory_space<vmem>>) semaphore(%arg15 : memref<!tpu.dma_semaphore, #tpu.memory_space<semaphore_mem>>)
      %dma_wait3A_172 = arith.constant 6 : i32
      %dma_wait3A_173 = arith.constant 0 : i32
      %dma_wait3A_174 = tpu.memref_slice %arg8[%dma_wait3A_172, %dma_wait3A_173] : memref<8x128xi32, #tpu.memory_space<vmem>> -> memref<1x128xi32, #tpu.memory_space<vmem>>
      %dma_wait3A_175 = tpu.memref_squeeze %dma_wait3A_174 : memref<1x128xi32, #tpu.memory_space<vmem>> -> memref<128xi32, #tpu.memory_space<vmem>>
      %dma_wait3A_176 = arith.constant 0 : i32
      %dma_wait3A_177 = arith.constant 0 : i32
      %dma_wait3A_178 = tpu.memref_slice %arg13[%dma_wait3A_176, %dma_wait3A_177] : memref<10240x64xf32, #tpu.memory_space<vmem_shared>> -> memref<10240x64xf32, #tpu.memory_space<vmem_shared>>
      tpu.wait_indirect_dma semaphore(%arg14 : memref<!tpu.dma_semaphore, #tpu.memory_space<semaphore_mem>>) src(%dma_wait3A_178 : memref<10240x64xf32, #tpu.memory_space<vmem_shared>>) dst(%arg10 : memref<128x64xf32, #tpu.memory_space<vmem>>)
      %run_scoped3A_179 = arith.constant 6 : i32
      "tpu.region"() ({
        %run_scoped3A_188 = tpu.sem_alloc : memref<!tpu.dma_semaphore, #tpu.memory_space<semaphore_mem>>
        %dma_start3A_189 = arith.constant 0 : i32
        %dma_start3A_190 = tpu.memref_slice %arg9[%run_scoped3A_179, %dma_start3A_189] : memref<8x128xi32, #tpu.memory_space<vmem>> -> memref<1x128xi32, #tpu.memory_space<vmem>>
        %dma_start3A_191 = tpu.memref_squeeze %dma_start3A_190 : memref<1x128xi32, #tpu.memory_space<vmem>> -> memref<128xi32, #tpu.memory_space<vmem>>
        %dma_start3A_192 = arith.constant 0 : i32
        %dma_start3A_193 = arith.constant 0 : i32
        %dma_start3A_194 = tpu.memref_slice %arg12[%dma_start3A_192, %dma_start3A_193] : memref<10240x64xf32, #tpu.memory_space<vmem_shared>> -> memref<10240x64xf32, #tpu.memory_space<vmem_shared>>
        tpu.enqueue_indirect_dma source(%arg10 : memref<128x64xf32, #tpu.memory_space<vmem>>) target(%dma_start3A_194 : memref<10240x64xf32, #tpu.memory_space<vmem_shared>>) offsets(%dma_start3A_191 : memref<128xi32, #tpu.memory_space<vmem>>) semaphore(%run_scoped3A_188 : memref<!tpu.dma_semaphore, #tpu.memory_space<semaphore_mem>>) {add = true}
        %dma_wait3A_195 = arith.constant 0 : i32
        %dma_wait3A_196 = tpu.memref_slice %arg9[%run_scoped3A_179, %dma_wait3A_195] : memref<8x128xi32, #tpu.memory_space<vmem>> -> memref<1x128xi32, #tpu.memory_space<vmem>>
        %dma_wait3A_197 = tpu.memref_squeeze %dma_wait3A_196 : memref<1x128xi32, #tpu.memory_space<vmem>> -> memref<128xi32, #tpu.memory_space<vmem>>
        %dma_wait3A_198 = arith.constant 0 : i32
        %dma_wait3A_199 = arith.constant 0 : i32
        %dma_wait3A_200 = tpu.memref_slice %arg12[%dma_wait3A_198, %dma_wait3A_199] : memref<10240x64xf32, #tpu.memory_space<vmem_shared>> -> memref<10240x64xf32, #tpu.memory_space<vmem_shared>>
        tpu.wait_indirect_dma semaphore(%run_scoped3A_188 : memref<!tpu.dma_semaphore, #tpu.memory_space<semaphore_mem>>) src(%arg10 : memref<128x64xf32, #tpu.memory_space<vmem>>) dst(%dma_wait3A_200 : memref<10240x64xf32, #tpu.memory_space<vmem_shared>>)
        tpu.yield
      }) : () -> ()
      %dma_wait3A_180 = arith.constant 7 : i32
      %dma_wait3A_181 = arith.constant 0 : i32
      %dma_wait3A_182 = tpu.memref_slice %arg8[%dma_wait3A_180, %dma_wait3A_181] : memref<8x128xi32, #tpu.memory_space<vmem>> -> memref<1x128xi32, #tpu.memory_space<vmem>>
      %dma_wait3A_183 = tpu.memref_squeeze %dma_wait3A_182 : memref<1x128xi32, #tpu.memory_space<vmem>> -> memref<128xi32, #tpu.memory_space<vmem>>
      %dma_wait3A_184 = arith.constant 0 : i32
      %dma_wait3A_185 = arith.constant 0 : i32
      %dma_wait3A_186 = tpu.memref_slice %arg13[%dma_wait3A_184, %dma_wait3A_185] : memref<10240x64xf32, #tpu.memory_space<vmem_shared>> -> memref<10240x64xf32, #tpu.memory_space<vmem_shared>>
      tpu.wait_indirect_dma semaphore(%arg15 : memref<!tpu.dma_semaphore, #tpu.memory_space<semaphore_mem>>) src(%dma_wait3A_186 : memref<10240x64xf32, #tpu.memory_space<vmem_shared>>) dst(%arg11 : memref<128x64xf32, #tpu.memory_space<vmem>>)
      %run_scoped3A_187 = arith.constant 7 : i32
      "tpu.region"() ({
        %run_scoped3A_188 = tpu.sem_alloc : memref<!tpu.dma_semaphore, #tpu.memory_space<semaphore_mem>>
        %dma_start3A_189 = arith.constant 0 : i32
        %dma_start3A_190 = tpu.memref_slice %arg9[%run_scoped3A_187, %dma_start3A_189] : memref<8x128xi32, #tpu.memory_space<vmem>> -> memref<1x128xi32, #tpu.memory_space<vmem>>
        %dma_start3A_191 = tpu.memref_squeeze %dma_start3A_190 : memref<1x128xi32, #tpu.memory_space<vmem>> -> memref<128xi32, #tpu.memory_space<vmem>>
        %dma_start3A_192 = arith.constant 0 : i32
        %dma_start3A_193 = arith.constant 0 : i32
        %dma_start3A_194 = tpu.memref_slice %arg12[%dma_start3A_192, %dma_start3A_193] : memref<10240x64xf32, #tpu.memory_space<vmem_shared>> -> memref<10240x64xf32, #tpu.memory_space<vmem_shared>>
        tpu.enqueue_indirect_dma source(%arg11 : memref<128x64xf32, #tpu.memory_space<vmem>>) target(%dma_start3A_194 : memref<10240x64xf32, #tpu.memory_space<vmem_shared>>) offsets(%dma_start3A_191 : memref<128xi32, #tpu.memory_space<vmem>>) semaphore(%run_scoped3A_188 : memref<!tpu.dma_semaphore, #tpu.memory_space<semaphore_mem>>) {add = true}
        %dma_wait3A_195 = arith.constant 0 : i32
        %dma_wait3A_196 = tpu.memref_slice %arg9[%run_scoped3A_187, %dma_wait3A_195] : memref<8x128xi32, #tpu.memory_space<vmem>> -> memref<1x128xi32, #tpu.memory_space<vmem>>
        %dma_wait3A_197 = tpu.memref_squeeze %dma_wait3A_196 : memref<1x128xi32, #tpu.memory_space<vmem>> -> memref<128xi32, #tpu.memory_space<vmem>>
        %dma_wait3A_198 = arith.constant 0 : i32
        %dma_wait3A_199 = arith.constant 0 : i32
        %dma_wait3A_200 = tpu.memref_slice %arg12[%dma_wait3A_198, %dma_wait3A_199] : memref<10240x64xf32, #tpu.memory_space<vmem_shared>> -> memref<10240x64xf32, #tpu.memory_space<vmem_shared>>
        tpu.wait_indirect_dma semaphore(%run_scoped3A_188 : memref<!tpu.dma_semaphore, #tpu.memory_space<semaphore_mem>>) src(%arg11 : memref<128x64xf32, #tpu.memory_space<vmem>>) dst(%dma_wait3A_200 : memref<10240x64xf32, #tpu.memory_space<vmem_shared>>)
        tpu.yield
      }) : () -> ()
    }
    %scan3A_24 = arith.constant 10 : i32
    %barrier3A_25 = arith.constant 0 : index
    tpu.barrier barrier_id(%barrier3A_25)
    %mul3A_26 = arith.constant 640 : i32
    %mul3A_27 = arith.muli %arg1, %mul3A_26 : i32
    %mul3A_28 = arith.constant 640 : i32
    %mul3A_29 = arith.muli %arg1, %mul3A_28 : i32
    "tpu.region"() ({
      %run_scoped3A = tpu.sem_alloc : memref<!tpu.dma_semaphore, #tpu.memory_space<semaphore_mem>>
      %dma_start3A = arith.constant 0 : i32
      %dma_start3A_67 = tpu.memref_slice %arg6[%arg0, %mul3A_29, %dma_start3A] : memref<2x10240x64xf32, #tpu.memory_space<hbm>> -> memref<1x640x64xf32, #tpu.memory_space<hbm>>
      %dma_start3A_68 = tpu.memref_squeeze %dma_start3A_67 : memref<1x640x64xf32, #tpu.memory_space<hbm>> -> memref<640x64xf32, #tpu.memory_space<hbm>>
      %dma_start3A_69 = arith.constant 0 : i32
      %dma_start3A_70 = tpu.memref_slice %arg12[%mul3A_27, %dma_start3A_69] : memref<10240x64xf32, #tpu.memory_space<vmem_shared>> -> memref<640x64xf32, #tpu.memory_space<vmem_shared>>
      tpu.enqueue_dma source(%dma_start3A_70 : memref<640x64xf32, #tpu.memory_space<vmem_shared>>) target(%dma_start3A_68 : memref<640x64xf32, #tpu.memory_space<hbm>>) target_semaphore(%run_scoped3A : memref<!tpu.dma_semaphore, #tpu.memory_space<semaphore_mem>>)
      %dma_wait3A = arith.constant 0 : i32
      %dma_wait3A_71 = tpu.memref_slice %arg6[%arg0, %mul3A_29, %dma_wait3A] : memref<2x10240x64xf32, #tpu.memory_space<hbm>> -> memref<1x640x64xf32, #tpu.memory_space<hbm>>
      %dma_wait3A_72 = tpu.memref_squeeze %dma_wait3A_71 : memref<1x640x64xf32, #tpu.memory_space<hbm>> -> memref<640x64xf32, #tpu.memory_space<hbm>>
      %dma_wait3A_73 = arith.constant 0 : i32
      %dma_wait3A_74 = tpu.memref_slice %arg12[%mul3A_27, %dma_wait3A_73] : memref<10240x64xf32, #tpu.memory_space<vmem_shared>> -> memref<640x64xf32, #tpu.memory_space<vmem_shared>>
      tpu.wait_dma2 semaphore(%run_scoped3A : memref<!tpu.dma_semaphore, #tpu.memory_space<semaphore_mem>>) src(%dma_wait3A_74 : memref<640x64xf32, #tpu.memory_space<vmem_shared>>) dst(%dma_wait3A_72 : memref<640x64xf32, #tpu.memory_space<hbm>>)
      tpu.yield
    }) : () -> ()
    %barrier3A_30 = arith.constant 0 : index
    tpu.barrier barrier_id(%barrier3A_30)
    %broadcast_in_dim3A_31 = arith.constant 0.000000e+00 : f32
    %broadcast_in_dim3A_32 = vector.broadcast %broadcast_in_dim3A_31 : f32 to vector<16xf32>
    %mul3A_33 = arith.constant 640 : i32
    %mul3A_34 = arith.muli %arg1, %mul3A_33 : i32
    %mul3A_35 = arith.constant 640 : i32
    %mul3A_36 = arith.muli %arg1, %mul3A_35 : i32
    "tpu.region"() ({
      %run_scoped3A = tpu.sem_alloc : memref<!tpu.dma_semaphore, #tpu.memory_space<semaphore_mem>>
      %dma_start3A = arith.constant 0 : i32
      %dma_start3A_67 = tpu.memref_slice %arg13[%mul3A_36, %dma_start3A] : memref<10240x64xf32, #tpu.memory_space<vmem_shared>> -> memref<640x64xf32, #tpu.memory_space<vmem_shared>>
      %dma_start3A_68 = arith.constant 0 : i32
      %dma_start3A_69 = tpu.memref_slice %arg3[%mul3A_34, %dma_start3A_68] : memref<10240x64xf32, #tpu.memory_space<hbm>> -> memref<640x64xf32, #tpu.memory_space<hbm>>
      tpu.enqueue_dma source(%dma_start3A_69 : memref<640x64xf32, #tpu.memory_space<hbm>>) target(%dma_start3A_67 : memref<640x64xf32, #tpu.memory_space<vmem_shared>>) target_semaphore(%run_scoped3A : memref<!tpu.dma_semaphore, #tpu.memory_space<semaphore_mem>>)
      %dma_wait3A = arith.constant 0 : i32
      %dma_wait3A_70 = tpu.memref_slice %arg13[%mul3A_36, %dma_wait3A] : memref<10240x64xf32, #tpu.memory_space<vmem_shared>> -> memref<640x64xf32, #tpu.memory_space<vmem_shared>>
      %dma_wait3A_71 = arith.constant 0 : i32
      %dma_wait3A_72 = tpu.memref_slice %arg3[%mul3A_34, %dma_wait3A_71] : memref<10240x64xf32, #tpu.memory_space<hbm>> -> memref<640x64xf32, #tpu.memory_space<hbm>>
      tpu.wait_dma2 semaphore(%run_scoped3A : memref<!tpu.dma_semaphore, #tpu.memory_space<semaphore_mem>>) src(%dma_wait3A_72 : memref<640x64xf32, #tpu.memory_space<hbm>>) dst(%dma_wait3A_70 : memref<640x64xf32, #tpu.memory_space<vmem_shared>>)
      tpu.yield
    }) : () -> ()
    %scan3A_37 = arith.constant 0 : i32
    %scan3A_38 = arith.constant 0 : i32
    %scan3A_39 = arith.constant 16 : i32
    %scan3A_40 = arith.addi %scan3A_38, %scan3A_39 : i32
    %scan3A_41 = arith.constant 1 : i32
    scf.for %scan3A_67 = %scan3A_38 to %scan3A_40 step %scan3A_41  : i32 {
      %swap3A = arith.index_cast %scan3A_67 : i32 to index
      %swap3A_68 = arith.constant 0 : index
      %swap3A_69 = tpu.vector_load %arg10[%swap3A, %swap3A_68] {strides = array<i32>} : memref<128x64xf32, #tpu.memory_space<vmem>>, vector<16xf32>,
      tpu.vector_store %arg10[%swap3A, %swap3A_68], %broadcast_in_dim3A_32 {strides = array<i32>} : memref<128x64xf32, #tpu.memory_space<vmem>>, vector<16xf32>,
      %swap3A_70 = arith.index_cast %scan3A_67 : i32 to index
      %swap3A_71 = arith.constant 16 : index
      %swap3A_72 = tpu.vector_load %arg10[%swap3A_70, %swap3A_71] {strides = array<i32>} : memref<128x64xf32, #tpu.memory_space<vmem>>, vector<16xf32>,
      tpu.vector_store %arg10[%swap3A_70, %swap3A_71], %broadcast_in_dim3A_32 {strides = array<i32>} : memref<128x64xf32, #tpu.memory_space<vmem>>, vector<16xf32>,
      %swap3A_73 = arith.index_cast %scan3A_67 : i32 to index
      %swap3A_74 = arith.constant 32 : index
      %swap3A_75 = tpu.vector_load %arg10[%swap3A_73, %swap3A_74] {strides = array<i32>} : memref<128x64xf32, #tpu.memory_space<vmem>>, vector<16xf32>,
      tpu.vector_store %arg10[%swap3A_73, %swap3A_74], %broadcast_in_dim3A_32 {strides = array<i32>} : memref<128x64xf32, #tpu.memory_space<vmem>>, vector<16xf32>,
      %swap3A_76 = arith.index_cast %scan3A_67 : i32 to index
      %swap3A_77 = arith.constant 48 : index
      %swap3A_78 = tpu.vector_load %arg10[%swap3A_76, %swap3A_77] {strides = array<i32>} : memref<128x64xf32, #tpu.memory_space<vmem>>, vector<16xf32>,
      tpu.vector_store %arg10[%swap3A_76, %swap3A_77], %broadcast_in_dim3A_32 {strides = array<i32>} : memref<128x64xf32, #tpu.memory_space<vmem>>, vector<16xf32>,
    }
    %scan3A_42 = arith.constant 16 : i32
    %scan3A_43 = arith.constant 0 : i32
    %scan3A_44 = arith.constant 0 : i32
    %scan3A_45 = arith.constant 40 : i32
    %scan3A_46 = arith.addi %scan3A_44, %scan3A_45 : i32
    %scan3A_47 = arith.constant 1 : i32
    scf.for %scan3A_67 = %scan3A_44 to %scan3A_46 step %scan3A_47  : i32 {
      %mul3A_68 = arith.constant 640 : i32
      %mul3A_69 = arith.muli %arg1, %mul3A_68 : i32
      %mul3A_70 = arith.constant 16 : i32
      %mul3A_71 = arith.muli %scan3A_67, %mul3A_70 : i32
      %add3A_72 = arith.addi %mul3A_69, %mul3A_71 : i32
      "tpu.region"() ({
        %run_scoped3A = tpu.sem_alloc : memref<!tpu.dma_semaphore, #tpu.memory_space<semaphore_mem>>
        %dma_start3A = arith.constant 0 : i32
        %dma_start3A_73 = arith.constant 0 : i32
        %dma_start3A_74 = tpu.memref_slice %arg10[%dma_start3A, %dma_start3A_73] : memref<128x64xf32, #tpu.memory_space<vmem>> -> memref<16x64xf32, #tpu.memory_space<vmem>>
        %dma_start3A_75 = arith.constant 0 : i32
        %dma_start3A_76 = tpu.memref_slice %arg12[%add3A_72, %dma_start3A_75] : memref<10240x64xf32, #tpu.memory_space<vmem_shared>> -> memref<16x64xf32, #tpu.memory_space<vmem_shared>>
        %dma_start3A_77 = arith.constant 0 : i32
        %dma_start3A_78 = tpu.memref_slice %arg12[%add3A_72, %dma_start3A_77] : memref<10240x64xf32, #tpu.memory_space<vmem_shared>> -> memref<16x64xf32, #tpu.memory_space<vmem_shared>>
        %dma_start3A_79 = arith.constant 0 : i32
        %dma_start3A_80 = arith.constant 0 : i32
        %dma_start3A_81 = tpu.memref_slice %arg10[%dma_start3A_79, %dma_start3A_80] : memref<128x64xf32, #tpu.memory_space<vmem>> -> memref<16x64xf32, #tpu.memory_space<vmem>>
        tpu.enqueue_dma source(%dma_start3A_81 : memref<16x64xf32, #tpu.memory_space<vmem>>) target(%dma_start3A_78 : memref<16x64xf32, #tpu.memory_space<vmem_shared>>) target_semaphore(%run_scoped3A : memref<!tpu.dma_semaphore, #tpu.memory_space<semaphore_mem>>)
        %dma_wait3A = arith.constant 0 : i32
        %dma_wait3A_82 = arith.constant 0 : i32
        %dma_wait3A_83 = tpu.memref_slice %arg10[%dma_wait3A, %dma_wait3A_82] : memref<128x64xf32, #tpu.memory_space<vmem>> -> memref<16x64xf32, #tpu.memory_space<vmem>>
        %dma_wait3A_84 = arith.constant 0 : i32
        %dma_wait3A_85 = tpu.memref_slice %arg12[%add3A_72, %dma_wait3A_84] : memref<10240x64xf32, #tpu.memory_space<vmem_shared>> -> memref<16x64xf32, #tpu.memory_space<vmem_shared>>
        %dma_wait3A_86 = arith.constant 0 : i32
        %dma_wait3A_87 = tpu.memref_slice %arg12[%add3A_72, %dma_wait3A_86] : memref<10240x64xf32, #tpu.memory_space<vmem_shared>> -> memref<16x64xf32, #tpu.memory_space<vmem_shared>>
        %dma_wait3A_88 = arith.constant 0 : i32
        %dma_wait3A_89 = arith.constant 0 : i32
        %dma_wait3A_90 = tpu.memref_slice %arg10[%dma_wait3A_88, %dma_wait3A_89] : memref<128x64xf32, #tpu.memory_space<vmem>> -> memref<16x64xf32, #tpu.memory_space<vmem>>
        tpu.wait_dma2 semaphore(%run_scoped3A : memref<!tpu.dma_semaphore, #tpu.memory_space<semaphore_mem>>) src(%dma_wait3A_90 : memref<16x64xf32, #tpu.memory_space<vmem>>) dst(%dma_wait3A_87 : memref<16x64xf32, #tpu.memory_space<vmem_shared>>)
        tpu.yield
      }) : () -> ()
    }
    %scan3A_48 = arith.constant 40 : i32
    %barrier3A_49 = arith.constant 0 : index
    tpu.barrier barrier_id(%barrier3A_49)
    %mul3A_50 = arith.constant 2 : i32
    %mul3A_51 = arith.muli %arg1, %mul3A_50 : i32
    %add3A_52 = arith.addi %mul3A_51, %arg0 : i32
    %mul3A_53 = arith.constant 80 : i32
    %mul3A_54 = arith.muli %add3A_52, %mul3A_53 : i32
    %scan3A_55 = arith.constant 0 : i32
    %scan3A_56 = arith.constant 0 : i32
    %scan3A_57 = arith.constant 10 : i32
    %scan3A_58 = arith.addi %scan3A_56, %scan3A_57 : i32
    %scan3A_59 = arith.constant 1 : i32
    scf.for %scan3A_67 = %scan3A_56 to %scan3A_58 step %scan3A_59  : i32 {
      %mul3A_68 = arith.constant 8 : i32
      %mul3A_69 = arith.muli %scan3A_67, %mul3A_68 : i32
      %add3A_70 = arith.addi %mul3A_54, %mul3A_69 : i32
      "tpu.region"() ({
        %run_scoped3A_188 = tpu.sem_alloc : memref<!tpu.dma_semaphore, #tpu.memory_space<semaphore_mem>>
        %dma_start3A_189 = arith.constant 0 : i32
        %dma_start3A_190 = tpu.memref_slice %arg4[%add3A_70, %dma_start3A_189] : memref<2560x128xi32, #tpu.memory_space<hbm>> -> memref<8x128xi32, #tpu.memory_space<hbm>>
        %dma_start3A_191 = arith.constant 0 : i32
        %dma_start3A_192 = tpu.memref_slice %arg4[%add3A_70, %dma_start3A_191] : memref<2560x128xi32, #tpu.memory_space<hbm>> -> memref<8x128xi32, #tpu.memory_space<hbm>>
        tpu.enqueue_dma source(%dma_start3A_192 : memref<8x128xi32, #tpu.memory_space<hbm>>) target(%arg8 : memref<8x128xi32, #tpu.memory_space<vmem>>) target_semaphore(%run_scoped3A_188 : memref<!tpu.dma_semaphore, #tpu.memory_space<semaphore_mem>>)
        %dma_wait3A_193 = arith.constant 0 : i32
        %dma_wait3A_194 = tpu.memref_slice %arg4[%add3A_70, %dma_wait3A_193] : memref<2560x128xi32, #tpu.memory_space<hbm>> -> memref<8x128xi32, #tpu.memory_space<hbm>>
        %dma_wait3A_195 = arith.constant 0 : i32
        %dma_wait3A_196 = tpu.memref_slice %arg4[%add3A_70, %dma_wait3A_195] : memref<2560x128xi32, #tpu.memory_space<hbm>> -> memref<8x128xi32, #tpu.memory_space<hbm>>
        tpu.wait_dma2 semaphore(%run_scoped3A_188 : memref<!tpu.dma_semaphore, #tpu.memory_space<semaphore_mem>>) src(%dma_wait3A_196 : memref<8x128xi32, #tpu.memory_space<hbm>>) dst(%arg8 : memref<8x128xi32, #tpu.memory_space<vmem>>)
        tpu.yield
      }) : () -> ()
      "tpu.region"() ({
        %run_scoped3A_188 = tpu.sem_alloc : memref<!tpu.dma_semaphore, #tpu.memory_space<semaphore_mem>>
        %dma_start3A_189 = arith.constant 0 : i32
        %dma_start3A_190 = tpu.memref_slice %arg5[%add3A_70, %dma_start3A_189] : memref<2560x128xi32, #tpu.memory_space<hbm>> -> memref<8x128xi32, #tpu.memory_space<hbm>>
        %dma_start3A_191 = arith.constant 0 : i32
        %dma_start3A_192 = tpu.memref_slice %arg5[%add3A_70, %dma_start3A_191] : memref<2560x128xi32, #tpu.memory_space<hbm>> -> memref<8x128xi32, #tpu.memory_space<hbm>>
        tpu.enqueue_dma source(%dma_start3A_192 : memref<8x128xi32, #tpu.memory_space<hbm>>) target(%arg9 : memref<8x128xi32, #tpu.memory_space<vmem>>) target_semaphore(%run_scoped3A_188 : memref<!tpu.dma_semaphore, #tpu.memory_space<semaphore_mem>>)
        %dma_wait3A_193 = arith.constant 0 : i32
        %dma_wait3A_194 = tpu.memref_slice %arg5[%add3A_70, %dma_wait3A_193] : memref<2560x128xi32, #tpu.memory_space<hbm>> -> memref<8x128xi32, #tpu.memory_space<hbm>>
        %dma_wait3A_195 = arith.constant 0 : i32
        %dma_wait3A_196 = tpu.memref_slice %arg5[%add3A_70, %dma_wait3A_195] : memref<2560x128xi32, #tpu.memory_space<hbm>> -> memref<8x128xi32, #tpu.memory_space<hbm>>
        tpu.wait_dma2 semaphore(%run_scoped3A_188 : memref<!tpu.dma_semaphore, #tpu.memory_space<semaphore_mem>>) src(%dma_wait3A_196 : memref<8x128xi32, #tpu.memory_space<hbm>>) dst(%arg9 : memref<8x128xi32, #tpu.memory_space<vmem>>)
        tpu.yield
      }) : () -> ()
      %dma_start3A = arith.constant 0 : i32
      %dma_start3A_71 = arith.constant 0 : i32
      %dma_start3A_72 = tpu.memref_slice %arg8[%dma_start3A, %dma_start3A_71] : memref<8x128xi32, #tpu.memory_space<vmem>> -> memref<1x128xi32, #tpu.memory_space<vmem>>
      %dma_start3A_73 = tpu.memref_squeeze %dma_start3A_72 : memref<1x128xi32, #tpu.memory_space<vmem>> -> memref<128xi32, #tpu.memory_space<vmem>>
      %dma_start3A_74 = arith.constant 0 : i32
      %dma_start3A_75 = arith.constant 0 : i32
      %dma_start3A_76 = tpu.memref_slice %arg13[%dma_start3A_74, %dma_start3A_75] : memref<10240x64xf32, #tpu.memory_space<vmem_shared>> -> memref<10240x64xf32, #tpu.memory_space<vmem_shared>>
      tpu.enqueue_indirect_dma source(%dma_start3A_76 : memref<10240x64xf32, #tpu.memory_space<vmem_shared>>) target(%arg10 : memref<128x64xf32, #tpu.memory_space<vmem>>) offsets(%dma_start3A_73 : memref<128xi32, #tpu.memory_space<vmem>>) semaphore(%arg14 : memref<!tpu.dma_semaphore, #tpu.memory_space<semaphore_mem>>)
      %dma_start3A_77 = arith.constant 1 : i32
      %dma_start3A_78 = arith.constant 0 : i32
      %dma_start3A_79 = tpu.memref_slice %arg8[%dma_start3A_77, %dma_start3A_78] : memref<8x128xi32, #tpu.memory_space<vmem>> -> memref<1x128xi32, #tpu.memory_space<vmem>>
      %dma_start3A_80 = tpu.memref_squeeze %dma_start3A_79 : memref<1x128xi32, #tpu.memory_space<vmem>> -> memref<128xi32, #tpu.memory_space<vmem>>
      %dma_start3A_81 = arith.constant 0 : i32
      %dma_start3A_82 = arith.constant 0 : i32
      %dma_start3A_83 = tpu.memref_slice %arg13[%dma_start3A_81, %dma_start3A_82] : memref<10240x64xf32, #tpu.memory_space<vmem_shared>> -> memref<10240x64xf32, #tpu.memory_space<vmem_shared>>
      tpu.enqueue_indirect_dma source(%dma_start3A_83 : memref<10240x64xf32, #tpu.memory_space<vmem_shared>>) target(%arg11 : memref<128x64xf32, #tpu.memory_space<vmem>>) offsets(%dma_start3A_80 : memref<128xi32, #tpu.memory_space<vmem>>) semaphore(%arg15 : memref<!tpu.dma_semaphore, #tpu.memory_space<semaphore_mem>>)
      %dma_wait3A = arith.constant 0 : i32
      %dma_wait3A_84 = arith.constant 0 : i32
      %dma_wait3A_85 = tpu.memref_slice %arg8[%dma_wait3A, %dma_wait3A_84] : memref<8x128xi32, #tpu.memory_space<vmem>> -> memref<1x128xi32, #tpu.memory_space<vmem>>
      %dma_wait3A_86 = tpu.memref_squeeze %dma_wait3A_85 : memref<1x128xi32, #tpu.memory_space<vmem>> -> memref<128xi32, #tpu.memory_space<vmem>>
      %dma_wait3A_87 = arith.constant 0 : i32
      %dma_wait3A_88 = arith.constant 0 : i32
      %dma_wait3A_89 = tpu.memref_slice %arg13[%dma_wait3A_87, %dma_wait3A_88] : memref<10240x64xf32, #tpu.memory_space<vmem_shared>> -> memref<10240x64xf32, #tpu.memory_space<vmem_shared>>
      tpu.wait_indirect_dma semaphore(%arg14 : memref<!tpu.dma_semaphore, #tpu.memory_space<semaphore_mem>>) src(%dma_wait3A_89 : memref<10240x64xf32, #tpu.memory_space<vmem_shared>>) dst(%arg10 : memref<128x64xf32, #tpu.memory_space<vmem>>)
      %run_scoped3A = arith.constant 0 : i32
      "tpu.region"() ({
        %run_scoped3A_188 = tpu.sem_alloc : memref<!tpu.dma_semaphore, #tpu.memory_space<semaphore_mem>>
        %dma_start3A_189 = arith.constant 0 : i32
        %dma_start3A_190 = tpu.memref_slice %arg9[%run_scoped3A, %dma_start3A_189] : memref<8x128xi32, #tpu.memory_space<vmem>> -> memref<1x128xi32, #tpu.memory_space<vmem>>
        %dma_start3A_191 = tpu.memref_squeeze %dma_start3A_190 : memref<1x128xi32, #tpu.memory_space<vmem>> -> memref<128xi32, #tpu.memory_space<vmem>>
        %dma_start3A_192 = arith.constant 0 : i32
        %dma_start3A_193 = arith.constant 0 : i32
        %dma_start3A_194 = tpu.memref_slice %arg12[%dma_start3A_192, %dma_start3A_193] : memref<10240x64xf32, #tpu.memory_space<vmem_shared>> -> memref<10240x64xf32, #tpu.memory_space<vmem_shared>>
        tpu.enqueue_indirect_dma source(%arg10 : memref<128x64xf32, #tpu.memory_space<vmem>>) target(%dma_start3A_194 : memref<10240x64xf32, #tpu.memory_space<vmem_shared>>) offsets(%dma_start3A_191 : memref<128xi32, #tpu.memory_space<vmem>>) semaphore(%run_scoped3A_188 : memref<!tpu.dma_semaphore, #tpu.memory_space<semaphore_mem>>) {add = true}
        %dma_wait3A_195 = arith.constant 0 : i32
        %dma_wait3A_196 = tpu.memref_slice %arg9[%run_scoped3A, %dma_wait3A_195] : memref<8x128xi32, #tpu.memory_space<vmem>> -> memref<1x128xi32, #tpu.memory_space<vmem>>
        %dma_wait3A_197 = tpu.memref_squeeze %dma_wait3A_196 : memref<1x128xi32, #tpu.memory_space<vmem>> -> memref<128xi32, #tpu.memory_space<vmem>>
        %dma_wait3A_198 = arith.constant 0 : i32
        %dma_wait3A_199 = arith.constant 0 : i32
        %dma_wait3A_200 = tpu.memref_slice %arg12[%dma_wait3A_198, %dma_wait3A_199] : memref<10240x64xf32, #tpu.memory_space<vmem_shared>> -> memref<10240x64xf32, #tpu.memory_space<vmem_shared>>
        tpu.wait_indirect_dma semaphore(%run_scoped3A_188 : memref<!tpu.dma_semaphore, #tpu.memory_space<semaphore_mem>>) src(%arg10 : memref<128x64xf32, #tpu.memory_space<vmem>>) dst(%dma_wait3A_200 : memref<10240x64xf32, #tpu.memory_space<vmem_shared>>)
        tpu.yield
      }) : () -> ()
      %dma_start3A_90 = arith.constant 2 : i32
      %dma_start3A_91 = arith.constant 0 : i32
      %dma_start3A_92 = tpu.memref_slice %arg8[%dma_start3A_90, %dma_start3A_91] : memref<8x128xi32, #tpu.memory_space<vmem>> -> memref<1x128xi32, #tpu.memory_space<vmem>>
      %dma_start3A_93 = tpu.memref_squeeze %dma_start3A_92 : memref<1x128xi32, #tpu.memory_space<vmem>> -> memref<128xi32, #tpu.memory_space<vmem>>
      %dma_start3A_94 = arith.constant 0 : i32
      %dma_start3A_95 = arith.constant 0 : i32
      %dma_start3A_96 = tpu.memref_slice %arg13[%dma_start3A_94, %dma_start3A_95] : memref<10240x64xf32, #tpu.memory_space<vmem_shared>> -> memref<10240x64xf32, #tpu.memory_space<vmem_shared>>
      tpu.enqueue_indirect_dma source(%dma_start3A_96 : memref<10240x64xf32, #tpu.memory_space<vmem_shared>>) target(%arg10 : memref<128x64xf32, #tpu.memory_space<vmem>>) offsets(%dma_start3A_93 : memref<128xi32, #tpu.memory_space<vmem>>) semaphore(%arg14 : memref<!tpu.dma_semaphore, #tpu.memory_space<semaphore_mem>>)
      %dma_wait3A_97 = arith.constant 1 : i32
      %dma_wait3A_98 = arith.constant 0 : i32
      %dma_wait3A_99 = tpu.memref_slice %arg8[%dma_wait3A_97, %dma_wait3A_98] : memref<8x128xi32, #tpu.memory_space<vmem>> -> memref<1x128xi32, #tpu.memory_space<vmem>>
      %dma_wait3A_100 = tpu.memref_squeeze %dma_wait3A_99 : memref<1x128xi32, #tpu.memory_space<vmem>> -> memref<128xi32, #tpu.memory_space<vmem>>
      %dma_wait3A_101 = arith.constant 0 : i32
      %dma_wait3A_102 = arith.constant 0 : i32
      %dma_wait3A_103 = tpu.memref_slice %arg13[%dma_wait3A_101, %dma_wait3A_102] : memref<10240x64xf32, #tpu.memory_space<vmem_shared>> -> memref<10240x64xf32, #tpu.memory_space<vmem_shared>>
      tpu.wait_indirect_dma semaphore(%arg15 : memref<!tpu.dma_semaphore, #tpu.memory_space<semaphore_mem>>) src(%dma_wait3A_103 : memref<10240x64xf32, #tpu.memory_space<vmem_shared>>) dst(%arg11 : memref<128x64xf32, #tpu.memory_space<vmem>>)
      %run_scoped3A_104 = arith.constant 1 : i32
      "tpu.region"() ({
        %run_scoped3A_188 = tpu.sem_alloc : memref<!tpu.dma_semaphore, #tpu.memory_space<semaphore_mem>>
        %dma_start3A_189 = arith.constant 0 : i32
        %dma_start3A_190 = tpu.memref_slice %arg9[%run_scoped3A_104, %dma_start3A_189] : memref<8x128xi32, #tpu.memory_space<vmem>> -> memref<1x128xi32, #tpu.memory_space<vmem>>
        %dma_start3A_191 = tpu.memref_squeeze %dma_start3A_190 : memref<1x128xi32, #tpu.memory_space<vmem>> -> memref<128xi32, #tpu.memory_space<vmem>>
        %dma_start3A_192 = arith.constant 0 : i32
        %dma_start3A_193 = arith.constant 0 : i32
        %dma_start3A_194 = tpu.memref_slice %arg12[%dma_start3A_192, %dma_start3A_193] : memref<10240x64xf32, #tpu.memory_space<vmem_shared>> -> memref<10240x64xf32, #tpu.memory_space<vmem_shared>>
        tpu.enqueue_indirect_dma source(%arg11 : memref<128x64xf32, #tpu.memory_space<vmem>>) target(%dma_start3A_194 : memref<10240x64xf32, #tpu.memory_space<vmem_shared>>) offsets(%dma_start3A_191 : memref<128xi32, #tpu.memory_space<vmem>>) semaphore(%run_scoped3A_188 : memref<!tpu.dma_semaphore, #tpu.memory_space<semaphore_mem>>) {add = true}
        %dma_wait3A_195 = arith.constant 0 : i32
        %dma_wait3A_196 = tpu.memref_slice %arg9[%run_scoped3A_104, %dma_wait3A_195] : memref<8x128xi32, #tpu.memory_space<vmem>> -> memref<1x128xi32, #tpu.memory_space<vmem>>
        %dma_wait3A_197 = tpu.memref_squeeze %dma_wait3A_196 : memref<1x128xi32, #tpu.memory_space<vmem>> -> memref<128xi32, #tpu.memory_space<vmem>>
        %dma_wait3A_198 = arith.constant 0 : i32
        %dma_wait3A_199 = arith.constant 0 : i32
        %dma_wait3A_200 = tpu.memref_slice %arg12[%dma_wait3A_198, %dma_wait3A_199] : memref<10240x64xf32, #tpu.memory_space<vmem_shared>> -> memref<10240x64xf32, #tpu.memory_space<vmem_shared>>
        tpu.wait_indirect_dma semaphore(%run_scoped3A_188 : memref<!tpu.dma_semaphore, #tpu.memory_space<semaphore_mem>>) src(%arg11 : memref<128x64xf32, #tpu.memory_space<vmem>>) dst(%dma_wait3A_200 : memref<10240x64xf32, #tpu.memory_space<vmem_shared>>)
        tpu.yield
      }) : () -> ()
      %dma_start3A_105 = arith.constant 3 : i32
      %dma_start3A_106 = arith.constant 0 : i32
      %dma_start3A_107 = tpu.memref_slice %arg8[%dma_start3A_105, %dma_start3A_106] : memref<8x128xi32, #tpu.memory_space<vmem>> -> memref<1x128xi32, #tpu.memory_space<vmem>>
      %dma_start3A_108 = tpu.memref_squeeze %dma_start3A_107 : memref<1x128xi32, #tpu.memory_space<vmem>> -> memref<128xi32, #tpu.memory_space<vmem>>
      %dma_start3A_109 = arith.constant 0 : i32
      %dma_start3A_110 = arith.constant 0 : i32
      %dma_start3A_111 = tpu.memref_slice %arg13[%dma_start3A_109, %dma_start3A_110] : memref<10240x64xf32, #tpu.memory_space<vmem_shared>> -> memref<10240x64xf32, #tpu.memory_space<vmem_shared>>
      tpu.enqueue_indirect_dma source(%dma_start3A_111 : memref<10240x64xf32, #tpu.memory_space<vmem_shared>>) target(%arg11 : memref<128x64xf32, #tpu.memory_space<vmem>>) offsets(%dma_start3A_108 : memref<128xi32, #tpu.memory_space<vmem>>) semaphore(%arg15 : memref<!tpu.dma_semaphore, #tpu.memory_space<semaphore_mem>>)
      %dma_wait3A_112 = arith.constant 2 : i32
      %dma_wait3A_113 = arith.constant 0 : i32
      %dma_wait3A_114 = tpu.memref_slice %arg8[%dma_wait3A_112, %dma_wait3A_113] : memref<8x128xi32, #tpu.memory_space<vmem>> -> memref<1x128xi32, #tpu.memory_space<vmem>>
      %dma_wait3A_115 = tpu.memref_squeeze %dma_wait3A_114 : memref<1x128xi32, #tpu.memory_space<vmem>> -> memref<128xi32, #tpu.memory_space<vmem>>
      %dma_wait3A_116 = arith.constant 0 : i32
      %dma_wait3A_117 = arith.constant 0 : i32
      %dma_wait3A_118 = tpu.memref_slice %arg13[%dma_wait3A_116, %dma_wait3A_117] : memref<10240x64xf32, #tpu.memory_space<vmem_shared>> -> memref<10240x64xf32, #tpu.memory_space<vmem_shared>>
      tpu.wait_indirect_dma semaphore(%arg14 : memref<!tpu.dma_semaphore, #tpu.memory_space<semaphore_mem>>) src(%dma_wait3A_118 : memref<10240x64xf32, #tpu.memory_space<vmem_shared>>) dst(%arg10 : memref<128x64xf32, #tpu.memory_space<vmem>>)
      %run_scoped3A_119 = arith.constant 2 : i32
      "tpu.region"() ({
        %run_scoped3A_188 = tpu.sem_alloc : memref<!tpu.dma_semaphore, #tpu.memory_space<semaphore_mem>>
        %dma_start3A_189 = arith.constant 0 : i32
        %dma_start3A_190 = tpu.memref_slice %arg9[%run_scoped3A_119, %dma_start3A_189] : memref<8x128xi32, #tpu.memory_space<vmem>> -> memref<1x128xi32, #tpu.memory_space<vmem>>
        %dma_start3A_191 = tpu.memref_squeeze %dma_start3A_190 : memref<1x128xi32, #tpu.memory_space<vmem>> -> memref<128xi32, #tpu.memory_space<vmem>>
        %dma_start3A_192 = arith.constant 0 : i32
        %dma_start3A_193 = arith.constant 0 : i32
        %dma_start3A_194 = tpu.memref_slice %arg12[%dma_start3A_192, %dma_start3A_193] : memref<10240x64xf32, #tpu.memory_space<vmem_shared>> -> memref<10240x64xf32, #tpu.memory_space<vmem_shared>>
        tpu.enqueue_indirect_dma source(%arg10 : memref<128x64xf32, #tpu.memory_space<vmem>>) target(%dma_start3A_194 : memref<10240x64xf32, #tpu.memory_space<vmem_shared>>) offsets(%dma_start3A_191 : memref<128xi32, #tpu.memory_space<vmem>>) semaphore(%run_scoped3A_188 : memref<!tpu.dma_semaphore, #tpu.memory_space<semaphore_mem>>) {add = true}
        %dma_wait3A_195 = arith.constant 0 : i32
        %dma_wait3A_196 = tpu.memref_slice %arg9[%run_scoped3A_119, %dma_wait3A_195] : memref<8x128xi32, #tpu.memory_space<vmem>> -> memref<1x128xi32, #tpu.memory_space<vmem>>
        %dma_wait3A_197 = tpu.memref_squeeze %dma_wait3A_196 : memref<1x128xi32, #tpu.memory_space<vmem>> -> memref<128xi32, #tpu.memory_space<vmem>>
        %dma_wait3A_198 = arith.constant 0 : i32
        %dma_wait3A_199 = arith.constant 0 : i32
        %dma_wait3A_200 = tpu.memref_slice %arg12[%dma_wait3A_198, %dma_wait3A_199] : memref<10240x64xf32, #tpu.memory_space<vmem_shared>> -> memref<10240x64xf32, #tpu.memory_space<vmem_shared>>
        tpu.wait_indirect_dma semaphore(%run_scoped3A_188 : memref<!tpu.dma_semaphore, #tpu.memory_space<semaphore_mem>>) src(%arg10 : memref<128x64xf32, #tpu.memory_space<vmem>>) dst(%dma_wait3A_200 : memref<10240x64xf32, #tpu.memory_space<vmem_shared>>)
        tpu.yield
      }) : () -> ()
      %dma_start3A_120 = arith.constant 4 : i32
      %dma_start3A_121 = arith.constant 0 : i32
      %dma_start3A_122 = tpu.memref_slice %arg8[%dma_start3A_120, %dma_start3A_121] : memref<8x128xi32, #tpu.memory_space<vmem>> -> memref<1x128xi32, #tpu.memory_space<vmem>>
      %dma_start3A_123 = tpu.memref_squeeze %dma_start3A_122 : memref<1x128xi32, #tpu.memory_space<vmem>> -> memref<128xi32, #tpu.memory_space<vmem>>
      %dma_start3A_124 = arith.constant 0 : i32
      %dma_start3A_125 = arith.constant 0 : i32
      %dma_start3A_126 = tpu.memref_slice %arg13[%dma_start3A_124, %dma_start3A_125] : memref<10240x64xf32, #tpu.memory_space<vmem_shared>> -> memref<10240x64xf32, #tpu.memory_space<vmem_shared>>
      tpu.enqueue_indirect_dma source(%dma_start3A_126 : memref<10240x64xf32, #tpu.memory_space<vmem_shared>>) target(%arg10 : memref<128x64xf32, #tpu.memory_space<vmem>>) offsets(%dma_start3A_123 : memref<128xi32, #tpu.memory_space<vmem>>) semaphore(%arg14 : memref<!tpu.dma_semaphore, #tpu.memory_space<semaphore_mem>>)
      %dma_wait3A_127 = arith.constant 3 : i32
      %dma_wait3A_128 = arith.constant 0 : i32
      %dma_wait3A_129 = tpu.memref_slice %arg8[%dma_wait3A_127, %dma_wait3A_128] : memref<8x128xi32, #tpu.memory_space<vmem>> -> memref<1x128xi32, #tpu.memory_space<vmem>>
      %dma_wait3A_130 = tpu.memref_squeeze %dma_wait3A_129 : memref<1x128xi32, #tpu.memory_space<vmem>> -> memref<128xi32, #tpu.memory_space<vmem>>
      %dma_wait3A_131 = arith.constant 0 : i32
      %dma_wait3A_132 = arith.constant 0 : i32
      %dma_wait3A_133 = tpu.memref_slice %arg13[%dma_wait3A_131, %dma_wait3A_132] : memref<10240x64xf32, #tpu.memory_space<vmem_shared>> -> memref<10240x64xf32, #tpu.memory_space<vmem_shared>>
      tpu.wait_indirect_dma semaphore(%arg15 : memref<!tpu.dma_semaphore, #tpu.memory_space<semaphore_mem>>) src(%dma_wait3A_133 : memref<10240x64xf32, #tpu.memory_space<vmem_shared>>) dst(%arg11 : memref<128x64xf32, #tpu.memory_space<vmem>>)
      %run_scoped3A_134 = arith.constant 3 : i32
      "tpu.region"() ({
        %run_scoped3A_188 = tpu.sem_alloc : memref<!tpu.dma_semaphore, #tpu.memory_space<semaphore_mem>>
        %dma_start3A_189 = arith.constant 0 : i32
        %dma_start3A_190 = tpu.memref_slice %arg9[%run_scoped3A_134, %dma_start3A_189] : memref<8x128xi32, #tpu.memory_space<vmem>> -> memref<1x128xi32, #tpu.memory_space<vmem>>
        %dma_start3A_191 = tpu.memref_squeeze %dma_start3A_190 : memref<1x128xi32, #tpu.memory_space<vmem>> -> memref<128xi32, #tpu.memory_space<vmem>>
        %dma_start3A_192 = arith.constant 0 : i32
        %dma_start3A_193 = arith.constant 0 : i32
        %dma_start3A_194 = tpu.memref_slice %arg12[%dma_start3A_192, %dma_start3A_193] : memref<10240x64xf32, #tpu.memory_space<vmem_shared>> -> memref<10240x64xf32, #tpu.memory_space<vmem_shared>>
        tpu.enqueue_indirect_dma source(%arg11 : memref<128x64xf32, #tpu.memory_space<vmem>>) target(%dma_start3A_194 : memref<10240x64xf32, #tpu.memory_space<vmem_shared>>) offsets(%dma_start3A_191 : memref<128xi32, #tpu.memory_space<vmem>>) semaphore(%run_scoped3A_188 : memref<!tpu.dma_semaphore, #tpu.memory_space<semaphore_mem>>) {add = true}
        %dma_wait3A_195 = arith.constant 0 : i32
        %dma_wait3A_196 = tpu.memref_slice %arg9[%run_scoped3A_134, %dma_wait3A_195] : memref<8x128xi32, #tpu.memory_space<vmem>> -> memref<1x128xi32, #tpu.memory_space<vmem>>
        %dma_wait3A_197 = tpu.memref_squeeze %dma_wait3A_196 : memref<1x128xi32, #tpu.memory_space<vmem>> -> memref<128xi32, #tpu.memory_space<vmem>>
        %dma_wait3A_198 = arith.constant 0 : i32
        %dma_wait3A_199 = arith.constant 0 : i32
        %dma_wait3A_200 = tpu.memref_slice %arg12[%dma_wait3A_198, %dma_wait3A_199] : memref<10240x64xf32, #tpu.memory_space<vmem_shared>> -> memref<10240x64xf32, #tpu.memory_space<vmem_shared>>
        tpu.wait_indirect_dma semaphore(%run_scoped3A_188 : memref<!tpu.dma_semaphore, #tpu.memory_space<semaphore_mem>>) src(%arg11 : memref<128x64xf32, #tpu.memory_space<vmem>>) dst(%dma_wait3A_200 : memref<10240x64xf32, #tpu.memory_space<vmem_shared>>)
        tpu.yield
      }) : () -> ()
      %dma_start3A_135 = arith.constant 5 : i32
      %dma_start3A_136 = arith.constant 0 : i32
      %dma_start3A_137 = tpu.memref_slice %arg8[%dma_start3A_135, %dma_start3A_136] : memref<8x128xi32, #tpu.memory_space<vmem>> -> memref<1x128xi32, #tpu.memory_space<vmem>>
      %dma_start3A_138 = tpu.memref_squeeze %dma_start3A_137 : memref<1x128xi32, #tpu.memory_space<vmem>> -> memref<128xi32, #tpu.memory_space<vmem>>
      %dma_start3A_139 = arith.constant 0 : i32
      %dma_start3A_140 = arith.constant 0 : i32
      %dma_start3A_141 = tpu.memref_slice %arg13[%dma_start3A_139, %dma_start3A_140] : memref<10240x64xf32, #tpu.memory_space<vmem_shared>> -> memref<10240x64xf32, #tpu.memory_space<vmem_shared>>
      tpu.enqueue_indirect_dma source(%dma_start3A_141 : memref<10240x64xf32, #tpu.memory_space<vmem_shared>>) target(%arg11 : memref<128x64xf32, #tpu.memory_space<vmem>>) offsets(%dma_start3A_138 : memref<128xi32, #tpu.memory_space<vmem>>) semaphore(%arg15 : memref<!tpu.dma_semaphore, #tpu.memory_space<semaphore_mem>>)
      %dma_wait3A_142 = arith.constant 4 : i32
      %dma_wait3A_143 = arith.constant 0 : i32
      %dma_wait3A_144 = tpu.memref_slice %arg8[%dma_wait3A_142, %dma_wait3A_143] : memref<8x128xi32, #tpu.memory_space<vmem>> -> memref<1x128xi32, #tpu.memory_space<vmem>>
      %dma_wait3A_145 = tpu.memref_squeeze %dma_wait3A_144 : memref<1x128xi32, #tpu.memory_space<vmem>> -> memref<128xi32, #tpu.memory_space<vmem>>
      %dma_wait3A_146 = arith.constant 0 : i32
      %dma_wait3A_147 = arith.constant 0 : i32
      %dma_wait3A_148 = tpu.memref_slice %arg13[%dma_wait3A_146, %dma_wait3A_147] : memref<10240x64xf32, #tpu.memory_space<vmem_shared>> -> memref<10240x64xf32, #tpu.memory_space<vmem_shared>>
      tpu.wait_indirect_dma semaphore(%arg14 : memref<!tpu.dma_semaphore, #tpu.memory_space<semaphore_mem>>) src(%dma_wait3A_148 : memref<10240x64xf32, #tpu.memory_space<vmem_shared>>) dst(%arg10 : memref<128x64xf32, #tpu.memory_space<vmem>>)
      %run_scoped3A_149 = arith.constant 4 : i32
      "tpu.region"() ({
        %run_scoped3A_188 = tpu.sem_alloc : memref<!tpu.dma_semaphore, #tpu.memory_space<semaphore_mem>>
        %dma_start3A_189 = arith.constant 0 : i32
        %dma_start3A_190 = tpu.memref_slice %arg9[%run_scoped3A_149, %dma_start3A_189] : memref<8x128xi32, #tpu.memory_space<vmem>> -> memref<1x128xi32, #tpu.memory_space<vmem>>
        %dma_start3A_191 = tpu.memref_squeeze %dma_start3A_190 : memref<1x128xi32, #tpu.memory_space<vmem>> -> memref<128xi32, #tpu.memory_space<vmem>>
        %dma_start3A_192 = arith.constant 0 : i32
        %dma_start3A_193 = arith.constant 0 : i32
        %dma_start3A_194 = tpu.memref_slice %arg12[%dma_start3A_192, %dma_start3A_193] : memref<10240x64xf32, #tpu.memory_space<vmem_shared>> -> memref<10240x64xf32, #tpu.memory_space<vmem_shared>>
        tpu.enqueue_indirect_dma source(%arg10 : memref<128x64xf32, #tpu.memory_space<vmem>>) target(%dma_start3A_194 : memref<10240x64xf32, #tpu.memory_space<vmem_shared>>) offsets(%dma_start3A_191 : memref<128xi32, #tpu.memory_space<vmem>>) semaphore(%run_scoped3A_188 : memref<!tpu.dma_semaphore, #tpu.memory_space<semaphore_mem>>) {add = true}
        %dma_wait3A_195 = arith.constant 0 : i32
        %dma_wait3A_196 = tpu.memref_slice %arg9[%run_scoped3A_149, %dma_wait3A_195] : memref<8x128xi32, #tpu.memory_space<vmem>> -> memref<1x128xi32, #tpu.memory_space<vmem>>
        %dma_wait3A_197 = tpu.memref_squeeze %dma_wait3A_196 : memref<1x128xi32, #tpu.memory_space<vmem>> -> memref<128xi32, #tpu.memory_space<vmem>>
        %dma_wait3A_198 = arith.constant 0 : i32
        %dma_wait3A_199 = arith.constant 0 : i32
        %dma_wait3A_200 = tpu.memref_slice %arg12[%dma_wait3A_198, %dma_wait3A_199] : memref<10240x64xf32, #tpu.memory_space<vmem_shared>> -> memref<10240x64xf32, #tpu.memory_space<vmem_shared>>
        tpu.wait_indirect_dma semaphore(%run_scoped3A_188 : memref<!tpu.dma_semaphore, #tpu.memory_space<semaphore_mem>>) src(%arg10 : memref<128x64xf32, #tpu.memory_space<vmem>>) dst(%dma_wait3A_200 : memref<10240x64xf32, #tpu.memory_space<vmem_shared>>)
        tpu.yield
      }) : () -> ()
      %dma_start3A_150 = arith.constant 6 : i32
      %dma_start3A_151 = arith.constant 0 : i32
      %dma_start3A_152 = tpu.memref_slice %arg8[%dma_start3A_150, %dma_start3A_151] : memref<8x128xi32, #tpu.memory_space<vmem>> -> memref<1x128xi32, #tpu.memory_space<vmem>>
      %dma_start3A_153 = tpu.memref_squeeze %dma_start3A_152 : memref<1x128xi32, #tpu.memory_space<vmem>> -> memref<128xi32, #tpu.memory_space<vmem>>
      %dma_start3A_154 = arith.constant 0 : i32
      %dma_start3A_155 = arith.constant 0 : i32
      %dma_start3A_156 = tpu.memref_slice %arg13[%dma_start3A_154, %dma_start3A_155] : memref<10240x64xf32, #tpu.memory_space<vmem_shared>> -> memref<10240x64xf32, #tpu.memory_space<vmem_shared>>
      tpu.enqueue_indirect_dma source(%dma_start3A_156 : memref<10240x64xf32, #tpu.memory_space<vmem_shared>>) target(%arg10 : memref<128x64xf32, #tpu.memory_space<vmem>>) offsets(%dma_start3A_153 : memref<128xi32, #tpu.memory_space<vmem>>) semaphore(%arg14 : memref<!tpu.dma_semaphore, #tpu.memory_space<semaphore_mem>>)
      %dma_wait3A_157 = arith.constant 5 : i32
      %dma_wait3A_158 = arith.constant 0 : i32
      %dma_wait3A_159 = tpu.memref_slice %arg8[%dma_wait3A_157, %dma_wait3A_158] : memref<8x128xi32, #tpu.memory_space<vmem>> -> memref<1x128xi32, #tpu.memory_space<vmem>>
      %dma_wait3A_160 = tpu.memref_squeeze %dma_wait3A_159 : memref<1x128xi32, #tpu.memory_space<vmem>> -> memref<128xi32, #tpu.memory_space<vmem>>
      %dma_wait3A_161 = arith.constant 0 : i32
      %dma_wait3A_162 = arith.constant 0 : i32
      %dma_wait3A_163 = tpu.memref_slice %arg13[%dma_wait3A_161, %dma_wait3A_162] : memref<10240x64xf32, #tpu.memory_space<vmem_shared>> -> memref<10240x64xf32, #tpu.memory_space<vmem_shared>>
      tpu.wait_indirect_dma semaphore(%arg15 : memref<!tpu.dma_semaphore, #tpu.memory_space<semaphore_mem>>) src(%dma_wait3A_163 : memref<10240x64xf32, #tpu.memory_space<vmem_shared>>) dst(%arg11 : memref<128x64xf32, #tpu.memory_space<vmem>>)
      %run_scoped3A_164 = arith.constant 5 : i32
      "tpu.region"() ({
        %run_scoped3A_188 = tpu.sem_alloc : memref<!tpu.dma_semaphore, #tpu.memory_space<semaphore_mem>>
        %dma_start3A_189 = arith.constant 0 : i32
        %dma_start3A_190 = tpu.memref_slice %arg9[%run_scoped3A_164, %dma_start3A_189] : memref<8x128xi32, #tpu.memory_space<vmem>> -> memref<1x128xi32, #tpu.memory_space<vmem>>
        %dma_start3A_191 = tpu.memref_squeeze %dma_start3A_190 : memref<1x128xi32, #tpu.memory_space<vmem>> -> memref<128xi32, #tpu.memory_space<vmem>>
        %dma_start3A_192 = arith.constant 0 : i32
        %dma_start3A_193 = arith.constant 0 : i32
        %dma_start3A_194 = tpu.memref_slice %arg12[%dma_start3A_192, %dma_start3A_193] : memref<10240x64xf32, #tpu.memory_space<vmem_shared>> -> memref<10240x64xf32, #tpu.memory_space<vmem_shared>>
        tpu.enqueue_indirect_dma source(%arg11 : memref<128x64xf32, #tpu.memory_space<vmem>>) target(%dma_start3A_194 : memref<10240x64xf32, #tpu.memory_space<vmem_shared>>) offsets(%dma_start3A_191 : memref<128xi32, #tpu.memory_space<vmem>>) semaphore(%run_scoped3A_188 : memref<!tpu.dma_semaphore, #tpu.memory_space<semaphore_mem>>) {add = true}
        %dma_wait3A_195 = arith.constant 0 : i32
        %dma_wait3A_196 = tpu.memref_slice %arg9[%run_scoped3A_164, %dma_wait3A_195] : memref<8x128xi32, #tpu.memory_space<vmem>> -> memref<1x128xi32, #tpu.memory_space<vmem>>
        %dma_wait3A_197 = tpu.memref_squeeze %dma_wait3A_196 : memref<1x128xi32, #tpu.memory_space<vmem>> -> memref<128xi32, #tpu.memory_space<vmem>>
        %dma_wait3A_198 = arith.constant 0 : i32
        %dma_wait3A_199 = arith.constant 0 : i32
        %dma_wait3A_200 = tpu.memref_slice %arg12[%dma_wait3A_198, %dma_wait3A_199] : memref<10240x64xf32, #tpu.memory_space<vmem_shared>> -> memref<10240x64xf32, #tpu.memory_space<vmem_shared>>
        tpu.wait_indirect_dma semaphore(%run_scoped3A_188 : memref<!tpu.dma_semaphore, #tpu.memory_space<semaphore_mem>>) src(%arg11 : memref<128x64xf32, #tpu.memory_space<vmem>>) dst(%dma_wait3A_200 : memref<10240x64xf32, #tpu.memory_space<vmem_shared>>)
        tpu.yield
      }) : () -> ()
      %dma_start3A_165 = arith.constant 7 : i32
      %dma_start3A_166 = arith.constant 0 : i32
      %dma_start3A_167 = tpu.memref_slice %arg8[%dma_start3A_165, %dma_start3A_166] : memref<8x128xi32, #tpu.memory_space<vmem>> -> memref<1x128xi32, #tpu.memory_space<vmem>>
      %dma_start3A_168 = tpu.memref_squeeze %dma_start3A_167 : memref<1x128xi32, #tpu.memory_space<vmem>> -> memref<128xi32, #tpu.memory_space<vmem>>
      %dma_start3A_169 = arith.constant 0 : i32
      %dma_start3A_170 = arith.constant 0 : i32
      %dma_start3A_171 = tpu.memref_slice %arg13[%dma_start3A_169, %dma_start3A_170] : memref<10240x64xf32, #tpu.memory_space<vmem_shared>> -> memref<10240x64xf32, #tpu.memory_space<vmem_shared>>
      tpu.enqueue_indirect_dma source(%dma_start3A_171 : memref<10240x64xf32, #tpu.memory_space<vmem_shared>>) target(%arg11 : memref<128x64xf32, #tpu.memory_space<vmem>>) offsets(%dma_start3A_168 : memref<128xi32, #tpu.memory_space<vmem>>) semaphore(%arg15 : memref<!tpu.dma_semaphore, #tpu.memory_space<semaphore_mem>>)
      %dma_wait3A_172 = arith.constant 6 : i32
      %dma_wait3A_173 = arith.constant 0 : i32
      %dma_wait3A_174 = tpu.memref_slice %arg8[%dma_wait3A_172, %dma_wait3A_173] : memref<8x128xi32, #tpu.memory_space<vmem>> -> memref<1x128xi32, #tpu.memory_space<vmem>>
      %dma_wait3A_175 = tpu.memref_squeeze %dma_wait3A_174 : memref<1x128xi32, #tpu.memory_space<vmem>> -> memref<128xi32, #tpu.memory_space<vmem>>
      %dma_wait3A_176 = arith.constant 0 : i32
      %dma_wait3A_177 = arith.constant 0 : i32
      %dma_wait3A_178 = tpu.memref_slice %arg13[%dma_wait3A_176, %dma_wait3A_177] : memref<10240x64xf32, #tpu.memory_space<vmem_shared>> -> memref<10240x64xf32, #tpu.memory_space<vmem_shared>>
      tpu.wait_indirect_dma semaphore(%arg14 : memref<!tpu.dma_semaphore, #tpu.memory_space<semaphore_mem>>) src(%dma_wait3A_178 : memref<10240x64xf32, #tpu.memory_space<vmem_shared>>) dst(%arg10 : memref<128x64xf32, #tpu.memory_space<vmem>>)
      %run_scoped3A_179 = arith.constant 6 : i32
      "tpu.region"() ({
        %run_scoped3A_188 = tpu.sem_alloc : memref<!tpu.dma_semaphore, #tpu.memory_space<semaphore_mem>>
        %dma_start3A_189 = arith.constant 0 : i32
        %dma_start3A_190 = tpu.memref_slice %arg9[%run_scoped3A_179, %dma_start3A_189] : memref<8x128xi32, #tpu.memory_space<vmem>> -> memref<1x128xi32, #tpu.memory_space<vmem>>
        %dma_start3A_191 = tpu.memref_squeeze %dma_start3A_190 : memref<1x128xi32, #tpu.memory_space<vmem>> -> memref<128xi32, #tpu.memory_space<vmem>>
        %dma_start3A_192 = arith.constant 0 : i32
        %dma_start3A_193 = arith.constant 0 : i32
        %dma_start3A_194 = tpu.memref_slice %arg12[%dma_start3A_192, %dma_start3A_193] : memref<10240x64xf32, #tpu.memory_space<vmem_shared>> -> memref<10240x64xf32, #tpu.memory_space<vmem_shared>>
        tpu.enqueue_indirect_dma source(%arg10 : memref<128x64xf32, #tpu.memory_space<vmem>>) target(%dma_start3A_194 : memref<10240x64xf32, #tpu.memory_space<vmem_shared>>) offsets(%dma_start3A_191 : memref<128xi32, #tpu.memory_space<vmem>>) semaphore(%run_scoped3A_188 : memref<!tpu.dma_semaphore, #tpu.memory_space<semaphore_mem>>) {add = true}
        %dma_wait3A_195 = arith.constant 0 : i32
        %dma_wait3A_196 = tpu.memref_slice %arg9[%run_scoped3A_179, %dma_wait3A_195] : memref<8x128xi32, #tpu.memory_space<vmem>> -> memref<1x128xi32, #tpu.memory_space<vmem>>
        %dma_wait3A_197 = tpu.memref_squeeze %dma_wait3A_196 : memref<1x128xi32, #tpu.memory_space<vmem>> -> memref<128xi32, #tpu.memory_space<vmem>>
        %dma_wait3A_198 = arith.constant 0 : i32
        %dma_wait3A_199 = arith.constant 0 : i32
        %dma_wait3A_200 = tpu.memref_slice %arg12[%dma_wait3A_198, %dma_wait3A_199] : memref<10240x64xf32, #tpu.memory_space<vmem_shared>> -> memref<10240x64xf32, #tpu.memory_space<vmem_shared>>
        tpu.wait_indirect_dma semaphore(%run_scoped3A_188 : memref<!tpu.dma_semaphore, #tpu.memory_space<semaphore_mem>>) src(%arg10 : memref<128x64xf32, #tpu.memory_space<vmem>>) dst(%dma_wait3A_200 : memref<10240x64xf32, #tpu.memory_space<vmem_shared>>)
        tpu.yield
      }) : () -> ()
      %dma_wait3A_180 = arith.constant 7 : i32
      %dma_wait3A_181 = arith.constant 0 : i32
      %dma_wait3A_182 = tpu.memref_slice %arg8[%dma_wait3A_180, %dma_wait3A_181] : memref<8x128xi32, #tpu.memory_space<vmem>> -> memref<1x128xi32, #tpu.memory_space<vmem>>
      %dma_wait3A_183 = tpu.memref_squeeze %dma_wait3A_182 : memref<1x128xi32, #tpu.memory_space<vmem>> -> memref<128xi32, #tpu.memory_space<vmem>>
      %dma_wait3A_184 = arith.constant 0 : i32
      %dma_wait3A_185 = arith.constant 0 : i32
      %dma_wait3A_186 = tpu.memref_slice %arg13[%dma_wait3A_184, %dma_wait3A_185] : memref<10240x64xf32, #tpu.memory_space<vmem_shared>> -> memref<10240x64xf32, #tpu.memory_space<vmem_shared>>
      tpu.wait_indirect_dma semaphore(%arg15 : memref<!tpu.dma_semaphore, #tpu.memory_space<semaphore_mem>>) src(%dma_wait3A_186 : memref<10240x64xf32, #tpu.memory_space<vmem_shared>>) dst(%arg11 : memref<128x64xf32, #tpu.memory_space<vmem>>)
      %run_scoped3A_187 = arith.constant 7 : i32
      "tpu.region"() ({
        %run_scoped3A_188 = tpu.sem_alloc : memref<!tpu.dma_semaphore, #tpu.memory_space<semaphore_mem>>
        %dma_start3A_189 = arith.constant 0 : i32
        %dma_start3A_190 = tpu.memref_slice %arg9[%run_scoped3A_187, %dma_start3A_189] : memref<8x128xi32, #tpu.memory_space<vmem>> -> memref<1x128xi32, #tpu.memory_space<vmem>>
        %dma_start3A_191 = tpu.memref_squeeze %dma_start3A_190 : memref<1x128xi32, #tpu.memory_space<vmem>> -> memref<128xi32, #tpu.memory_space<vmem>>
        %dma_start3A_192 = arith.constant 0 : i32
        %dma_start3A_193 = arith.constant 0 : i32
        %dma_start3A_194 = tpu.memref_slice %arg12[%dma_start3A_192, %dma_start3A_193] : memref<10240x64xf32, #tpu.memory_space<vmem_shared>> -> memref<10240x64xf32, #tpu.memory_space<vmem_shared>>
        tpu.enqueue_indirect_dma source(%arg11 : memref<128x64xf32, #tpu.memory_space<vmem>>) target(%dma_start3A_194 : memref<10240x64xf32, #tpu.memory_space<vmem_shared>>) offsets(%dma_start3A_191 : memref<128xi32, #tpu.memory_space<vmem>>) semaphore(%run_scoped3A_188 : memref<!tpu.dma_semaphore, #tpu.memory_space<semaphore_mem>>) {add = true}
        %dma_wait3A_195 = arith.constant 0 : i32
        %dma_wait3A_196 = tpu.memref_slice %arg9[%run_scoped3A_187, %dma_wait3A_195] : memref<8x128xi32, #tpu.memory_space<vmem>> -> memref<1x128xi32, #tpu.memory_space<vmem>>
        %dma_wait3A_197 = tpu.memref_squeeze %dma_wait3A_196 : memref<1x128xi32, #tpu.memory_space<vmem>> -> memref<128xi32, #tpu.memory_space<vmem>>
        %dma_wait3A_198 = arith.constant 0 : i32
        %dma_wait3A_199 = arith.constant 0 : i32
        %dma_wait3A_200 = tpu.memref_slice %arg12[%dma_wait3A_198, %dma_wait3A_199] : memref<10240x64xf32, #tpu.memory_space<vmem_shared>> -> memref<10240x64xf32, #tpu.memory_space<vmem_shared>>
        tpu.wait_indirect_dma semaphore(%run_scoped3A_188 : memref<!tpu.dma_semaphore, #tpu.memory_space<semaphore_mem>>) src(%arg11 : memref<128x64xf32, #tpu.memory_space<vmem>>) dst(%dma_wait3A_200 : memref<10240x64xf32, #tpu.memory_space<vmem_shared>>)
        tpu.yield
      }) : () -> ()
    }
    %scan3A_60 = arith.constant 10 : i32
    %barrier3A_61 = arith.constant 0 : index
    tpu.barrier barrier_id(%barrier3A_61)
    %mul3A_62 = arith.constant 640 : i32
    %mul3A_63 = arith.muli %arg1, %mul3A_62 : i32
    %mul3A_64 = arith.constant 640 : i32
    %mul3A_65 = arith.muli %arg1, %mul3A_64 : i32
    "tpu.region"() ({
      %run_scoped3A = tpu.sem_alloc : memref<!tpu.dma_semaphore, #tpu.memory_space<semaphore_mem>>
      %dma_start3A = arith.constant 0 : i32
      %dma_start3A_67 = tpu.memref_slice %arg7[%arg0, %mul3A_65, %dma_start3A] : memref<2x10240x64xf32, #tpu.memory_space<hbm>> -> memref<1x640x64xf32, #tpu.memory_space<hbm>>
      %dma_start3A_68 = tpu.memref_squeeze %dma_start3A_67 : memref<1x640x64xf32, #tpu.memory_space<hbm>> -> memref<640x64xf32, #tpu.memory_space<hbm>>
      %dma_start3A_69 = arith.constant 0 : i32
      %dma_start3A_70 = tpu.memref_slice %arg12[%mul3A_63, %dma_start3A_69] : memref<10240x64xf32, #tpu.memory_space<vmem_shared>> -> memref<640x64xf32, #tpu.memory_space<vmem_shared>>
      tpu.enqueue_dma source(%dma_start3A_70 : memref<640x64xf32, #tpu.memory_space<vmem_shared>>) target(%dma_start3A_68 : memref<640x64xf32, #tpu.memory_space<hbm>>) target_semaphore(%run_scoped3A : memref<!tpu.dma_semaphore, #tpu.memory_space<semaphore_mem>>)
      %dma_wait3A = arith.constant 0 : i32
      %dma_wait3A_71 = tpu.memref_slice %arg7[%arg0, %mul3A_65, %dma_wait3A] : memref<2x10240x64xf32, #tpu.memory_space<hbm>> -> memref<1x640x64xf32, #tpu.memory_space<hbm>>
      %dma_wait3A_72 = tpu.memref_squeeze %dma_wait3A_71 : memref<1x640x64xf32, #tpu.memory_space<hbm>> -> memref<640x64xf32, #tpu.memory_space<hbm>>
      %dma_wait3A_73 = arith.constant 0 : i32
      %dma_wait3A_74 = tpu.memref_slice %arg12[%mul3A_63, %dma_wait3A_73] : memref<10240x64xf32, #tpu.memory_space<vmem_shared>> -> memref<640x64xf32, #tpu.memory_space<vmem_shared>>
      tpu.wait_dma2 semaphore(%run_scoped3A : memref<!tpu.dma_semaphore, #tpu.memory_space<semaphore_mem>>) src(%dma_wait3A_74 : memref<640x64xf32, #tpu.memory_space<vmem_shared>>) dst(%dma_wait3A_72 : memref<640x64xf32, #tpu.memory_space<hbm>>)
      tpu.yield
    }) : () -> ()
    %barrier3A_66 = arith.constant 0 : index
    tpu.barrier barrier_id(%barrier3A_66)
    return
  }
}

#map = affine_map<(d0, d1) -> (0, 0)>
#map1 = affine_map<(d0, d1) -> (0, 0, 0)>
module attributes {stable_mosaic.version = 14 : i64} {
  func.func @_agg1_body(%arg0: i32, %arg1: i32, %arg2: memref<10240x48xf32, #tpu.memory_space<hbm>>, %arg3: memref<2560x128xi32, #tpu.memory_space<hbm>>, %arg4: memref<2560x128xi32, #tpu.memory_space<hbm>>, %arg5: memref<2x10240x48xf32, #tpu.memory_space<hbm>>, %arg6: memref<8x128xi32, #tpu.memory_space<vmem>>, %arg7: memref<8x128xi32, #tpu.memory_space<vmem>>, %arg8: memref<128x48xf32, #tpu.memory_space<vmem>>, %arg9: memref<128x48xf32, #tpu.memory_space<vmem>>, %arg10: memref<10240x48xf32, #tpu.memory_space<vmem_shared>>, %arg11: memref<10240x48xf32, #tpu.memory_space<vmem_shared>>, %arg12: memref<!tpu.dma_semaphore, #tpu.memory_space<semaphore_mem>>, %arg13: memref<!tpu.dma_semaphore, #tpu.memory_space<semaphore_mem>>, %arg14: memref<!tpu.dma_semaphore, #tpu.memory_space<semaphore_mem>>, %arg15: memref<!tpu.dma_semaphore, #tpu.memory_space<semaphore_mem>>) attributes {dimension_semantics = [#tpu.dimension_semantics<core_parallel>, #tpu.dimension_semantics<subcore_parallel>], iteration_bounds = array<i64: 2, 16>, scalar_prefetch = 0 : i64, scratch_operands = 10 : i64, tpu.core_type = #tpu.core_type<sc_vector_subcore>, window_params = [{transform_indices = #map}, {transform_indices = #map}, {transform_indices = #map}, {transform_indices = #map1}]} {
    %broadcast_in_dim3A = arith.constant 0.000000e+00 : f32
    %broadcast_in_dim3A_0 = vector.broadcast %broadcast_in_dim3A : f32 to vector<16xf32>
    %mul3A = arith.constant 640 : i32
    %mul3A_1 = arith.muli %arg1, %mul3A : i32
    %mul3A_2 = arith.constant 640 : i32
    %mul3A_3 = arith.muli %arg1, %mul3A_2 : i32
    "tpu.region"() ({
      %run_scoped3A = tpu.sem_alloc : memref<!tpu.dma_semaphore, #tpu.memory_space<semaphore_mem>>
      %dma_start3A = arith.constant 0 : i32
      %dma_start3A_30 = tpu.memref_slice %arg11[%mul3A_3, %dma_start3A] : memref<10240x48xf32, #tpu.memory_space<vmem_shared>> -> memref<640x48xf32, #tpu.memory_space<vmem_shared>>
      %dma_start3A_31 = arith.constant 0 : i32
      %dma_start3A_32 = tpu.memref_slice %arg2[%mul3A_1, %dma_start3A_31] : memref<10240x48xf32, #tpu.memory_space<hbm>> -> memref<640x48xf32, #tpu.memory_space<hbm>>
      tpu.enqueue_dma source(%dma_start3A_32 : memref<640x48xf32, #tpu.memory_space<hbm>>) target(%dma_start3A_30 : memref<640x48xf32, #tpu.memory_space<vmem_shared>>) target_semaphore(%run_scoped3A : memref<!tpu.dma_semaphore, #tpu.memory_space<semaphore_mem>>)
      %dma_wait3A = arith.constant 0 : i32
      %dma_wait3A_33 = tpu.memref_slice %arg11[%mul3A_3, %dma_wait3A] : memref<10240x48xf32, #tpu.memory_space<vmem_shared>> -> memref<640x48xf32, #tpu.memory_space<vmem_shared>>
      %dma_wait3A_34 = arith.constant 0 : i32
      %dma_wait3A_35 = tpu.memref_slice %arg2[%mul3A_1, %dma_wait3A_34] : memref<10240x48xf32, #tpu.memory_space<hbm>> -> memref<640x48xf32, #tpu.memory_space<hbm>>
      tpu.wait_dma2 semaphore(%run_scoped3A : memref<!tpu.dma_semaphore, #tpu.memory_space<semaphore_mem>>) src(%dma_wait3A_35 : memref<640x48xf32, #tpu.memory_space<hbm>>) dst(%dma_wait3A_33 : memref<640x48xf32, #tpu.memory_space<vmem_shared>>)
      tpu.yield
    }) : () -> ()
    %scan3A = arith.constant 0 : i32
    %scan3A_4 = arith.constant 0 : i32
    %scan3A_5 = arith.constant 16 : i32
    %scan3A_6 = arith.addi %scan3A_4, %scan3A_5 : i32
    %scan3A_7 = arith.constant 1 : i32
    scf.for %scan3A_30 = %scan3A_4 to %scan3A_6 step %scan3A_7  : i32 {
      %swap3A = arith.index_cast %scan3A_30 : i32 to index
      %swap3A_31 = arith.constant 0 : index
      %swap3A_32 = tpu.vector_load %arg8[%swap3A, %swap3A_31] {strides = array<i32>} : memref<128x48xf32, #tpu.memory_space<vmem>>, vector<16xf32>,
      tpu.vector_store %arg8[%swap3A, %swap3A_31], %broadcast_in_dim3A_0 {strides = array<i32>} : memref<128x48xf32, #tpu.memory_space<vmem>>, vector<16xf32>,
      %swap3A_33 = arith.index_cast %scan3A_30 : i32 to index
      %swap3A_34 = arith.constant 16 : index
      %swap3A_35 = tpu.vector_load %arg8[%swap3A_33, %swap3A_34] {strides = array<i32>} : memref<128x48xf32, #tpu.memory_space<vmem>>, vector<16xf32>,
      tpu.vector_store %arg8[%swap3A_33, %swap3A_34], %broadcast_in_dim3A_0 {strides = array<i32>} : memref<128x48xf32, #tpu.memory_space<vmem>>, vector<16xf32>,
      %swap3A_36 = arith.index_cast %scan3A_30 : i32 to index
      %swap3A_37 = arith.constant 32 : index
      %swap3A_38 = tpu.vector_load %arg8[%swap3A_36, %swap3A_37] {strides = array<i32>} : memref<128x48xf32, #tpu.memory_space<vmem>>, vector<16xf32>,
      tpu.vector_store %arg8[%swap3A_36, %swap3A_37], %broadcast_in_dim3A_0 {strides = array<i32>} : memref<128x48xf32, #tpu.memory_space<vmem>>, vector<16xf32>,
    }
    %scan3A_8 = arith.constant 16 : i32
    %scan3A_9 = arith.constant 0 : i32
    %scan3A_10 = arith.constant 0 : i32
    %scan3A_11 = arith.constant 40 : i32
    %scan3A_12 = arith.addi %scan3A_10, %scan3A_11 : i32
    %scan3A_13 = arith.constant 1 : i32
    scf.for %scan3A_30 = %scan3A_10 to %scan3A_12 step %scan3A_13  : i32 {
      %mul3A_31 = arith.constant 640 : i32
      %mul3A_32 = arith.muli %arg1, %mul3A_31 : i32
      %mul3A_33 = arith.constant 16 : i32
      %mul3A_34 = arith.muli %scan3A_30, %mul3A_33 : i32
      %add3A_35 = arith.addi %mul3A_32, %mul3A_34 : i32
      "tpu.region"() ({
        %run_scoped3A = tpu.sem_alloc : memref<!tpu.dma_semaphore, #tpu.memory_space<semaphore_mem>>
        %dma_start3A = arith.constant 0 : i32
        %dma_start3A_36 = arith.constant 0 : i32
        %dma_start3A_37 = tpu.memref_slice %arg8[%dma_start3A, %dma_start3A_36] : memref<128x48xf32, #tpu.memory_space<vmem>> -> memref<16x48xf32, #tpu.memory_space<vmem>>
        %dma_start3A_38 = arith.constant 0 : i32
        %dma_start3A_39 = tpu.memref_slice %arg10[%add3A_35, %dma_start3A_38] : memref<10240x48xf32, #tpu.memory_space<vmem_shared>> -> memref<16x48xf32, #tpu.memory_space<vmem_shared>>
        %dma_start3A_40 = arith.constant 0 : i32
        %dma_start3A_41 = tpu.memref_slice %arg10[%add3A_35, %dma_start3A_40] : memref<10240x48xf32, #tpu.memory_space<vmem_shared>> -> memref<16x48xf32, #tpu.memory_space<vmem_shared>>
        %dma_start3A_42 = arith.constant 0 : i32
        %dma_start3A_43 = arith.constant 0 : i32
        %dma_start3A_44 = tpu.memref_slice %arg8[%dma_start3A_42, %dma_start3A_43] : memref<128x48xf32, #tpu.memory_space<vmem>> -> memref<16x48xf32, #tpu.memory_space<vmem>>
        tpu.enqueue_dma source(%dma_start3A_44 : memref<16x48xf32, #tpu.memory_space<vmem>>) target(%dma_start3A_41 : memref<16x48xf32, #tpu.memory_space<vmem_shared>>) target_semaphore(%run_scoped3A : memref<!tpu.dma_semaphore, #tpu.memory_space<semaphore_mem>>)
        %dma_wait3A = arith.constant 0 : i32
        %dma_wait3A_45 = arith.constant 0 : i32
        %dma_wait3A_46 = tpu.memref_slice %arg8[%dma_wait3A, %dma_wait3A_45] : memref<128x48xf32, #tpu.memory_space<vmem>> -> memref<16x48xf32, #tpu.memory_space<vmem>>
        %dma_wait3A_47 = arith.constant 0 : i32
        %dma_wait3A_48 = tpu.memref_slice %arg10[%add3A_35, %dma_wait3A_47] : memref<10240x48xf32, #tpu.memory_space<vmem_shared>> -> memref<16x48xf32, #tpu.memory_space<vmem_shared>>
        %dma_wait3A_49 = arith.constant 0 : i32
        %dma_wait3A_50 = tpu.memref_slice %arg10[%add3A_35, %dma_wait3A_49] : memref<10240x48xf32, #tpu.memory_space<vmem_shared>> -> memref<16x48xf32, #tpu.memory_space<vmem_shared>>
        %dma_wait3A_51 = arith.constant 0 : i32
        %dma_wait3A_52 = arith.constant 0 : i32
        %dma_wait3A_53 = tpu.memref_slice %arg8[%dma_wait3A_51, %dma_wait3A_52] : memref<128x48xf32, #tpu.memory_space<vmem>> -> memref<16x48xf32, #tpu.memory_space<vmem>>
        tpu.wait_dma2 semaphore(%run_scoped3A : memref<!tpu.dma_semaphore, #tpu.memory_space<semaphore_mem>>) src(%dma_wait3A_53 : memref<16x48xf32, #tpu.memory_space<vmem>>) dst(%dma_wait3A_50 : memref<16x48xf32, #tpu.memory_space<vmem_shared>>)
        tpu.yield
      }) : () -> ()
    }
    %scan3A_14 = arith.constant 40 : i32
    %barrier3A = arith.constant 0 : index
    tpu.barrier barrier_id(%barrier3A)
    %mul3A_15 = arith.constant 2 : i32
    %mul3A_16 = arith.muli %arg1, %mul3A_15 : i32
    %add3A = arith.addi %mul3A_16, %arg0 : i32
    %mul3A_17 = arith.constant 80 : i32
    %mul3A_18 = arith.muli %add3A, %mul3A_17 : i32
    %scan3A_19 = arith.constant 0 : i32
    %scan3A_20 = arith.constant 0 : i32
    %scan3A_21 = arith.constant 10 : i32
    %scan3A_22 = arith.addi %scan3A_20, %scan3A_21 : i32
    %scan3A_23 = arith.constant 1 : i32
    scf.for %scan3A_30 = %scan3A_20 to %scan3A_22 step %scan3A_23  : i32 {
      %mul3A_31 = arith.constant 8 : i32
      %mul3A_32 = arith.muli %scan3A_30, %mul3A_31 : i32
      %add3A_33 = arith.addi %mul3A_18, %mul3A_32 : i32
      "tpu.region"() ({
        %run_scoped3A_151 = tpu.sem_alloc : memref<!tpu.dma_semaphore, #tpu.memory_space<semaphore_mem>>
        %dma_start3A_152 = arith.constant 0 : i32
        %dma_start3A_153 = tpu.memref_slice %arg3[%add3A_33, %dma_start3A_152] : memref<2560x128xi32, #tpu.memory_space<hbm>> -> memref<8x128xi32, #tpu.memory_space<hbm>>
        %dma_start3A_154 = arith.constant 0 : i32
        %dma_start3A_155 = tpu.memref_slice %arg3[%add3A_33, %dma_start3A_154] : memref<2560x128xi32, #tpu.memory_space<hbm>> -> memref<8x128xi32, #tpu.memory_space<hbm>>
        tpu.enqueue_dma source(%dma_start3A_155 : memref<8x128xi32, #tpu.memory_space<hbm>>) target(%arg6 : memref<8x128xi32, #tpu.memory_space<vmem>>) target_semaphore(%run_scoped3A_151 : memref<!tpu.dma_semaphore, #tpu.memory_space<semaphore_mem>>)
        %dma_wait3A_156 = arith.constant 0 : i32
        %dma_wait3A_157 = tpu.memref_slice %arg3[%add3A_33, %dma_wait3A_156] : memref<2560x128xi32, #tpu.memory_space<hbm>> -> memref<8x128xi32, #tpu.memory_space<hbm>>
        %dma_wait3A_158 = arith.constant 0 : i32
        %dma_wait3A_159 = tpu.memref_slice %arg3[%add3A_33, %dma_wait3A_158] : memref<2560x128xi32, #tpu.memory_space<hbm>> -> memref<8x128xi32, #tpu.memory_space<hbm>>
        tpu.wait_dma2 semaphore(%run_scoped3A_151 : memref<!tpu.dma_semaphore, #tpu.memory_space<semaphore_mem>>) src(%dma_wait3A_159 : memref<8x128xi32, #tpu.memory_space<hbm>>) dst(%arg6 : memref<8x128xi32, #tpu.memory_space<vmem>>)
        tpu.yield
      }) : () -> ()
      "tpu.region"() ({
        %run_scoped3A_151 = tpu.sem_alloc : memref<!tpu.dma_semaphore, #tpu.memory_space<semaphore_mem>>
        %dma_start3A_152 = arith.constant 0 : i32
        %dma_start3A_153 = tpu.memref_slice %arg4[%add3A_33, %dma_start3A_152] : memref<2560x128xi32, #tpu.memory_space<hbm>> -> memref<8x128xi32, #tpu.memory_space<hbm>>
        %dma_start3A_154 = arith.constant 0 : i32
        %dma_start3A_155 = tpu.memref_slice %arg4[%add3A_33, %dma_start3A_154] : memref<2560x128xi32, #tpu.memory_space<hbm>> -> memref<8x128xi32, #tpu.memory_space<hbm>>
        tpu.enqueue_dma source(%dma_start3A_155 : memref<8x128xi32, #tpu.memory_space<hbm>>) target(%arg7 : memref<8x128xi32, #tpu.memory_space<vmem>>) target_semaphore(%run_scoped3A_151 : memref<!tpu.dma_semaphore, #tpu.memory_space<semaphore_mem>>)
        %dma_wait3A_156 = arith.constant 0 : i32
        %dma_wait3A_157 = tpu.memref_slice %arg4[%add3A_33, %dma_wait3A_156] : memref<2560x128xi32, #tpu.memory_space<hbm>> -> memref<8x128xi32, #tpu.memory_space<hbm>>
        %dma_wait3A_158 = arith.constant 0 : i32
        %dma_wait3A_159 = tpu.memref_slice %arg4[%add3A_33, %dma_wait3A_158] : memref<2560x128xi32, #tpu.memory_space<hbm>> -> memref<8x128xi32, #tpu.memory_space<hbm>>
        tpu.wait_dma2 semaphore(%run_scoped3A_151 : memref<!tpu.dma_semaphore, #tpu.memory_space<semaphore_mem>>) src(%dma_wait3A_159 : memref<8x128xi32, #tpu.memory_space<hbm>>) dst(%arg7 : memref<8x128xi32, #tpu.memory_space<vmem>>)
        tpu.yield
      }) : () -> ()
      %dma_start3A = arith.constant 0 : i32
      %dma_start3A_34 = arith.constant 0 : i32
      %dma_start3A_35 = tpu.memref_slice %arg6[%dma_start3A, %dma_start3A_34] : memref<8x128xi32, #tpu.memory_space<vmem>> -> memref<1x128xi32, #tpu.memory_space<vmem>>
      %dma_start3A_36 = tpu.memref_squeeze %dma_start3A_35 : memref<1x128xi32, #tpu.memory_space<vmem>> -> memref<128xi32, #tpu.memory_space<vmem>>
      %dma_start3A_37 = arith.constant 0 : i32
      %dma_start3A_38 = arith.constant 0 : i32
      %dma_start3A_39 = tpu.memref_slice %arg11[%dma_start3A_37, %dma_start3A_38] : memref<10240x48xf32, #tpu.memory_space<vmem_shared>> -> memref<10240x48xf32, #tpu.memory_space<vmem_shared>>
      tpu.enqueue_indirect_dma source(%dma_start3A_39 : memref<10240x48xf32, #tpu.memory_space<vmem_shared>>) target(%arg8 : memref<128x48xf32, #tpu.memory_space<vmem>>) offsets(%dma_start3A_36 : memref<128xi32, #tpu.memory_space<vmem>>) semaphore(%arg12 : memref<!tpu.dma_semaphore, #tpu.memory_space<semaphore_mem>>)
      %dma_start3A_40 = arith.constant 1 : i32
      %dma_start3A_41 = arith.constant 0 : i32
      %dma_start3A_42 = tpu.memref_slice %arg6[%dma_start3A_40, %dma_start3A_41] : memref<8x128xi32, #tpu.memory_space<vmem>> -> memref<1x128xi32, #tpu.memory_space<vmem>>
      %dma_start3A_43 = tpu.memref_squeeze %dma_start3A_42 : memref<1x128xi32, #tpu.memory_space<vmem>> -> memref<128xi32, #tpu.memory_space<vmem>>
      %dma_start3A_44 = arith.constant 0 : i32
      %dma_start3A_45 = arith.constant 0 : i32
      %dma_start3A_46 = tpu.memref_slice %arg11[%dma_start3A_44, %dma_start3A_45] : memref<10240x48xf32, #tpu.memory_space<vmem_shared>> -> memref<10240x48xf32, #tpu.memory_space<vmem_shared>>
      tpu.enqueue_indirect_dma source(%dma_start3A_46 : memref<10240x48xf32, #tpu.memory_space<vmem_shared>>) target(%arg9 : memref<128x48xf32, #tpu.memory_space<vmem>>) offsets(%dma_start3A_43 : memref<128xi32, #tpu.memory_space<vmem>>) semaphore(%arg13 : memref<!tpu.dma_semaphore, #tpu.memory_space<semaphore_mem>>)
      %dma_wait3A = arith.constant 0 : i32
      %dma_wait3A_47 = arith.constant 0 : i32
      %dma_wait3A_48 = tpu.memref_slice %arg6[%dma_wait3A, %dma_wait3A_47] : memref<8x128xi32, #tpu.memory_space<vmem>> -> memref<1x128xi32, #tpu.memory_space<vmem>>
      %dma_wait3A_49 = tpu.memref_squeeze %dma_wait3A_48 : memref<1x128xi32, #tpu.memory_space<vmem>> -> memref<128xi32, #tpu.memory_space<vmem>>
      %dma_wait3A_50 = arith.constant 0 : i32
      %dma_wait3A_51 = arith.constant 0 : i32
      %dma_wait3A_52 = tpu.memref_slice %arg11[%dma_wait3A_50, %dma_wait3A_51] : memref<10240x48xf32, #tpu.memory_space<vmem_shared>> -> memref<10240x48xf32, #tpu.memory_space<vmem_shared>>
      tpu.wait_indirect_dma semaphore(%arg12 : memref<!tpu.dma_semaphore, #tpu.memory_space<semaphore_mem>>) src(%dma_wait3A_52 : memref<10240x48xf32, #tpu.memory_space<vmem_shared>>) dst(%arg8 : memref<128x48xf32, #tpu.memory_space<vmem>>)
      %run_scoped3A = arith.constant 0 : i32
      "tpu.region"() ({
        %run_scoped3A_151 = tpu.sem_alloc : memref<!tpu.dma_semaphore, #tpu.memory_space<semaphore_mem>>
        %dma_start3A_152 = arith.constant 0 : i32
        %dma_start3A_153 = tpu.memref_slice %arg7[%run_scoped3A, %dma_start3A_152] : memref<8x128xi32, #tpu.memory_space<vmem>> -> memref<1x128xi32, #tpu.memory_space<vmem>>
        %dma_start3A_154 = tpu.memref_squeeze %dma_start3A_153 : memref<1x128xi32, #tpu.memory_space<vmem>> -> memref<128xi32, #tpu.memory_space<vmem>>
        %dma_start3A_155 = arith.constant 0 : i32
        %dma_start3A_156 = arith.constant 0 : i32
        %dma_start3A_157 = tpu.memref_slice %arg10[%dma_start3A_155, %dma_start3A_156] : memref<10240x48xf32, #tpu.memory_space<vmem_shared>> -> memref<10240x48xf32, #tpu.memory_space<vmem_shared>>
        tpu.enqueue_indirect_dma source(%arg8 : memref<128x48xf32, #tpu.memory_space<vmem>>) target(%dma_start3A_157 : memref<10240x48xf32, #tpu.memory_space<vmem_shared>>) offsets(%dma_start3A_154 : memref<128xi32, #tpu.memory_space<vmem>>) semaphore(%run_scoped3A_151 : memref<!tpu.dma_semaphore, #tpu.memory_space<semaphore_mem>>) {add = true}
        %dma_wait3A_158 = arith.constant 0 : i32
        %dma_wait3A_159 = tpu.memref_slice %arg7[%run_scoped3A, %dma_wait3A_158] : memref<8x128xi32, #tpu.memory_space<vmem>> -> memref<1x128xi32, #tpu.memory_space<vmem>>
        %dma_wait3A_160 = tpu.memref_squeeze %dma_wait3A_159 : memref<1x128xi32, #tpu.memory_space<vmem>> -> memref<128xi32, #tpu.memory_space<vmem>>
        %dma_wait3A_161 = arith.constant 0 : i32
        %dma_wait3A_162 = arith.constant 0 : i32
        %dma_wait3A_163 = tpu.memref_slice %arg10[%dma_wait3A_161, %dma_wait3A_162] : memref<10240x48xf32, #tpu.memory_space<vmem_shared>> -> memref<10240x48xf32, #tpu.memory_space<vmem_shared>>
        tpu.wait_indirect_dma semaphore(%run_scoped3A_151 : memref<!tpu.dma_semaphore, #tpu.memory_space<semaphore_mem>>) src(%arg8 : memref<128x48xf32, #tpu.memory_space<vmem>>) dst(%dma_wait3A_163 : memref<10240x48xf32, #tpu.memory_space<vmem_shared>>)
        tpu.yield
      }) : () -> ()
      %dma_start3A_53 = arith.constant 2 : i32
      %dma_start3A_54 = arith.constant 0 : i32
      %dma_start3A_55 = tpu.memref_slice %arg6[%dma_start3A_53, %dma_start3A_54] : memref<8x128xi32, #tpu.memory_space<vmem>> -> memref<1x128xi32, #tpu.memory_space<vmem>>
      %dma_start3A_56 = tpu.memref_squeeze %dma_start3A_55 : memref<1x128xi32, #tpu.memory_space<vmem>> -> memref<128xi32, #tpu.memory_space<vmem>>
      %dma_start3A_57 = arith.constant 0 : i32
      %dma_start3A_58 = arith.constant 0 : i32
      %dma_start3A_59 = tpu.memref_slice %arg11[%dma_start3A_57, %dma_start3A_58] : memref<10240x48xf32, #tpu.memory_space<vmem_shared>> -> memref<10240x48xf32, #tpu.memory_space<vmem_shared>>
      tpu.enqueue_indirect_dma source(%dma_start3A_59 : memref<10240x48xf32, #tpu.memory_space<vmem_shared>>) target(%arg8 : memref<128x48xf32, #tpu.memory_space<vmem>>) offsets(%dma_start3A_56 : memref<128xi32, #tpu.memory_space<vmem>>) semaphore(%arg12 : memref<!tpu.dma_semaphore, #tpu.memory_space<semaphore_mem>>)
      %dma_wait3A_60 = arith.constant 1 : i32
      %dma_wait3A_61 = arith.constant 0 : i32
      %dma_wait3A_62 = tpu.memref_slice %arg6[%dma_wait3A_60, %dma_wait3A_61] : memref<8x128xi32, #tpu.memory_space<vmem>> -> memref<1x128xi32, #tpu.memory_space<vmem>>
      %dma_wait3A_63 = tpu.memref_squeeze %dma_wait3A_62 : memref<1x128xi32, #tpu.memory_space<vmem>> -> memref<128xi32, #tpu.memory_space<vmem>>
      %dma_wait3A_64 = arith.constant 0 : i32
      %dma_wait3A_65 = arith.constant 0 : i32
      %dma_wait3A_66 = tpu.memref_slice %arg11[%dma_wait3A_64, %dma_wait3A_65] : memref<10240x48xf32, #tpu.memory_space<vmem_shared>> -> memref<10240x48xf32, #tpu.memory_space<vmem_shared>>
      tpu.wait_indirect_dma semaphore(%arg13 : memref<!tpu.dma_semaphore, #tpu.memory_space<semaphore_mem>>) src(%dma_wait3A_66 : memref<10240x48xf32, #tpu.memory_space<vmem_shared>>) dst(%arg9 : memref<128x48xf32, #tpu.memory_space<vmem>>)
      %run_scoped3A_67 = arith.constant 1 : i32
      "tpu.region"() ({
        %run_scoped3A_151 = tpu.sem_alloc : memref<!tpu.dma_semaphore, #tpu.memory_space<semaphore_mem>>
        %dma_start3A_152 = arith.constant 0 : i32
        %dma_start3A_153 = tpu.memref_slice %arg7[%run_scoped3A_67, %dma_start3A_152] : memref<8x128xi32, #tpu.memory_space<vmem>> -> memref<1x128xi32, #tpu.memory_space<vmem>>
        %dma_start3A_154 = tpu.memref_squeeze %dma_start3A_153 : memref<1x128xi32, #tpu.memory_space<vmem>> -> memref<128xi32, #tpu.memory_space<vmem>>
        %dma_start3A_155 = arith.constant 0 : i32
        %dma_start3A_156 = arith.constant 0 : i32
        %dma_start3A_157 = tpu.memref_slice %arg10[%dma_start3A_155, %dma_start3A_156] : memref<10240x48xf32, #tpu.memory_space<vmem_shared>> -> memref<10240x48xf32, #tpu.memory_space<vmem_shared>>
        tpu.enqueue_indirect_dma source(%arg9 : memref<128x48xf32, #tpu.memory_space<vmem>>) target(%dma_start3A_157 : memref<10240x48xf32, #tpu.memory_space<vmem_shared>>) offsets(%dma_start3A_154 : memref<128xi32, #tpu.memory_space<vmem>>) semaphore(%run_scoped3A_151 : memref<!tpu.dma_semaphore, #tpu.memory_space<semaphore_mem>>) {add = true}
        %dma_wait3A_158 = arith.constant 0 : i32
        %dma_wait3A_159 = tpu.memref_slice %arg7[%run_scoped3A_67, %dma_wait3A_158] : memref<8x128xi32, #tpu.memory_space<vmem>> -> memref<1x128xi32, #tpu.memory_space<vmem>>
        %dma_wait3A_160 = tpu.memref_squeeze %dma_wait3A_159 : memref<1x128xi32, #tpu.memory_space<vmem>> -> memref<128xi32, #tpu.memory_space<vmem>>
        %dma_wait3A_161 = arith.constant 0 : i32
        %dma_wait3A_162 = arith.constant 0 : i32
        %dma_wait3A_163 = tpu.memref_slice %arg10[%dma_wait3A_161, %dma_wait3A_162] : memref<10240x48xf32, #tpu.memory_space<vmem_shared>> -> memref<10240x48xf32, #tpu.memory_space<vmem_shared>>
        tpu.wait_indirect_dma semaphore(%run_scoped3A_151 : memref<!tpu.dma_semaphore, #tpu.memory_space<semaphore_mem>>) src(%arg9 : memref<128x48xf32, #tpu.memory_space<vmem>>) dst(%dma_wait3A_163 : memref<10240x48xf32, #tpu.memory_space<vmem_shared>>)
        tpu.yield
      }) : () -> ()
      %dma_start3A_68 = arith.constant 3 : i32
      %dma_start3A_69 = arith.constant 0 : i32
      %dma_start3A_70 = tpu.memref_slice %arg6[%dma_start3A_68, %dma_start3A_69] : memref<8x128xi32, #tpu.memory_space<vmem>> -> memref<1x128xi32, #tpu.memory_space<vmem>>
      %dma_start3A_71 = tpu.memref_squeeze %dma_start3A_70 : memref<1x128xi32, #tpu.memory_space<vmem>> -> memref<128xi32, #tpu.memory_space<vmem>>
      %dma_start3A_72 = arith.constant 0 : i32
      %dma_start3A_73 = arith.constant 0 : i32
      %dma_start3A_74 = tpu.memref_slice %arg11[%dma_start3A_72, %dma_start3A_73] : memref<10240x48xf32, #tpu.memory_space<vmem_shared>> -> memref<10240x48xf32, #tpu.memory_space<vmem_shared>>
      tpu.enqueue_indirect_dma source(%dma_start3A_74 : memref<10240x48xf32, #tpu.memory_space<vmem_shared>>) target(%arg9 : memref<128x48xf32, #tpu.memory_space<vmem>>) offsets(%dma_start3A_71 : memref<128xi32, #tpu.memory_space<vmem>>) semaphore(%arg13 : memref<!tpu.dma_semaphore, #tpu.memory_space<semaphore_mem>>)
      %dma_wait3A_75 = arith.constant 2 : i32
      %dma_wait3A_76 = arith.constant 0 : i32
      %dma_wait3A_77 = tpu.memref_slice %arg6[%dma_wait3A_75, %dma_wait3A_76] : memref<8x128xi32, #tpu.memory_space<vmem>> -> memref<1x128xi32, #tpu.memory_space<vmem>>
      %dma_wait3A_78 = tpu.memref_squeeze %dma_wait3A_77 : memref<1x128xi32, #tpu.memory_space<vmem>> -> memref<128xi32, #tpu.memory_space<vmem>>
      %dma_wait3A_79 = arith.constant 0 : i32
      %dma_wait3A_80 = arith.constant 0 : i32
      %dma_wait3A_81 = tpu.memref_slice %arg11[%dma_wait3A_79, %dma_wait3A_80] : memref<10240x48xf32, #tpu.memory_space<vmem_shared>> -> memref<10240x48xf32, #tpu.memory_space<vmem_shared>>
      tpu.wait_indirect_dma semaphore(%arg12 : memref<!tpu.dma_semaphore, #tpu.memory_space<semaphore_mem>>) src(%dma_wait3A_81 : memref<10240x48xf32, #tpu.memory_space<vmem_shared>>) dst(%arg8 : memref<128x48xf32, #tpu.memory_space<vmem>>)
      %run_scoped3A_82 = arith.constant 2 : i32
      "tpu.region"() ({
        %run_scoped3A_151 = tpu.sem_alloc : memref<!tpu.dma_semaphore, #tpu.memory_space<semaphore_mem>>
        %dma_start3A_152 = arith.constant 0 : i32
        %dma_start3A_153 = tpu.memref_slice %arg7[%run_scoped3A_82, %dma_start3A_152] : memref<8x128xi32, #tpu.memory_space<vmem>> -> memref<1x128xi32, #tpu.memory_space<vmem>>
        %dma_start3A_154 = tpu.memref_squeeze %dma_start3A_153 : memref<1x128xi32, #tpu.memory_space<vmem>> -> memref<128xi32, #tpu.memory_space<vmem>>
        %dma_start3A_155 = arith.constant 0 : i32
        %dma_start3A_156 = arith.constant 0 : i32
        %dma_start3A_157 = tpu.memref_slice %arg10[%dma_start3A_155, %dma_start3A_156] : memref<10240x48xf32, #tpu.memory_space<vmem_shared>> -> memref<10240x48xf32, #tpu.memory_space<vmem_shared>>
        tpu.enqueue_indirect_dma source(%arg8 : memref<128x48xf32, #tpu.memory_space<vmem>>) target(%dma_start3A_157 : memref<10240x48xf32, #tpu.memory_space<vmem_shared>>) offsets(%dma_start3A_154 : memref<128xi32, #tpu.memory_space<vmem>>) semaphore(%run_scoped3A_151 : memref<!tpu.dma_semaphore, #tpu.memory_space<semaphore_mem>>) {add = true}
        %dma_wait3A_158 = arith.constant 0 : i32
        %dma_wait3A_159 = tpu.memref_slice %arg7[%run_scoped3A_82, %dma_wait3A_158] : memref<8x128xi32, #tpu.memory_space<vmem>> -> memref<1x128xi32, #tpu.memory_space<vmem>>
        %dma_wait3A_160 = tpu.memref_squeeze %dma_wait3A_159 : memref<1x128xi32, #tpu.memory_space<vmem>> -> memref<128xi32, #tpu.memory_space<vmem>>
        %dma_wait3A_161 = arith.constant 0 : i32
        %dma_wait3A_162 = arith.constant 0 : i32
        %dma_wait3A_163 = tpu.memref_slice %arg10[%dma_wait3A_161, %dma_wait3A_162] : memref<10240x48xf32, #tpu.memory_space<vmem_shared>> -> memref<10240x48xf32, #tpu.memory_space<vmem_shared>>
        tpu.wait_indirect_dma semaphore(%run_scoped3A_151 : memref<!tpu.dma_semaphore, #tpu.memory_space<semaphore_mem>>) src(%arg8 : memref<128x48xf32, #tpu.memory_space<vmem>>) dst(%dma_wait3A_163 : memref<10240x48xf32, #tpu.memory_space<vmem_shared>>)
        tpu.yield
      }) : () -> ()
      %dma_start3A_83 = arith.constant 4 : i32
      %dma_start3A_84 = arith.constant 0 : i32
      %dma_start3A_85 = tpu.memref_slice %arg6[%dma_start3A_83, %dma_start3A_84] : memref<8x128xi32, #tpu.memory_space<vmem>> -> memref<1x128xi32, #tpu.memory_space<vmem>>
      %dma_start3A_86 = tpu.memref_squeeze %dma_start3A_85 : memref<1x128xi32, #tpu.memory_space<vmem>> -> memref<128xi32, #tpu.memory_space<vmem>>
      %dma_start3A_87 = arith.constant 0 : i32
      %dma_start3A_88 = arith.constant 0 : i32
      %dma_start3A_89 = tpu.memref_slice %arg11[%dma_start3A_87, %dma_start3A_88] : memref<10240x48xf32, #tpu.memory_space<vmem_shared>> -> memref<10240x48xf32, #tpu.memory_space<vmem_shared>>
      tpu.enqueue_indirect_dma source(%dma_start3A_89 : memref<10240x48xf32, #tpu.memory_space<vmem_shared>>) target(%arg8 : memref<128x48xf32, #tpu.memory_space<vmem>>) offsets(%dma_start3A_86 : memref<128xi32, #tpu.memory_space<vmem>>) semaphore(%arg12 : memref<!tpu.dma_semaphore, #tpu.memory_space<semaphore_mem>>)
      %dma_wait3A_90 = arith.constant 3 : i32
      %dma_wait3A_91 = arith.constant 0 : i32
      %dma_wait3A_92 = tpu.memref_slice %arg6[%dma_wait3A_90, %dma_wait3A_91] : memref<8x128xi32, #tpu.memory_space<vmem>> -> memref<1x128xi32, #tpu.memory_space<vmem>>
      %dma_wait3A_93 = tpu.memref_squeeze %dma_wait3A_92 : memref<1x128xi32, #tpu.memory_space<vmem>> -> memref<128xi32, #tpu.memory_space<vmem>>
      %dma_wait3A_94 = arith.constant 0 : i32
      %dma_wait3A_95 = arith.constant 0 : i32
      %dma_wait3A_96 = tpu.memref_slice %arg11[%dma_wait3A_94, %dma_wait3A_95] : memref<10240x48xf32, #tpu.memory_space<vmem_shared>> -> memref<10240x48xf32, #tpu.memory_space<vmem_shared>>
      tpu.wait_indirect_dma semaphore(%arg13 : memref<!tpu.dma_semaphore, #tpu.memory_space<semaphore_mem>>) src(%dma_wait3A_96 : memref<10240x48xf32, #tpu.memory_space<vmem_shared>>) dst(%arg9 : memref<128x48xf32, #tpu.memory_space<vmem>>)
      %run_scoped3A_97 = arith.constant 3 : i32
      "tpu.region"() ({
        %run_scoped3A_151 = tpu.sem_alloc : memref<!tpu.dma_semaphore, #tpu.memory_space<semaphore_mem>>
        %dma_start3A_152 = arith.constant 0 : i32
        %dma_start3A_153 = tpu.memref_slice %arg7[%run_scoped3A_97, %dma_start3A_152] : memref<8x128xi32, #tpu.memory_space<vmem>> -> memref<1x128xi32, #tpu.memory_space<vmem>>
        %dma_start3A_154 = tpu.memref_squeeze %dma_start3A_153 : memref<1x128xi32, #tpu.memory_space<vmem>> -> memref<128xi32, #tpu.memory_space<vmem>>
        %dma_start3A_155 = arith.constant 0 : i32
        %dma_start3A_156 = arith.constant 0 : i32
        %dma_start3A_157 = tpu.memref_slice %arg10[%dma_start3A_155, %dma_start3A_156] : memref<10240x48xf32, #tpu.memory_space<vmem_shared>> -> memref<10240x48xf32, #tpu.memory_space<vmem_shared>>
        tpu.enqueue_indirect_dma source(%arg9 : memref<128x48xf32, #tpu.memory_space<vmem>>) target(%dma_start3A_157 : memref<10240x48xf32, #tpu.memory_space<vmem_shared>>) offsets(%dma_start3A_154 : memref<128xi32, #tpu.memory_space<vmem>>) semaphore(%run_scoped3A_151 : memref<!tpu.dma_semaphore, #tpu.memory_space<semaphore_mem>>) {add = true}
        %dma_wait3A_158 = arith.constant 0 : i32
        %dma_wait3A_159 = tpu.memref_slice %arg7[%run_scoped3A_97, %dma_wait3A_158] : memref<8x128xi32, #tpu.memory_space<vmem>> -> memref<1x128xi32, #tpu.memory_space<vmem>>
        %dma_wait3A_160 = tpu.memref_squeeze %dma_wait3A_159 : memref<1x128xi32, #tpu.memory_space<vmem>> -> memref<128xi32, #tpu.memory_space<vmem>>
        %dma_wait3A_161 = arith.constant 0 : i32
        %dma_wait3A_162 = arith.constant 0 : i32
        %dma_wait3A_163 = tpu.memref_slice %arg10[%dma_wait3A_161, %dma_wait3A_162] : memref<10240x48xf32, #tpu.memory_space<vmem_shared>> -> memref<10240x48xf32, #tpu.memory_space<vmem_shared>>
        tpu.wait_indirect_dma semaphore(%run_scoped3A_151 : memref<!tpu.dma_semaphore, #tpu.memory_space<semaphore_mem>>) src(%arg9 : memref<128x48xf32, #tpu.memory_space<vmem>>) dst(%dma_wait3A_163 : memref<10240x48xf32, #tpu.memory_space<vmem_shared>>)
        tpu.yield
      }) : () -> ()
      %dma_start3A_98 = arith.constant 5 : i32
      %dma_start3A_99 = arith.constant 0 : i32
      %dma_start3A_100 = tpu.memref_slice %arg6[%dma_start3A_98, %dma_start3A_99] : memref<8x128xi32, #tpu.memory_space<vmem>> -> memref<1x128xi32, #tpu.memory_space<vmem>>
      %dma_start3A_101 = tpu.memref_squeeze %dma_start3A_100 : memref<1x128xi32, #tpu.memory_space<vmem>> -> memref<128xi32, #tpu.memory_space<vmem>>
      %dma_start3A_102 = arith.constant 0 : i32
      %dma_start3A_103 = arith.constant 0 : i32
      %dma_start3A_104 = tpu.memref_slice %arg11[%dma_start3A_102, %dma_start3A_103] : memref<10240x48xf32, #tpu.memory_space<vmem_shared>> -> memref<10240x48xf32, #tpu.memory_space<vmem_shared>>
      tpu.enqueue_indirect_dma source(%dma_start3A_104 : memref<10240x48xf32, #tpu.memory_space<vmem_shared>>) target(%arg9 : memref<128x48xf32, #tpu.memory_space<vmem>>) offsets(%dma_start3A_101 : memref<128xi32, #tpu.memory_space<vmem>>) semaphore(%arg13 : memref<!tpu.dma_semaphore, #tpu.memory_space<semaphore_mem>>)
      %dma_wait3A_105 = arith.constant 4 : i32
      %dma_wait3A_106 = arith.constant 0 : i32
      %dma_wait3A_107 = tpu.memref_slice %arg6[%dma_wait3A_105, %dma_wait3A_106] : memref<8x128xi32, #tpu.memory_space<vmem>> -> memref<1x128xi32, #tpu.memory_space<vmem>>
      %dma_wait3A_108 = tpu.memref_squeeze %dma_wait3A_107 : memref<1x128xi32, #tpu.memory_space<vmem>> -> memref<128xi32, #tpu.memory_space<vmem>>
      %dma_wait3A_109 = arith.constant 0 : i32
      %dma_wait3A_110 = arith.constant 0 : i32
      %dma_wait3A_111 = tpu.memref_slice %arg11[%dma_wait3A_109, %dma_wait3A_110] : memref<10240x48xf32, #tpu.memory_space<vmem_shared>> -> memref<10240x48xf32, #tpu.memory_space<vmem_shared>>
      tpu.wait_indirect_dma semaphore(%arg12 : memref<!tpu.dma_semaphore, #tpu.memory_space<semaphore_mem>>) src(%dma_wait3A_111 : memref<10240x48xf32, #tpu.memory_space<vmem_shared>>) dst(%arg8 : memref<128x48xf32, #tpu.memory_space<vmem>>)
      %run_scoped3A_112 = arith.constant 4 : i32
      "tpu.region"() ({
        %run_scoped3A_151 = tpu.sem_alloc : memref<!tpu.dma_semaphore, #tpu.memory_space<semaphore_mem>>
        %dma_start3A_152 = arith.constant 0 : i32
        %dma_start3A_153 = tpu.memref_slice %arg7[%run_scoped3A_112, %dma_start3A_152] : memref<8x128xi32, #tpu.memory_space<vmem>> -> memref<1x128xi32, #tpu.memory_space<vmem>>
        %dma_start3A_154 = tpu.memref_squeeze %dma_start3A_153 : memref<1x128xi32, #tpu.memory_space<vmem>> -> memref<128xi32, #tpu.memory_space<vmem>>
        %dma_start3A_155 = arith.constant 0 : i32
        %dma_start3A_156 = arith.constant 0 : i32
        %dma_start3A_157 = tpu.memref_slice %arg10[%dma_start3A_155, %dma_start3A_156] : memref<10240x48xf32, #tpu.memory_space<vmem_shared>> -> memref<10240x48xf32, #tpu.memory_space<vmem_shared>>
        tpu.enqueue_indirect_dma source(%arg8 : memref<128x48xf32, #tpu.memory_space<vmem>>) target(%dma_start3A_157 : memref<10240x48xf32, #tpu.memory_space<vmem_shared>>) offsets(%dma_start3A_154 : memref<128xi32, #tpu.memory_space<vmem>>) semaphore(%run_scoped3A_151 : memref<!tpu.dma_semaphore, #tpu.memory_space<semaphore_mem>>) {add = true}
        %dma_wait3A_158 = arith.constant 0 : i32
        %dma_wait3A_159 = tpu.memref_slice %arg7[%run_scoped3A_112, %dma_wait3A_158] : memref<8x128xi32, #tpu.memory_space<vmem>> -> memref<1x128xi32, #tpu.memory_space<vmem>>
        %dma_wait3A_160 = tpu.memref_squeeze %dma_wait3A_159 : memref<1x128xi32, #tpu.memory_space<vmem>> -> memref<128xi32, #tpu.memory_space<vmem>>
        %dma_wait3A_161 = arith.constant 0 : i32
        %dma_wait3A_162 = arith.constant 0 : i32
        %dma_wait3A_163 = tpu.memref_slice %arg10[%dma_wait3A_161, %dma_wait3A_162] : memref<10240x48xf32, #tpu.memory_space<vmem_shared>> -> memref<10240x48xf32, #tpu.memory_space<vmem_shared>>
        tpu.wait_indirect_dma semaphore(%run_scoped3A_151 : memref<!tpu.dma_semaphore, #tpu.memory_space<semaphore_mem>>) src(%arg8 : memref<128x48xf32, #tpu.memory_space<vmem>>) dst(%dma_wait3A_163 : memref<10240x48xf32, #tpu.memory_space<vmem_shared>>)
        tpu.yield
      }) : () -> ()
      %dma_start3A_113 = arith.constant 6 : i32
      %dma_start3A_114 = arith.constant 0 : i32
      %dma_start3A_115 = tpu.memref_slice %arg6[%dma_start3A_113, %dma_start3A_114] : memref<8x128xi32, #tpu.memory_space<vmem>> -> memref<1x128xi32, #tpu.memory_space<vmem>>
      %dma_start3A_116 = tpu.memref_squeeze %dma_start3A_115 : memref<1x128xi32, #tpu.memory_space<vmem>> -> memref<128xi32, #tpu.memory_space<vmem>>
      %dma_start3A_117 = arith.constant 0 : i32
      %dma_start3A_118 = arith.constant 0 : i32
      %dma_start3A_119 = tpu.memref_slice %arg11[%dma_start3A_117, %dma_start3A_118] : memref<10240x48xf32, #tpu.memory_space<vmem_shared>> -> memref<10240x48xf32, #tpu.memory_space<vmem_shared>>
      tpu.enqueue_indirect_dma source(%dma_start3A_119 : memref<10240x48xf32, #tpu.memory_space<vmem_shared>>) target(%arg8 : memref<128x48xf32, #tpu.memory_space<vmem>>) offsets(%dma_start3A_116 : memref<128xi32, #tpu.memory_space<vmem>>) semaphore(%arg12 : memref<!tpu.dma_semaphore, #tpu.memory_space<semaphore_mem>>)
      %dma_wait3A_120 = arith.constant 5 : i32
      %dma_wait3A_121 = arith.constant 0 : i32
      %dma_wait3A_122 = tpu.memref_slice %arg6[%dma_wait3A_120, %dma_wait3A_121] : memref<8x128xi32, #tpu.memory_space<vmem>> -> memref<1x128xi32, #tpu.memory_space<vmem>>
      %dma_wait3A_123 = tpu.memref_squeeze %dma_wait3A_122 : memref<1x128xi32, #tpu.memory_space<vmem>> -> memref<128xi32, #tpu.memory_space<vmem>>
      %dma_wait3A_124 = arith.constant 0 : i32
      %dma_wait3A_125 = arith.constant 0 : i32
      %dma_wait3A_126 = tpu.memref_slice %arg11[%dma_wait3A_124, %dma_wait3A_125] : memref<10240x48xf32, #tpu.memory_space<vmem_shared>> -> memref<10240x48xf32, #tpu.memory_space<vmem_shared>>
      tpu.wait_indirect_dma semaphore(%arg13 : memref<!tpu.dma_semaphore, #tpu.memory_space<semaphore_mem>>) src(%dma_wait3A_126 : memref<10240x48xf32, #tpu.memory_space<vmem_shared>>) dst(%arg9 : memref<128x48xf32, #tpu.memory_space<vmem>>)
      %run_scoped3A_127 = arith.constant 5 : i32
      "tpu.region"() ({
        %run_scoped3A_151 = tpu.sem_alloc : memref<!tpu.dma_semaphore, #tpu.memory_space<semaphore_mem>>
        %dma_start3A_152 = arith.constant 0 : i32
        %dma_start3A_153 = tpu.memref_slice %arg7[%run_scoped3A_127, %dma_start3A_152] : memref<8x128xi32, #tpu.memory_space<vmem>> -> memref<1x128xi32, #tpu.memory_space<vmem>>
        %dma_start3A_154 = tpu.memref_squeeze %dma_start3A_153 : memref<1x128xi32, #tpu.memory_space<vmem>> -> memref<128xi32, #tpu.memory_space<vmem>>
        %dma_start3A_155 = arith.constant 0 : i32
        %dma_start3A_156 = arith.constant 0 : i32
        %dma_start3A_157 = tpu.memref_slice %arg10[%dma_start3A_155, %dma_start3A_156] : memref<10240x48xf32, #tpu.memory_space<vmem_shared>> -> memref<10240x48xf32, #tpu.memory_space<vmem_shared>>
        tpu.enqueue_indirect_dma source(%arg9 : memref<128x48xf32, #tpu.memory_space<vmem>>) target(%dma_start3A_157 : memref<10240x48xf32, #tpu.memory_space<vmem_shared>>) offsets(%dma_start3A_154 : memref<128xi32, #tpu.memory_space<vmem>>) semaphore(%run_scoped3A_151 : memref<!tpu.dma_semaphore, #tpu.memory_space<semaphore_mem>>) {add = true}
        %dma_wait3A_158 = arith.constant 0 : i32
        %dma_wait3A_159 = tpu.memref_slice %arg7[%run_scoped3A_127, %dma_wait3A_158] : memref<8x128xi32, #tpu.memory_space<vmem>> -> memref<1x128xi32, #tpu.memory_space<vmem>>
        %dma_wait3A_160 = tpu.memref_squeeze %dma_wait3A_159 : memref<1x128xi32, #tpu.memory_space<vmem>> -> memref<128xi32, #tpu.memory_space<vmem>>
        %dma_wait3A_161 = arith.constant 0 : i32
        %dma_wait3A_162 = arith.constant 0 : i32
        %dma_wait3A_163 = tpu.memref_slice %arg10[%dma_wait3A_161, %dma_wait3A_162] : memref<10240x48xf32, #tpu.memory_space<vmem_shared>> -> memref<10240x48xf32, #tpu.memory_space<vmem_shared>>
        tpu.wait_indirect_dma semaphore(%run_scoped3A_151 : memref<!tpu.dma_semaphore, #tpu.memory_space<semaphore_mem>>) src(%arg9 : memref<128x48xf32, #tpu.memory_space<vmem>>) dst(%dma_wait3A_163 : memref<10240x48xf32, #tpu.memory_space<vmem_shared>>)
        tpu.yield
      }) : () -> ()
      %dma_start3A_128 = arith.constant 7 : i32
      %dma_start3A_129 = arith.constant 0 : i32
      %dma_start3A_130 = tpu.memref_slice %arg6[%dma_start3A_128, %dma_start3A_129] : memref<8x128xi32, #tpu.memory_space<vmem>> -> memref<1x128xi32, #tpu.memory_space<vmem>>
      %dma_start3A_131 = tpu.memref_squeeze %dma_start3A_130 : memref<1x128xi32, #tpu.memory_space<vmem>> -> memref<128xi32, #tpu.memory_space<vmem>>
      %dma_start3A_132 = arith.constant 0 : i32
      %dma_start3A_133 = arith.constant 0 : i32
      %dma_start3A_134 = tpu.memref_slice %arg11[%dma_start3A_132, %dma_start3A_133] : memref<10240x48xf32, #tpu.memory_space<vmem_shared>> -> memref<10240x48xf32, #tpu.memory_space<vmem_shared>>
      tpu.enqueue_indirect_dma source(%dma_start3A_134 : memref<10240x48xf32, #tpu.memory_space<vmem_shared>>) target(%arg9 : memref<128x48xf32, #tpu.memory_space<vmem>>) offsets(%dma_start3A_131 : memref<128xi32, #tpu.memory_space<vmem>>) semaphore(%arg13 : memref<!tpu.dma_semaphore, #tpu.memory_space<semaphore_mem>>)
      %dma_wait3A_135 = arith.constant 6 : i32
      %dma_wait3A_136 = arith.constant 0 : i32
      %dma_wait3A_137 = tpu.memref_slice %arg6[%dma_wait3A_135, %dma_wait3A_136] : memref<8x128xi32, #tpu.memory_space<vmem>> -> memref<1x128xi32, #tpu.memory_space<vmem>>
      %dma_wait3A_138 = tpu.memref_squeeze %dma_wait3A_137 : memref<1x128xi32, #tpu.memory_space<vmem>> -> memref<128xi32, #tpu.memory_space<vmem>>
      %dma_wait3A_139 = arith.constant 0 : i32
      %dma_wait3A_140 = arith.constant 0 : i32
      %dma_wait3A_141 = tpu.memref_slice %arg11[%dma_wait3A_139, %dma_wait3A_140] : memref<10240x48xf32, #tpu.memory_space<vmem_shared>> -> memref<10240x48xf32, #tpu.memory_space<vmem_shared>>
      tpu.wait_indirect_dma semaphore(%arg12 : memref<!tpu.dma_semaphore, #tpu.memory_space<semaphore_mem>>) src(%dma_wait3A_141 : memref<10240x48xf32, #tpu.memory_space<vmem_shared>>) dst(%arg8 : memref<128x48xf32, #tpu.memory_space<vmem>>)
      %run_scoped3A_142 = arith.constant 6 : i32
      "tpu.region"() ({
        %run_scoped3A_151 = tpu.sem_alloc : memref<!tpu.dma_semaphore, #tpu.memory_space<semaphore_mem>>
        %dma_start3A_152 = arith.constant 0 : i32
        %dma_start3A_153 = tpu.memref_slice %arg7[%run_scoped3A_142, %dma_start3A_152] : memref<8x128xi32, #tpu.memory_space<vmem>> -> memref<1x128xi32, #tpu.memory_space<vmem>>
        %dma_start3A_154 = tpu.memref_squeeze %dma_start3A_153 : memref<1x128xi32, #tpu.memory_space<vmem>> -> memref<128xi32, #tpu.memory_space<vmem>>
        %dma_start3A_155 = arith.constant 0 : i32
        %dma_start3A_156 = arith.constant 0 : i32
        %dma_start3A_157 = tpu.memref_slice %arg10[%dma_start3A_155, %dma_start3A_156] : memref<10240x48xf32, #tpu.memory_space<vmem_shared>> -> memref<10240x48xf32, #tpu.memory_space<vmem_shared>>
        tpu.enqueue_indirect_dma source(%arg8 : memref<128x48xf32, #tpu.memory_space<vmem>>) target(%dma_start3A_157 : memref<10240x48xf32, #tpu.memory_space<vmem_shared>>) offsets(%dma_start3A_154 : memref<128xi32, #tpu.memory_space<vmem>>) semaphore(%run_scoped3A_151 : memref<!tpu.dma_semaphore, #tpu.memory_space<semaphore_mem>>) {add = true}
        %dma_wait3A_158 = arith.constant 0 : i32
        %dma_wait3A_159 = tpu.memref_slice %arg7[%run_scoped3A_142, %dma_wait3A_158] : memref<8x128xi32, #tpu.memory_space<vmem>> -> memref<1x128xi32, #tpu.memory_space<vmem>>
        %dma_wait3A_160 = tpu.memref_squeeze %dma_wait3A_159 : memref<1x128xi32, #tpu.memory_space<vmem>> -> memref<128xi32, #tpu.memory_space<vmem>>
        %dma_wait3A_161 = arith.constant 0 : i32
        %dma_wait3A_162 = arith.constant 0 : i32
        %dma_wait3A_163 = tpu.memref_slice %arg10[%dma_wait3A_161, %dma_wait3A_162] : memref<10240x48xf32, #tpu.memory_space<vmem_shared>> -> memref<10240x48xf32, #tpu.memory_space<vmem_shared>>
        tpu.wait_indirect_dma semaphore(%run_scoped3A_151 : memref<!tpu.dma_semaphore, #tpu.memory_space<semaphore_mem>>) src(%arg8 : memref<128x48xf32, #tpu.memory_space<vmem>>) dst(%dma_wait3A_163 : memref<10240x48xf32, #tpu.memory_space<vmem_shared>>)
        tpu.yield
      }) : () -> ()
      %dma_wait3A_143 = arith.constant 7 : i32
      %dma_wait3A_144 = arith.constant 0 : i32
      %dma_wait3A_145 = tpu.memref_slice %arg6[%dma_wait3A_143, %dma_wait3A_144] : memref<8x128xi32, #tpu.memory_space<vmem>> -> memref<1x128xi32, #tpu.memory_space<vmem>>
      %dma_wait3A_146 = tpu.memref_squeeze %dma_wait3A_145 : memref<1x128xi32, #tpu.memory_space<vmem>> -> memref<128xi32, #tpu.memory_space<vmem>>
      %dma_wait3A_147 = arith.constant 0 : i32
      %dma_wait3A_148 = arith.constant 0 : i32
      %dma_wait3A_149 = tpu.memref_slice %arg11[%dma_wait3A_147, %dma_wait3A_148] : memref<10240x48xf32, #tpu.memory_space<vmem_shared>> -> memref<10240x48xf32, #tpu.memory_space<vmem_shared>>
      tpu.wait_indirect_dma semaphore(%arg13 : memref<!tpu.dma_semaphore, #tpu.memory_space<semaphore_mem>>) src(%dma_wait3A_149 : memref<10240x48xf32, #tpu.memory_space<vmem_shared>>) dst(%arg9 : memref<128x48xf32, #tpu.memory_space<vmem>>)
      %run_scoped3A_150 = arith.constant 7 : i32
      "tpu.region"() ({
        %run_scoped3A_151 = tpu.sem_alloc : memref<!tpu.dma_semaphore, #tpu.memory_space<semaphore_mem>>
        %dma_start3A_152 = arith.constant 0 : i32
        %dma_start3A_153 = tpu.memref_slice %arg7[%run_scoped3A_150, %dma_start3A_152] : memref<8x128xi32, #tpu.memory_space<vmem>> -> memref<1x128xi32, #tpu.memory_space<vmem>>
        %dma_start3A_154 = tpu.memref_squeeze %dma_start3A_153 : memref<1x128xi32, #tpu.memory_space<vmem>> -> memref<128xi32, #tpu.memory_space<vmem>>
        %dma_start3A_155 = arith.constant 0 : i32
        %dma_start3A_156 = arith.constant 0 : i32
        %dma_start3A_157 = tpu.memref_slice %arg10[%dma_start3A_155, %dma_start3A_156] : memref<10240x48xf32, #tpu.memory_space<vmem_shared>> -> memref<10240x48xf32, #tpu.memory_space<vmem_shared>>
        tpu.enqueue_indirect_dma source(%arg9 : memref<128x48xf32, #tpu.memory_space<vmem>>) target(%dma_start3A_157 : memref<10240x48xf32, #tpu.memory_space<vmem_shared>>) offsets(%dma_start3A_154 : memref<128xi32, #tpu.memory_space<vmem>>) semaphore(%run_scoped3A_151 : memref<!tpu.dma_semaphore, #tpu.memory_space<semaphore_mem>>) {add = true}
        %dma_wait3A_158 = arith.constant 0 : i32
        %dma_wait3A_159 = tpu.memref_slice %arg7[%run_scoped3A_150, %dma_wait3A_158] : memref<8x128xi32, #tpu.memory_space<vmem>> -> memref<1x128xi32, #tpu.memory_space<vmem>>
        %dma_wait3A_160 = tpu.memref_squeeze %dma_wait3A_159 : memref<1x128xi32, #tpu.memory_space<vmem>> -> memref<128xi32, #tpu.memory_space<vmem>>
        %dma_wait3A_161 = arith.constant 0 : i32
        %dma_wait3A_162 = arith.constant 0 : i32
        %dma_wait3A_163 = tpu.memref_slice %arg10[%dma_wait3A_161, %dma_wait3A_162] : memref<10240x48xf32, #tpu.memory_space<vmem_shared>> -> memref<10240x48xf32, #tpu.memory_space<vmem_shared>>
        tpu.wait_indirect_dma semaphore(%run_scoped3A_151 : memref<!tpu.dma_semaphore, #tpu.memory_space<semaphore_mem>>) src(%arg9 : memref<128x48xf32, #tpu.memory_space<vmem>>) dst(%dma_wait3A_163 : memref<10240x48xf32, #tpu.memory_space<vmem_shared>>)
        tpu.yield
      }) : () -> ()
    }
    %scan3A_24 = arith.constant 10 : i32
    %barrier3A_25 = arith.constant 0 : index
    tpu.barrier barrier_id(%barrier3A_25)
    %mul3A_26 = arith.constant 640 : i32
    %mul3A_27 = arith.muli %arg1, %mul3A_26 : i32
    %mul3A_28 = arith.constant 640 : i32
    %mul3A_29 = arith.muli %arg1, %mul3A_28 : i32
    "tpu.region"() ({
      %run_scoped3A = tpu.sem_alloc : memref<!tpu.dma_semaphore, #tpu.memory_space<semaphore_mem>>
      %dma_start3A = arith.constant 0 : i32
      %dma_start3A_30 = tpu.memref_slice %arg5[%arg0, %mul3A_29, %dma_start3A] : memref<2x10240x48xf32, #tpu.memory_space<hbm>> -> memref<1x640x48xf32, #tpu.memory_space<hbm>>
      %dma_start3A_31 = tpu.memref_squeeze %dma_start3A_30 : memref<1x640x48xf32, #tpu.memory_space<hbm>> -> memref<640x48xf32, #tpu.memory_space<hbm>>
      %dma_start3A_32 = arith.constant 0 : i32
      %dma_start3A_33 = tpu.memref_slice %arg10[%mul3A_27, %dma_start3A_32] : memref<10240x48xf32, #tpu.memory_space<vmem_shared>> -> memref<640x48xf32, #tpu.memory_space<vmem_shared>>
      tpu.enqueue_dma source(%dma_start3A_33 : memref<640x48xf32, #tpu.memory_space<vmem_shared>>) target(%dma_start3A_31 : memref<640x48xf32, #tpu.memory_space<hbm>>) target_semaphore(%run_scoped3A : memref<!tpu.dma_semaphore, #tpu.memory_space<semaphore_mem>>)
      %dma_wait3A = arith.constant 0 : i32
      %dma_wait3A_34 = tpu.memref_slice %arg5[%arg0, %mul3A_29, %dma_wait3A] : memref<2x10240x48xf32, #tpu.memory_space<hbm>> -> memref<1x640x48xf32, #tpu.memory_space<hbm>>
      %dma_wait3A_35 = tpu.memref_squeeze %dma_wait3A_34 : memref<1x640x48xf32, #tpu.memory_space<hbm>> -> memref<640x48xf32, #tpu.memory_space<hbm>>
      %dma_wait3A_36 = arith.constant 0 : i32
      %dma_wait3A_37 = tpu.memref_slice %arg10[%mul3A_27, %dma_wait3A_36] : memref<10240x48xf32, #tpu.memory_space<vmem_shared>> -> memref<640x48xf32, #tpu.memory_space<vmem_shared>>
      tpu.wait_dma2 semaphore(%run_scoped3A : memref<!tpu.dma_semaphore, #tpu.memory_space<semaphore_mem>>) src(%dma_wait3A_37 : memref<640x48xf32, #tpu.memory_space<vmem_shared>>) dst(%dma_wait3A_35 : memref<640x48xf32, #tpu.memory_space<hbm>>)
      tpu.yield
    }) : () -> ()
    return
  }
}

module attributes {stable_mosaic.version = 14 : i64} {
  func.func @_tc1_body(%arg0: i32, %arg1: memref<1024x128xf32, #tpu.memory_space<vmem>>, %arg2: memref<32x1024xf32, #tpu.memory_space<vmem>>, %arg3: memref<128x128xf32, #tpu.memory_space<vmem>>, %arg4: memref<1024x64xf32, #tpu.memory_space<vmem>>, %arg5: memref<1024x64xf32, #tpu.memory_space<vmem>>) attributes {dimension_semantics = [#tpu.dimension_semantics<arbitrary>], iteration_bounds = array<i64: 10>, scalar_prefetch = 0 : i64, scratch_operands = 0 : i64, tpu.core_type = #tpu.core_type<tc>, window_params = [{transform_indices = @transform_0, window_bounds = array<i64: 1024, 128>}, {transform_indices = @transform_1, window_bounds = array<i64: 32, 1024>}, {pipeline_mode = #tpu.pipeline_mode<synchronous>, transform_indices = @transform_2, window_bounds = array<i64: 128, 128>}, {transform_indices = @transform_3, window_bounds = array<i64: 1024, 64>}, {transform_indices = @transform_4, window_bounds = array<i64: 1024, 64>}]} {
    %get3A = arith.constant 0 : index
    %get3A_0 = arith.constant 0 : index
    %get3A_1 = vector.load %arg2[%get3A, %get3A_0] : memref<32x1024xf32, #tpu.memory_space<vmem>>, vector<32x1024xf32>
    %reduce_sum3A = arith.constant dense<0.000000e+00> : vector<1024xf32>
    %reduce_sum3A_2 = vector.multi_reduction <add>, %get3A_1, %reduce_sum3A [0] : vector<32x1024xf32> to vector<1024xf32>
    %add3A = arith.constant 1.000000e+00 : f32
    %add3A_3 = vector.broadcast %add3A : f32 to vector<1024xf32>
    %add3A_4 = arith.addf %reduce_sum3A_2, %add3A_3 : vector<1024xf32>
    %rsqrt3A = math.rsqrt %add3A_4 : vector<1024xf32>
    %get3A_5 = arith.constant 0 : index
    %get3A_6 = arith.constant 0 : index
    %get3A_7 = vector.load %arg1[%get3A_5, %get3A_6] : memref<1024x128xf32, #tpu.memory_space<vmem>>, vector<1024x128xf32>
    %get3A_8 = arith.constant 0 : index
    %get3A_9 = arith.constant 0 : index
    %get3A_10 = vector.load %arg3[%get3A_8, %get3A_9] : memref<128x128xf32, #tpu.memory_space<vmem>>, vector<128x128xf32>
    %dot_general3A = arith.constant dense<0.000000e+00> : vector<1024x128xf32>
    %dot_general3A_11 = tpu.matmul %get3A_7, %get3A_10, %dot_general3A {dimension_numbers = #tpu.dot_dimension_numbers<[1], [0], [0], [1], [0, 0, 1, 1], [], []>, transpose_lhs_hint = false} : vector<1024x128xf32>, vector<128x128xf32>, vector<1024x128xf32> -> vector<1024x128xf32>
    %broadcast_in_dim3A = vector.shape_cast %rsqrt3A : vector<1024xf32> to vector<1024x1xf32>
    %mul3A = vector.broadcast %broadcast_in_dim3A : vector<1024x1xf32> to vector<1024x128xf32>
    %mul3A_12 = arith.mulf %dot_general3A_11, %mul3A : vector<1024x128xf32>
    %slice3A = vector.extract_strided_slice %mul3A_12 {offsets = [0, 0], sizes = [1024, 64], strides = [1, 1]} : vector<1024x128xf32> to vector<1024x64xf32>
    %swap3A = arith.constant 0 : index
    %swap3A_13 = arith.constant 0 : index
    %swap3A_14 = vector.load %arg4[%swap3A, %swap3A_13] : memref<1024x64xf32, #tpu.memory_space<vmem>>, vector<1024x64xf32>
    tpu.vector_store %arg4[%swap3A, %swap3A_13], %slice3A {strides = array<i32>} : memref<1024x64xf32, #tpu.memory_space<vmem>>, vector<1024x64xf32>,
    %slice3A_15 = vector.extract_strided_slice %mul3A_12 {offsets = [0, 64], sizes = [1024, 64], strides = [1, 1]} : vector<1024x128xf32> to vector<1024x64xf32>
    %swap3A_16 = arith.constant 0 : index
    %swap3A_17 = arith.constant 0 : index
    %swap3A_18 = vector.load %arg5[%swap3A_16, %swap3A_17] : memref<1024x64xf32, #tpu.memory_space<vmem>>, vector<1024x64xf32>
    tpu.vector_store %arg5[%swap3A_16, %swap3A_17], %slice3A_15 {strides = array<i32>} : memref<1024x64xf32, #tpu.memory_space<vmem>>, vector<1024x64xf32>,
    return
  }
  func.func @transform_0(%arg0: i32) -> (i32, i32) {
    %c0_i32 = arith.constant 0 : i32
    %c0_i32_0 = arith.constant 0 : i32
    return %arg0, %c0_i32 : i32, i32
  }
  func.func @transform_1(%arg0: i32) -> (i32, i32) {
    %c0_i32 = arith.constant 0 : i32
    %c0_i32_0 = arith.constant 0 : i32
    return %c0_i32, %arg0 : i32, i32
  }
  func.func @transform_2(%arg0: i32) -> (i32, i32) {
    %c0_i32 = arith.constant 0 : i32
    %c0_i32_0 = arith.constant 0 : i32
    %c0_i32_1 = arith.constant 0 : i32
    return %c0_i32, %c0_i32_0 : i32, i32
  }
  func.func @transform_3(%arg0: i32) -> (i32, i32) {
    %c0_i32 = arith.constant 0 : i32
    %c0_i32_0 = arith.constant 0 : i32
    return %arg0, %c0_i32 : i32, i32
  }
  func.func @transform_4(%arg0: i32) -> (i32, i32) {
    %c0_i32 = arith.constant 0 : i32
    %c0_i32_0 = arith.constant 0 : i32
    return %arg0, %c0_i32 : i32, i32
  }
}

module attributes {stable_mosaic.version = 14 : i64} {
  func.func @_tc2_body(%arg0: i32, %arg1: memref<2x1024x64xf32, #tpu.memory_space<vmem>>, %arg2: memref<2x1024x64xf32, #tpu.memory_space<vmem>>, %arg3: memref<1024x64xf32, #tpu.memory_space<vmem>>, %arg4: memref<1024x64xf32, #tpu.memory_space<vmem>>, %arg5: memref<32x1024xf32, #tpu.memory_space<vmem>>, %arg6: memref<128x48xf32, #tpu.memory_space<vmem>>, %arg7: memref<1x128xf32, #tpu.memory_space<vmem>>, %arg8: memref<1024x48xf32, #tpu.memory_space<vmem>>) attributes {dimension_semantics = [#tpu.dimension_semantics<arbitrary>], iteration_bounds = array<i64: 10>, scalar_prefetch = 0 : i64, scratch_operands = 0 : i64, tpu.core_type = #tpu.core_type<tc>, window_params = [{transform_indices = @transform_0, window_bounds = array<i64: 2, 1024, 64>}, {transform_indices = @transform_1, window_bounds = array<i64: 2, 1024, 64>}, {transform_indices = @transform_2, window_bounds = array<i64: 1024, 64>}, {transform_indices = @transform_3, window_bounds = array<i64: 1024, 64>}, {transform_indices = @transform_4, window_bounds = array<i64: 32, 1024>}, {pipeline_mode = #tpu.pipeline_mode<synchronous>, transform_indices = @transform_5, window_bounds = array<i64: 128, 48>}, {pipeline_mode = #tpu.pipeline_mode<synchronous>, transform_indices = @transform_6, window_bounds = array<i64: 1, 128>}, {transform_indices = @transform_7, window_bounds = array<i64: 1024, 48>}]} {
    %get3A = arith.constant 0 : index
    %get3A_0 = arith.constant 0 : index
    %get3A_1 = vector.load %arg5[%get3A, %get3A_0] : memref<32x1024xf32, #tpu.memory_space<vmem>>, vector<32x1024xf32>
    %reduce_sum3A = arith.constant dense<0.000000e+00> : vector<1024xf32>
    %reduce_sum3A_2 = vector.multi_reduction <add>, %get3A_1, %reduce_sum3A [0] : vector<32x1024xf32> to vector<1024xf32>
    %add3A = arith.constant 1.000000e+00 : f32
    %add3A_3 = vector.broadcast %add3A : f32 to vector<1024xf32>
    %add3A_4 = arith.addf %reduce_sum3A_2, %add3A_3 : vector<1024xf32>
    %rsqrt3A = math.rsqrt %add3A_4 : vector<1024xf32>
    %get3A_5 = arith.constant 0 : index
    %get3A_6 = arith.constant 0 : index
    %get3A_7 = arith.constant 0 : index
    %get3A_8 = vector.load %arg1[%get3A_5, %get3A_6, %get3A_7] : memref<2x1024x64xf32, #tpu.memory_space<vmem>>, vector<1x1024x64xf32>
    %get3A_9 = vector.shape_cast %get3A_8 : vector<1x1024x64xf32> to vector<1024x64xf32>
    %get3A_10 = arith.constant 1 : index
    %get3A_11 = arith.constant 0 : index
    %get3A_12 = arith.constant 0 : index
    %get3A_13 = vector.load %arg1[%get3A_10, %get3A_11, %get3A_12] : memref<2x1024x64xf32, #tpu.memory_space<vmem>>, vector<1x1024x64xf32>
    %get3A_14 = vector.shape_cast %get3A_13 : vector<1x1024x64xf32> to vector<1024x64xf32>
    %add3A_15 = arith.addf %get3A_9, %get3A_14 : vector<1024x64xf32>
    %get3A_16 = arith.constant 0 : index
    %get3A_17 = arith.constant 0 : index
    %get3A_18 = vector.load %arg3[%get3A_16, %get3A_17] : memref<1024x64xf32, #tpu.memory_space<vmem>>, vector<1024x64xf32>
    %add3A_19 = arith.addf %add3A_15, %get3A_18 : vector<1024x64xf32>
    %get3A_20 = arith.constant 0 : index
    %get3A_21 = arith.constant 0 : index
    %get3A_22 = arith.constant 0 : index
    %get3A_23 = vector.load %arg2[%get3A_20, %get3A_21, %get3A_22] : memref<2x1024x64xf32, #tpu.memory_space<vmem>>, vector<1x1024x64xf32>
    %get3A_24 = vector.shape_cast %get3A_23 : vector<1x1024x64xf32> to vector<1024x64xf32>
    %get3A_25 = arith.constant 1 : index
    %get3A_26 = arith.constant 0 : index
    %get3A_27 = arith.constant 0 : index
    %get3A_28 = vector.load %arg2[%get3A_25, %get3A_26, %get3A_27] : memref<2x1024x64xf32, #tpu.memory_space<vmem>>, vector<1x1024x64xf32>
    %get3A_29 = vector.shape_cast %get3A_28 : vector<1x1024x64xf32> to vector<1024x64xf32>
    %add3A_30 = arith.addf %get3A_24, %get3A_29 : vector<1024x64xf32>
    %get3A_31 = arith.constant 0 : index
    %get3A_32 = arith.constant 0 : index
    %get3A_33 = vector.load %arg4[%get3A_31, %get3A_32] : memref<1024x64xf32, #tpu.memory_space<vmem>>, vector<1024x64xf32>
    %add3A_34 = arith.addf %add3A_30, %get3A_33 : vector<1024x64xf32>
    %get3A_35 = arith.constant 0 : index
    %get3A_36 = arith.constant 0 : index
    %get3A_37 = vector.load %arg7[%get3A_35, %get3A_36] : memref<1x128xf32, #tpu.memory_space<vmem>>, vector<1x128xf32>
    %broadcast_in_dim3A = vector.shape_cast %rsqrt3A : vector<1024xf32> to vector<1024x1xf32>
    %mul3A = vector.broadcast %broadcast_in_dim3A : vector<1024x1xf32> to vector<1024x64xf32>
    %mul3A_38 = arith.mulf %mul3A, %add3A_19 : vector<1024x64xf32>
    %slice3A = vector.extract_strided_slice %get3A_37 {offsets = [0, 0], sizes = [1, 64], strides = [1, 1]} : vector<1x128xf32> to vector<1x64xf32>
    %add3A_39 = vector.broadcast %slice3A : vector<1x64xf32> to vector<1024x64xf32>
    %add3A_40 = arith.addf %mul3A_38, %add3A_39 : vector<1024x64xf32>
    %max3A = arith.constant 0.000000e+00 : f32
    %max3A_41 = vector.broadcast %max3A : f32 to vector<1024x64xf32>
    %max3A_42 = arith.maximumf %add3A_40, %max3A_41 : vector<1024x64xf32>
    %broadcast_in_dim3A_43 = vector.shape_cast %rsqrt3A : vector<1024xf32> to vector<1024x1xf32>
    %mul3A_44 = vector.broadcast %broadcast_in_dim3A_43 : vector<1024x1xf32> to vector<1024x64xf32>
    %mul3A_45 = arith.mulf %mul3A_44, %add3A_34 : vector<1024x64xf32>
    %slice3A_46 = vector.extract_strided_slice %get3A_37 {offsets = [0, 64], sizes = [1, 64], strides = [1, 1]} : vector<1x128xf32> to vector<1x64xf32>
    %add3A_47 = vector.broadcast %slice3A_46 : vector<1x64xf32> to vector<1024x64xf32>
    %add3A_48 = arith.addf %mul3A_45, %add3A_47 : vector<1024x64xf32>
    %max3A_49 = arith.constant 0.000000e+00 : f32
    %max3A_50 = vector.broadcast %max3A_49 : f32 to vector<1024x64xf32>
    %max3A_51 = arith.maximumf %add3A_48, %max3A_50 : vector<1024x64xf32>
    %get3A_52 = arith.constant 0 : index
    %get3A_53 = arith.constant 0 : index
    %get3A_54 = vector.load %arg6[%get3A_52, %get3A_53] : memref<128x48xf32, #tpu.memory_space<vmem>>, vector<128x48xf32>
    %slice3A_55 = vector.extract_strided_slice %get3A_54 {offsets = [0, 0], sizes = [64, 48], strides = [1, 1]} : vector<128x48xf32> to vector<64x48xf32>
    %dot_general3A = arith.constant dense<0.000000e+00> : vector<1024x48xf32>
    %dot_general3A_56 = tpu.matmul %max3A_42, %slice3A_55, %dot_general3A {dimension_numbers = #tpu.dot_dimension_numbers<[1], [0], [0], [1], [0, 0, 1, 1], [], []>, transpose_lhs_hint = false} : vector<1024x64xf32>, vector<64x48xf32>, vector<1024x48xf32> -> vector<1024x48xf32>
    %slice3A_57 = vector.extract_strided_slice %get3A_54 {offsets = [64, 0], sizes = [64, 48], strides = [1, 1]} : vector<128x48xf32> to vector<64x48xf32>
    %dot_general3A_58 = arith.constant dense<0.000000e+00> : vector<1024x48xf32>
    %dot_general3A_59 = tpu.matmul %max3A_51, %slice3A_57, %dot_general3A_58 {dimension_numbers = #tpu.dot_dimension_numbers<[1], [0], [0], [1], [0, 0, 1, 1], [], []>, transpose_lhs_hint = false} : vector<1024x64xf32>, vector<64x48xf32>, vector<1024x48xf32> -> vector<1024x48xf32>
    %add3A_60 = arith.addf %dot_general3A_56, %dot_general3A_59 : vector<1024x48xf32>
    %broadcast_in_dim3A_61 = vector.shape_cast %rsqrt3A : vector<1024xf32> to vector<1024x1xf32>
    %mul3A_62 = vector.broadcast %broadcast_in_dim3A_61 : vector<1024x1xf32> to vector<1024x48xf32>
    %mul3A_63 = arith.mulf %add3A_60, %mul3A_62 : vector<1024x48xf32>
    %swap3A = arith.constant 0 : index
    %swap3A_64 = arith.constant 0 : index
    %swap3A_65 = vector.load %arg8[%swap3A, %swap3A_64] : memref<1024x48xf32, #tpu.memory_space<vmem>>, vector<1024x48xf32>
    tpu.vector_store %arg8[%swap3A, %swap3A_64], %mul3A_63 {strides = array<i32>} : memref<1024x48xf32, #tpu.memory_space<vmem>>, vector<1024x48xf32>,
    return
  }
  func.func @transform_0(%arg0: i32) -> (i32, i32, i32) {
    %c0_i32 = arith.constant 0 : i32
    %c0_i32_0 = arith.constant 0 : i32
    %c0_i32_1 = arith.constant 0 : i32
    return %c0_i32, %arg0, %c0_i32_0 : i32, i32, i32
  }
  func.func @transform_1(%arg0: i32) -> (i32, i32, i32) {
    %c0_i32 = arith.constant 0 : i32
    %c0_i32_0 = arith.constant 0 : i32
    %c0_i32_1 = arith.constant 0 : i32
    return %c0_i32, %arg0, %c0_i32_0 : i32, i32, i32
  }
  func.func @transform_2(%arg0: i32) -> (i32, i32) {
    %c0_i32 = arith.constant 0 : i32
    %c0_i32_0 = arith.constant 0 : i32
    return %arg0, %c0_i32 : i32, i32
  }
  func.func @transform_3(%arg0: i32) -> (i32, i32) {
    %c0_i32 = arith.constant 0 : i32
    %c0_i32_0 = arith.constant 0 : i32
    return %arg0, %c0_i32 : i32, i32
  }
  func.func @transform_4(%arg0: i32) -> (i32, i32) {
    %c0_i32 = arith.constant 0 : i32
    %c0_i32_0 = arith.constant 0 : i32
    return %c0_i32, %arg0 : i32, i32
  }
  func.func @transform_5(%arg0: i32) -> (i32, i32) {
    %c0_i32 = arith.constant 0 : i32
    %c0_i32_0 = arith.constant 0 : i32
    %c0_i32_1 = arith.constant 0 : i32
    return %c0_i32, %c0_i32_0 : i32, i32
  }
  func.func @transform_6(%arg0: i32) -> (i32, i32) {
    %c0_i32 = arith.constant 0 : i32
    %c0_i32_0 = arith.constant 0 : i32
    %c0_i32_1 = arith.constant 0 : i32
    return %c0_i32, %c0_i32_0 : i32, i32
  }
  func.func @transform_7(%arg0: i32) -> (i32, i32) {
    %c0_i32 = arith.constant 0 : i32
    %c0_i32_0 = arith.constant 0 : i32
    return %arg0, %c0_i32 : i32, i32
  }
}

module attributes {stable_mosaic.version = 14 : i64} {
  func.func @_tc3_body(%arg0: i32, %arg1: memref<2x1024x48xf32, #tpu.memory_space<vmem>>, %arg2: memref<1024x48xf32, #tpu.memory_space<vmem>>, %arg3: memref<32x1024xf32, #tpu.memory_space<vmem>>, %arg4: memref<1x48xf32, #tpu.memory_space<vmem>>, %arg5: memref<1024x48xf32, #tpu.memory_space<vmem>>) attributes {dimension_semantics = [#tpu.dimension_semantics<arbitrary>], iteration_bounds = array<i64: 10>, scalar_prefetch = 0 : i64, scratch_operands = 0 : i64, tpu.core_type = #tpu.core_type<tc>, window_params = [{transform_indices = @transform_0, window_bounds = array<i64: 2, 1024, 48>}, {transform_indices = @transform_1, window_bounds = array<i64: 1024, 48>}, {transform_indices = @transform_2, window_bounds = array<i64: 32, 1024>}, {pipeline_mode = #tpu.pipeline_mode<synchronous>, transform_indices = @transform_3, window_bounds = array<i64: 1, 48>}, {transform_indices = @transform_4, window_bounds = array<i64: 1024, 48>}]} {
    %get3A = arith.constant 0 : index
    %get3A_0 = arith.constant 0 : index
    %get3A_1 = vector.load %arg3[%get3A, %get3A_0] : memref<32x1024xf32, #tpu.memory_space<vmem>>, vector<32x1024xf32>
    %reduce_sum3A = arith.constant dense<0.000000e+00> : vector<1024xf32>
    %reduce_sum3A_2 = vector.multi_reduction <add>, %get3A_1, %reduce_sum3A [0] : vector<32x1024xf32> to vector<1024xf32>
    %add3A = arith.constant 1.000000e+00 : f32
    %add3A_3 = vector.broadcast %add3A : f32 to vector<1024xf32>
    %add3A_4 = arith.addf %reduce_sum3A_2, %add3A_3 : vector<1024xf32>
    %rsqrt3A = math.rsqrt %add3A_4 : vector<1024xf32>
    %get3A_5 = arith.constant 0 : index
    %get3A_6 = arith.constant 0 : index
    %get3A_7 = arith.constant 0 : index
    %get3A_8 = vector.load %arg1[%get3A_5, %get3A_6, %get3A_7] : memref<2x1024x48xf32, #tpu.memory_space<vmem>>, vector<1x1024x48xf32>
    %get3A_9 = vector.shape_cast %get3A_8 : vector<1x1024x48xf32> to vector<1024x48xf32>
    %get3A_10 = arith.constant 1 : index
    %get3A_11 = arith.constant 0 : index
    %get3A_12 = arith.constant 0 : index
    %get3A_13 = vector.load %arg1[%get3A_10, %get3A_11, %get3A_12] : memref<2x1024x48xf32, #tpu.memory_space<vmem>>, vector<1x1024x48xf32>
    %get3A_14 = vector.shape_cast %get3A_13 : vector<1x1024x48xf32> to vector<1024x48xf32>
    %add3A_15 = arith.addf %get3A_9, %get3A_14 : vector<1024x48xf32>
    %get3A_16 = arith.constant 0 : index
    %get3A_17 = arith.constant 0 : index
    %get3A_18 = vector.load %arg2[%get3A_16, %get3A_17] : memref<1024x48xf32, #tpu.memory_space<vmem>>, vector<1024x48xf32>
    %add3A_19 = arith.addf %add3A_15, %get3A_18 : vector<1024x48xf32>
    %broadcast_in_dim3A = vector.shape_cast %rsqrt3A : vector<1024xf32> to vector<1024x1xf32>
    %mul3A = vector.broadcast %broadcast_in_dim3A : vector<1024x1xf32> to vector<1024x48xf32>
    %mul3A_20 = arith.mulf %mul3A, %add3A_19 : vector<1024x48xf32>
    %get3A_21 = arith.constant 0 : index
    %get3A_22 = arith.constant 0 : index
    %get3A_23 = vector.load %arg4[%get3A_21, %get3A_22] : memref<1x48xf32, #tpu.memory_space<vmem>>, vector<1x48xf32>
    %add3A_24 = vector.broadcast %get3A_23 : vector<1x48xf32> to vector<1024x48xf32>
    %add3A_25 = arith.addf %mul3A_20, %add3A_24 : vector<1024x48xf32>
    %iota3A = tpu.iota {dimensions = array<i32: 1>} : vector<1024x48xi32>
    %lt3A = arith.constant 33 : i32
    %lt3A_26 = vector.broadcast %lt3A : i32 to vector<1024x48xi32>
    %lt3A_27 = arith.cmpi slt, %iota3A, %lt3A_26 : vector<1024x48xi32>
    %jit3A = arith.constant -1.000000e+30 : f32
    %broadcast_in_dim3A_28 = vector.broadcast %jit3A : f32 to vector<1024x48xf32>
    %select_n3A = arith.select %lt3A_27, %add3A_25, %broadcast_in_dim3A_28 : vector<1024x48xi1>, vector<1024x48xf32>
    %reduce_max3A = arith.constant dense<0xFF800000> : vector<1024xf32>
    %reduce_max3A_29 = vector.multi_reduction <maximumf>, %select_n3A, %reduce_max3A [1] : vector<1024x48xf32> to vector<1024xf32>
    %broadcast_in_dim3A_30 = vector.shape_cast %reduce_max3A_29 : vector<1024xf32> to vector<1024x1xf32>
    %sub3A = vector.broadcast %broadcast_in_dim3A_30 : vector<1024x1xf32> to vector<1024x48xf32>
    %sub3A_31 = arith.subf %select_n3A, %sub3A : vector<1024x48xf32>
    %exp3A = math.exp %sub3A_31 : vector<1024x48xf32>
    %reduce_sum3A_32 = arith.constant dense<0.000000e+00> : vector<1024xf32>
    %reduce_sum3A_33 = vector.multi_reduction <add>, %exp3A, %reduce_sum3A_32 [1] : vector<1024x48xf32> to vector<1024xf32>
    %broadcast_in_dim3A_34 = vector.shape_cast %reduce_sum3A_33 : vector<1024xf32> to vector<1024x1xf32>
    %log3A = math.log %broadcast_in_dim3A_34 : vector<1024x1xf32>
    %sub3A_35 = vector.broadcast %broadcast_in_dim3A_30 : vector<1024x1xf32> to vector<1024x48xf32>
    %sub3A_36 = arith.subf %select_n3A, %sub3A_35 : vector<1024x48xf32>
    %sub3A_37 = vector.broadcast %log3A : vector<1024x1xf32> to vector<1024x48xf32>
    %sub3A_38 = arith.subf %sub3A_36, %sub3A_37 : vector<1024x48xf32>
    %swap3A = arith.constant 0 : index
    %swap3A_39 = arith.constant 0 : index
    %swap3A_40 = vector.load %arg5[%swap3A, %swap3A_39] : memref<1024x48xf32, #tpu.memory_space<vmem>>, vector<1024x48xf32>
    tpu.vector_store %arg5[%swap3A, %swap3A_39], %sub3A_38 {strides = array<i32>} : memref<1024x48xf32, #tpu.memory_space<vmem>>, vector<1024x48xf32>,
    return
  }
  func.func @transform_0(%arg0: i32) -> (i32, i32, i32) {
    %c0_i32 = arith.constant 0 : i32
    %c0_i32_0 = arith.constant 0 : i32
    %c0_i32_1 = arith.constant 0 : i32
    return %c0_i32, %arg0, %c0_i32_0 : i32, i32, i32
  }
  func.func @transform_1(%arg0: i32) -> (i32, i32) {
    %c0_i32 = arith.constant 0 : i32
    %c0_i32_0 = arith.constant 0 : i32
    return %arg0, %c0_i32 : i32, i32
  }
  func.func @transform_2(%arg0: i32) -> (i32, i32) {
    %c0_i32 = arith.constant 0 : i32
    %c0_i32_0 = arith.constant 0 : i32
    return %c0_i32, %arg0 : i32, i32
  }
  func.func @transform_3(%arg0: i32) -> (i32, i32) {
    %c0_i32 = arith.constant 0 : i32
    %c0_i32_0 = arith.constant 0 : i32
    %c0_i32_1 = arith.constant 0 : i32
    return %c0_i32, %c0_i32_0 : i32, i32
  }
  func.func @transform_4(%arg0: i32) -> (i32, i32) {
    %c0_i32 = arith.constant 0 : i32
    %c0_i32_0 = arith.constant 0 : i32
    return %arg0, %c0_i32 : i32, i32
  }
}

</mosaic_0001>

<sc_bundles>
// kernel: kernel.11.cloned.1.call-start
scs
__scs_entry_jumppad:
0x0: {  	(pc) =	sbr.rel $0x88, $3  }
0x1: {  	(tag) =	ssettag $0x0;
	lr =	simm.s32 $0x1  }
0x2: {  	[smem:$0x3F9B] =	sst lr;
	_ =	strace $0xD0000000  }
0x3: {  	_ = 	snop  }
0x4: {  	_ = 	snop  }
0x5: {  	_ = 	snop  }
0x6: {  	_ = 	snop  }
0x7: {  	_ = 	snop  }
__scs_overlays_trampoline_lowered:
0x8: {  	[smem:$0x3FAA] =	sst s0  }
0x9: {  	[smem:$0x3FAB] =	sst s1  }
0xa: {  	[smem:$0x3FAC] =	sst s2  }
0xb: {  	[smem:$0x3FAD] =	sst s3  }
0xc: {  	[smem:$0x3FAE] =	sst s4  }
0xd: {  	[smem:$0x3FAF] =	sst s5  }
0xe: {  	[smem:$0x3FB0] =	sst s6  }
0xf: {  	[smem:$0x3FB1] =	sst s7  }
0x10: {  	[smem:$0x3FB2] =	sst s8  }
0x11: {  	[smem:$0x3FB3] =	sst s9;
	s0 =	simm.s32 @!p0 $0x0  }
0x12: {  	s1 =	sld [smem:$0x3F99];
	s0 =	simm.s32 @p0 $0x1  }
0x13: {  	[smem:$0x3FB4] =	sst s0;
	s0 =	simm.s32 @!p1 $0x0  }
0x14: {  	s2 =	sld [smem:$0x3F98];
	s0 =	simm.s32 @p1 $0x1  }
0x15: {  	[smem:$0x3FB5] =	sst s0;
	s0 =	simm.s32 @!p2 $0x0  }
0x16: {  	s3 =	sld [smem:$0x3FDB];
	s0 =	simm.s32 @p2 $0x1  }
0x17: {  	s4 =	simm.s32 $0x1BF5;
	[smem:$0x3FB7] =	sst s0  }
0x18: {  	s0 =	sld [smem:$0x3F9A];
	_ =	swait.ge [sflag:s4], $0x0  }
0x19: {  	s7 =	sld [smem:$0x3F9B]  }
0x1a: {  	s8 =	sadd.s32 $0xFFFFE003, lr  }
0x1b: {  	s9 =	sadd.s32 $0xFFFFFEF7, lr;
	s5 =	simm.s32 $0xFFFFFFFF;
	p2 =	slt.u32 s8, $0xFFFFF086  }
0x1c: {  	p1 =	slt.u32 s9, $0xF7A;
	s5 =	simm.s32 @!p2 $0x0  }
0x1d: {  	s5 =	simm.s32 @p1 $0x1;
	p0 =	seq.s32 s7, s2  }
0x1e: {  	s7 =	smul.u32 @!p0 $0xF7A, s2;
	p2 =	seq.s32 @!p0 s5, $0x0  }
0x1f: {  	s9 =	smul.u32 $0xF7A, s1;
	s8 =	simm.s32 @!p0 $0x1BF5;
	p2 =	por !p2, p0  }
0x20: {  	[sflag:s8] =	ssyncset.s32 @!p0 $0xFFFFF086;
	s6 =	sadd.s32 @!p0 s3, s7;
	s7 =	simm.s32 @!p0 $0x108  }
0x21: {  	s3 =	sadd.s32 s3, s9;
	s6 =	sadd.s32 @!p0 $0x88, s6;
	s7 =	simm.s32 @p2 $0x1082  }
0x22: {  	[simem:s7], [sflag:s8] =	dma.local @!p0 [hbm:s6], $0xF7A  }
0x23: {  	s9 =	sor.u32 $0xD0000000, s2;
	s6 =	simm.s32 $0x108;
	_ =	swait.ge @!p0 [sflag:s8], $0x0  }
0x24: {  	s3 =	sadd.s32 $0x88, s3;
	s6 =	simm.s32 @!p1 $0x1082;
	[sflag:s4] =	ssyncset.s32 $0xFFFFF086  }
0x25: {  	[simem:s6], [sflag:s4] =	dma.local [hbm:s3], $0xF7A  }
0x26: {  	[smem:$0x3F9B] =	sst s1;
	(tag) =	ssettag s2;
	_ =	strace s9  }
0x27: {  	s1 =	sld [smem:$0x3FAB]  }
0x28: {  	s2 =	sld [smem:$0x3FAC]  }
0x29: {  	s4 =	sld [smem:$0x3FAE]  }
0x2a: {  	p0 =	seq.s32 s5, $0x0;
	s5 =	sld [smem:$0x3FAF]  }
0x2b: {  	s6 =	sld [smem:$0x3FB0]  }
0x2c: {  	s7 =	sld [smem:$0x3FB1]  }
0x2d: {  	s3 =	simm.s32 $0x108;
	s8 =	sld [smem:$0x3FB2]  }
0x2e: {  	s3 =	simm.s32 @!p0 $0x1082;
	s9 =	sld [smem:$0x3FB3]  }
0x2f: {  	lr =	sadd.s32 s0, s3;
	s0 =	sld [smem:$0x3FAA]  }
0x30: {  	s3 =	sld [smem:$0x3FAD]  }
0x31: {  	[smem:$0x3FB6] =	sst s10  }
0x32: {  	s10 =	sld [smem:$0x3FB4];
	_ =	sdelay $0x3  }
0x33: {  	p0 =	seq.s32 s10, $0x1;
	s10 =	sld [smem:$0x3FB6];
	_ =	sdelay $0x3  }
0x34: {  	[smem:$0x3FB6] =	sst s10  }
0x35: {  	s10 =	sld [smem:$0x3FB5];
	_ =	sdelay $0x3  }
0x36: {  	p1 =	seq.s32 s10, $0x1;
	s10 =	sld [smem:$0x3FB6];
	_ =	sdelay $0x3  }
0x37: {  	[smem:$0x3FB6] =	sst s10  }
0x38: {  	s10 =	sld [smem:$0x3FB7]  }
0x39: {  	_ = 	snop;
	(pc) =	sbr.ind lr, $3  }
0x3a: {  	_ = 	snop  }
0x3b: {  	_ = 	snop  }
0x3c: {  	p2 =	seq.s32 s10, $0x1;
	s10 =	sld [smem:$0x3FB6]  }
0x3d: {  	_ =	shalt  }
0x3e: {  	_ =	shalt  }
0x3f: {  	_ =	shalt  }
0x40: {  	_ =	shalt  }
0x41: {  	_ =	shalt  }
0x42: {  	_ =	shalt  }
0x43: {  	_ =	shalt  }
0x44: {  	_ =	shalt  }
0x45: {  	_ =	shalt  }
0x46: {  	_ =	shalt  }
0x47: {  	_ =	shalt  }
0x48: {  	_ =	shalt  }
0x49: {  	_ =	shalt  }
0x4a: {  	_ =	shalt  }
0x4b: {  	_ =	shalt  }
0x4c: {  	_ =	shalt  }
0x4d: {  	_ =	shalt  }
0x4e: {  	_ =	shalt  }
0x4f: {  	_ =	shalt  }
0x50: {  	_ =	shalt  }
0x51: {  	_ =	shalt  }
0x52: {  	_ =	shalt  }
0x53: {  	_ =	shalt  }
0x54: {  	_ =	shalt  }
0x55: {  	_ =	shalt  }
0x56: {  	_ =	shalt  }
0x57: {  	_ =	shalt  }
0x58: {  	_ =	shalt  }
0x59: {  	_ =	shalt  }
0x5a: {  	_ =	shalt  }
0x5b: {  	_ =	shalt  }
0x5c: {  	_ =	shalt  }
0x5d: {  	_ =	shalt  }
0x5e: {  	_ =	shalt  }
0x5f: {  	_ =	shalt  }
0x60: {  	_ =	shalt  }
0x61: {  	_ =	shalt  }
0x62: {  	_ =	shalt  }
0x63: {  	_ =	shalt  }
0x64: {  	_ =	shalt  }
0x65: {  	_ =	shalt  }
0x66: {  	_ =	shalt  }
0x67: {  	_ =	shalt  }
0x68: {  	_ =	shalt  }
0x69: {  	_ =	shalt  }
0x6a: {  	_ =	shalt  }
0x6b: {  	_ =	shalt  }
0x6c: {  	_ =	shalt  }
0x6d: {  	_ =	shalt  }
0x6e: {  	_ =	shalt  }
0x6f: {  	_ =	shalt  }
0x70: {  	_ =	shalt  }
0x71: {  	_ =	shalt  }
0x72: {  	_ =	shalt  }
0x73: {  	_ =	shalt  }
0x74: {  	_ =	shalt  }
0x75: {  	_ =	shalt  }
0x76: {  	_ =	shalt  }
0x77: {  	_ =	shalt  }
0x78: {  	_ =	shalt  }
0x79: {  	_ =	shalt  }
0x7a: {  	_ =	shalt  }
0x7b: {  	_ =	shalt  }
0x7c: {  	_ =	shalt  }
0x7d: {  	_ =	shalt  }
0x7e: {  	_ =	shalt  }
0x7f: {  	_ =	shalt  }
0x80: {  	_ =	shalt  }
0x81: {  	_ =	shalt  }
0x82: {  	_ =	shalt  }
0x83: {  	_ =	shalt  }
0x84: {  	_ =	shalt  }
0x85: {  	_ =	shalt  }
0x86: {  	_ =	shalt  }
0x87: {  	_ =	shalt  }
.Lfunc_end0:
.L_simem_size_0:
called_computation.1_lowered:
.L_overlay_start_0:
0x88: {  	s2 =	sld [smem:$0x3FD9]  }
0x89: {  	s3 =	sld [smem:$0x3FFE];
	_ =	sdelay $0x1  }
0x8a: {  	s1 =	srdreg.scid  }
0x8b: {  	s0 =	sand.u32 $0x1, s1  }
0x8c: {  	s17 =	sshll.u32 s0, $0xA;
	s2 =	sadd.s32 s3, s2  }
0x8d: {  	s2 =	sadd.s32 s2, s17  }
0x8e: {  	[smem:$0x3FC2] =	sst s2  }
0x8f: {  	_ = 	snop  }
0x90: {  	s2 =	sld [smem:$0x3FD0];
	(tm) =	ssettm $0x1  }
0x91: {  	s18 =	sld [smem:$0x3FFB];
	_ =	sdelay $0x3  }
0x92: {  	_ =	strace s18  }
0x93: {  	s3 =	sld [smem:$0x3FFC];
	_ =	sdelay $0x3  }
0x94: {  	_ =	strace s3  }
0x95: {  	s3 =	sld [smem:$0x3FFD];
	_ =	sdelay $0x3  }
0x96: {  	_ =	strace s3  }
0x97: {  	_ =	strace $0x8FFFFFFF  }
0x98: {  	s19 =	sld [smem:$0x3FDB];
	_ =	sdelay $0x1  }
0x99: {  	s4 =	simm.s32 $_scs_section_size  }
0x9a: {  	s5 =	simm.s32 $_size__tile_overlayer_lowered;
	s6 =	simm.s32 $_tile_overlayer_lowered  }
0x9b: {  	s22 =	simm.s32 $0x1BFF;
	s21 =	sshll.u32 s6, $0x1;
	s3 =	sadd.s32 s4, s19  }
0x9c: {  	s7 =	simm.s32 $0x0;
	s20 =	sshll.u32 s5, $0x1;
	s5 =	sadd.s32 s21, s3  }
0x9d: {  	[timem:s7], [sflag:s22] =	dma.local [hbm:s5], s20  }
0x9e: {  	_ =	swait.ge [sflag:s22], s20  }
0x9f: {  	s4 =	ssub.s32 $0x0, s20;
	[sflag:s22] =	ssyncset.done $0x0  }
0xa0: {  	[sflag:s22] =	ssyncadd.s32 s4;
	_ =	sdelay $0x1  }
0xa1: {  	s23 =	simm.s32 $0x1B8B  }
0xa2: {  	_ =	swait.ge [sflag:s23], $0x1  }
0xa3: {  	[sflag:s23] =	ssyncset.done $0x0  }
0xa4: {  	s25 =	simm.s32 $0x1B8E;
	s24 =	sld [smem:$0x3FFE];
	[sflag:s23] =	ssyncadd.s32 $0xFFFFFFFF  }
0xa5: {  	s26 =	simm.s32 $execute0_lowered;
	[smem:$0x3FD2] =	sst s25  }
0xa6: {  	s5 =	sshll.u32 s26, $0x1;
	_ =	strace $0x80000049;
	[dreg:$0x1] =	wrdreg $0xFFFFFFFF  }
0xa7: {  	s28 =	simm.s32 $_size_execute0_lowered;
	s3 =	sadd.s32 s3, s5;
	[dreg:$0x0] =	wrdreg $0x0  }
0xa8: {  	s5 =	sshll.u32 s28, $0x1;
	[dreg:$0x2] =	wrdreg s3  }
0xa9: {  	[dreg:$0x3] =	wrdreg s5  }
0xaa: {  	[dreg:$0x4] =	wrdreg $0xC0  }
0xab: {  	_ =	task [dreg:s7], $0x5FFFF  }
0xac: {  	[dreg:$0x1] =	wrdreg $0xFFFFFFFF  }
0xad: {  	[dreg:$0x0] =	wrdreg $0x60  }
0xae: {  	[dreg:$0x2] =	wrdreg s24  }
0xaf: {  	[dreg:$0x3] =	wrdreg s2  }
0xb0: {  	[dreg:$0x4] =	wrdreg $0xE8000  }
0xb1: {  	[dreg:$0x5] =	wrdreg $0x48000  }
0xb2: {  	[dreg:$0x6] =	wrdreg $0x9  }
0xb3: {  	_ =	task.clear_ibuf [dreg:s7], $0x7FFFF;
	_ =	strace $0x90000049  }
0xb4: {  	s29 =	simm.s32 $0x9;
	_ =	strace $0x8000004B  }
0xb5: {  	_ =	swait.ge [sflag:s29], $0x1  }
0xb6: {  	[sflag:s29] =	ssyncadd.s32 $0xFFFFFFFF  }
0xb7: {  	_ =	strace $0x9000004B  }
0xb8: {  	_ =	sfence  }
0xb9: {  	s30 =	sld [smem:$0x0];
	_ =	sdelay $0x2  }
0xba: {  	s31 =	sshll.u32 s1, $0xD;
	s1 =	sshrl.u32 s1, $0x2  }
0xbb: {  	s3 =	sand.u32 $0x4000, s31;
	s1 =	sadd.s32 s1, s30  }
0xbc: {  	s0 =	sor.u32 s3, s0;
	s1 =	sshll.u32 s1, $0x11  }
0xbd: {  	s0 =	sor.u32 s1, s0  }
0xbe: {  	s0 =	sadd.s32 $0x8F2B, s0  }
0xbf: {  	[sflag:s0] =	ssyncadd.remote.s32 $0x1  }
0xc0: {  	_ =	sfence.sel $0xFFFF  }
0xc1: {  	[dreg:$0x0] =	wrdreg $0xFFFFFFFF;
	(pc) =	sbr.abs _section_cstart, $3  }
0xc2: {  	[dreg:$0x1] =	wrdreg $0xFFFFFFFF  }
0xc3: {  	_ =	task.clear_ibuf [dreg:s7], $0x2FFFF;
	_ =	strace $0x9FFFFFFF  }
0xc4: {  	(tm) =	ssettm $0x7FFFFFFF  }
0xc5: {  	_ =	shalt  }
tec
execute0_lowered:
.L_overlay_start_1:
0x0: {  	(tag) =	ssettag $0x1  }
0x1: {  	s0 =	rddreg [dreg:$0x0]  }
0x2: {  	s2 =	rddreg [dreg:$0x1]  }
0x3: {  	s1 =	rddreg [dreg:$0x2];
	s13 =	stileid.u32  }
0x4: {  	s4 =	srdreg.scid;
	s3 =	rddreg [dreg:$0x3]  }
0x5: {  	s28 =	simm.s32 $0x200;
	s29 =	simm.s32 $0x580;
	s5 =	smul.u32 $0xA000, s13  }
0x6: {  	s30 =	simm.s32 $0x280;
	s31 =	simm.s32 $0x600;
	s7 =	smul.u32 $0x5000, s13  }
0x7: {  	s6 =	sand.u32 $0x1, s4;
	s4 =	simm.s32 $0x0;
	s11 =	smul.u32 $0x28000, s13  }
0x8: {  	s20 =	sshll.u32 s13, $0x6;
	s8 =	smul.u32 $0x2800, s6;
	[smem:$0x7FF] =	sst s4  }
0x9: {  	s9 =	smul.u32 $0xA0000, s6;
	s6 =	ssub.s32 $0x2, s6;
	s15 =	sor.u32 $0x1C03, s20  }
0xa: {  	s20 =	simm.s32 $0x2800;
	_ =	strace $0x8000004A;
	s10 =	sshrl.u32 s5, $0x3  }
0xb: {  	s19 =	sshrl.u32 s6, $0x1;
	s12 =	sadd.s32 s5, s1;
	s22 =	sshrl.u32 s11, $0x2  }
0xc: {  	[dreg:$0x6] =	wrdreg s15;
	s7 =	sadd.s32 s8, s7;
	s14 =	sadd.s32 s10, s0  }
0xd: {  	s17 =	sadd.s32 s5, s9;
	s6 =	ssub.s32 s6, s19;
	s5 =	sadd.s32 s5, s3  }
0xe: {  	s26 =	sshrl.u32 s12, $0x3;
	s19 =	simm.s32 $0x80;
	s8 =	simm.s32 $0x700  }
0xf: {  	s9 =	simm.s32 $0x780;
	s10 =	simm.s32 $0x0;
	s16 =	sshrl.u32 s7, $0x3  }
0x10: {  	s7 =	sshrl.u32 s17, $0x3;
	s21 =	sadd.s32 $0x1A00, s14;
	[dreg:$0x8] =	wrdreg s5  }
0x11: {  	s24 =	sadd.s32 $0x1FA00, s14;
	s25 =	smax.u32 s6, $0x1;
	[dreg:$0xc] =	wrdreg s26  }
0x12: {  	s17 =	simm.s32 $0x800;
	s26 =	simm.s32 $0x500;
	[dreg:$0x5] =	wrdreg s21  }
0x13: {  	s5 =	simm.s32 $0x380;
	s18 =	sadd.s32 s16, s0;
	[dreg:$0x9] =	wrdreg s24  }
0x14: {  	s0 =	sadd.s32 s7, s0;
	s7 =	sadd.s32 s22, s3;
	[dreg:$0xb] =	wrdreg s25  }
0x15: {  	s13 =	sadd.s32 s16, s2;
	s16 =	simm.s32 $0x3;
	s21 =	simm.s32 $0x1  }
0x16: {  	s22 =	simm.s32 $0x100;
	s24 =	simm.s32 $0x480;
	s25 =	simm.s32 $0x180  }
0x17: {  	s2 =	simm.s32 $0x300;
	s23 =	sadd.s32 $0x5BA00, s0;
	s0 =	sadd.s32 $0x33A00, s0  }
0x18: {  	s14 =	sadd.s32 $0x15A00, s18;
	s18 =	simm.s32 $0x400;
	[dreg:$0x7] =	wrdreg s23  }
0x19: {  	v0 =	vimm.f32 $0.0e+00;
	[dreg:$0xa] =	wrdreg s0;
	s23 =	simm.s32 $0x2;
	s0 =	simm.s32 $0x680  }
.LBB2_1:
0x1a: {  	[dreg:$0xd] =	wrdreg s10  }
0x1b: {  	s6 =	rddreg [dreg:$0x5]  }
0x1c: {  	s12 =	rddreg [dreg:$0xc]  }
0x1d: {  	[spmem:s12], [sflag:s15] =	dma.local [hbm:s6], $0x1400  }
0x1e: {  	_ =	swait.ge [sflag:s16], $0x1400  }
0x1f: {  	[sflag:s16] =	ssyncset.done $0x0  }
0x20: {  	[sflag:s16] =	ssyncadd.s32 $0xFFFFEC00  }
0x21: {  	[tilespmem:$0x800] =	vst v0  }
0x22: {  	[tilespmem:$0x810] =	vst v0  }
0x23: {  	[tilespmem:$0x820] =	vst v0  }
0x24: {  	[tilespmem:$0x830] =	vst v0  }
0x25: {  	[tilespmem:$0x840] =	vst v0  }
0x26: {  	[tilespmem:$0x850] =	vst v0  }
0x27: {  	[tilespmem:$0x860] =	vst v0  }
0x28: {  	[tilespmem:$0x870] =	vst v0  }
0x29: {  	[tilespmem:$0x880] =	vst v0  }
0x2a: {  	[tilespmem:$0x890] =	vst v0  }
0x2b: {  	[tilespmem:$0x8A0] =	vst v0  }
0x2c: {  	[tilespmem:$0x8B0] =	vst v0  }
0x2d: {  	[tilespmem:$0x8C0] =	vst v0  }
0x2e: {  	[tilespmem:$0x8D0] =	vst v0  }
0x2f: {  	[tilespmem:$0x8E0] =	vst v0  }
0x30: {  	[tilespmem:$0x8F0] =	vst v0  }
0x31: {  	[tilespmem:$0x900] =	vst v0  }
0x32: {  	[tilespmem:$0x910] =	vst v0  }
0x33: {  	[tilespmem:$0x920] =	vst v0  }
0x34: {  	[tilespmem:$0x930] =	vst v0  }
0x35: {  	[tilespmem:$0x940] =	vst v0  }
0x36: {  	[tilespmem:$0x950] =	vst v0  }
0x37: {  	[tilespmem:$0x960] =	vst v0  }
0x38: {  	[tilespmem:$0x970] =	vst v0  }
0x39: {  	[tilespmem:$0x980] =	vst v0  }
0x3a: {  	[tilespmem:$0x990] =	vst v0  }
0x3b: {  	[tilespmem:$0x9A0] =	vst v0  }
0x3c: {  	[tilespmem:$0x9B0] =	vst v0  }
0x3d: {  	[tilespmem:$0x9C0] =	vst v0  }
0x3e: {  	[tilespmem:$0x9D0] =	vst v0  }
0x3f: {  	[tilespmem:$0x9E0] =	vst v0  }
0x40: {  	[tilespmem:$0x9F0] =	vst v0  }
0x41: {  	[tilespmem:$0xA00] =	vst v0  }
0x42: {  	[tilespmem:$0xA10] =	vst v0  }
0x43: {  	[tilespmem:$0xA20] =	vst v0  }
0x44: {  	[tilespmem:$0xA30] =	vst v0  }
0x45: {  	[tilespmem:$0xA40] =	vst v0  }
0x46: {  	[tilespmem:$0xA50] =	vst v0  }
0x47: {  	[tilespmem:$0xA60] =	vst v0  }
0x48: {  	[tilespmem:$0xA70] =	vst v0  }
0x49: {  	[tilespmem:$0xA80] =	vst v0  }
0x4a: {  	[tilespmem:$0xA90] =	vst v0  }
0x4b: {  	[tilespmem:$0xAA0] =	vst v0  }
0x4c: {  	[tilespmem:$0xAB0] =	vst v0  }
0x4d: {  	[tilespmem:$0xAC0] =	vst v0  }
0x4e: {  	[tilespmem:$0xAD0] =	vst v0  }
0x4f: {  	[tilespmem:$0xAE0] =	vst v0  }
0x50: {  	[tilespmem:$0xAF0] =	vst v0  }
0x51: {  	[tilespmem:$0xB00] =	vst v0  }
0x52: {  	[tilespmem:$0xB10] =	vst v0  }
0x53: {  	[tilespmem:$0xB20] =	vst v0  }
0x54: {  	[tilespmem:$0xB30] =	vst v0  }
0x55: {  	[tilespmem:$0xB40] =	vst v0  }
0x56: {  	[tilespmem:$0xB50] =	vst v0  }
0x57: {  	[tilespmem:$0xB60] =	vst v0  }
0x58: {  	[tilespmem:$0xB70] =	vst v0  }
0x59: {  	[tilespmem:$0xB80] =	vst v0  }
0x5a: {  	[tilespmem:$0xB90] =	vst v0  }
0x5b: {  	[tilespmem:$0xBA0] =	vst v0  }
0x5c: {  	[tilespmem:$0xBB0] =	vst v0  }
0x5d: {  	[tilespmem:$0xBC0] =	vst v0  }
0x5e: {  	[tilespmem:$0xBD0] =	vst v0  }
0x5f: {  	[tilespmem:$0xBE0] =	vst v0  }
0x60: {  	s15 =	sadd.s32 $0x0, s7;
	[tilespmem:$0xBF0] =	vst v0  }
0x61: {  	[spmem:s15] =	stream.linear.scatter [tilespmem:s17], [sflag:$0x3], $0x400, $0x38;
	[tilespmem:$0x18800] =	vst v63  }
0x62: {  	s11 =	simm.s32 $0x1000;
	_ =	swait.ge [sflag:s16], $0x400  }
.LBB2_2:
0x63: {  	s6 =	sshra.s32 s11, $0x2;
	[sflag:s16] =	ssyncset.done $0x0;
	p0 =	sne.s32 s11, $0x27000  }
.Ltmp0:
0x64: {  	s6 =	sadd.s32 s6, s7;
	[sflag:s16] =	ssyncadd.s32 $0xFFFFFC00;
	(pc) =	sbr.rel @p0 .LBB2_2-.Ltmp0, $3  }
0x65: {  	[spmem:s6] =	stream.linear.scatter [tilespmem:s17], [sflag:$0x3], $0x400, $0x38;
	[tilespmem:$0x18800] =	vst v63  }
0x66: {  	s11 =	sadd.s32 $0x1000, s11;
	_ =	sdelay $0x1  }
0x67: {  	_ =	swait.ge [sflag:s16], $0x400  }
0x68: {  	[sflag:s16] =	ssyncset.done $0x0  }
0x69: {  	[sflag:s16] =	ssyncadd.s32 $0xFFFFFC00  }
0x6a: {  	s6 =	sadd.s32 $0x0, s14;
	[bflag:$0x0] =	sbarrier.arrive $0xFFFF  }
0x6b: {  	[tilespmem:s4], [sflag:$0x3] =	stream.linear.gather [hbm4b:s6+s4], $0x400, $0x38;
	[tilespmem:$0x18800] =	vst v63  }
0x6c: {  	_ =	swait.ge [sflag:s16], $0x400  }
0x6d: {  	[sflag:s16] =	ssyncset.done $0x0  }
0x6e: {  	s15 =	sadd.s32 $0x0, s13;
	[sflag:s16] =	ssyncadd.s32 $0xFFFFFC00  }
0x6f: {  	[tilespmem:s18], [sflag:$0x3] =	stream.linear.gather [hbm4b:s15+s4], $0x400, $0x38;
	[tilespmem:$0x18800] =	vst v63  }
0x70: {  	_ =	swait.ge [sflag:s16], $0x400  }
0x71: {  	[sflag:s16] =	ssyncset.done $0x0  }
0x72: {  	[sflag:s16] =	ssyncadd.s32 $0xFFFFFC00  }
0x73: {  	[tilespmem:s17], [sflag:$0x1] =	stream.indirect.gather [spmem:s1], $0x40, s4, s19, $0xb8;
	[tilespmem:$0x18800] =	vst v63  }
0x74: {  	_ = 	snop  }
0x75: {  	[tilespmem:s20], [sflag:$0x2] =	stream.indirect.gather [spmem:s1], $0x40, s19, s19, $0xb8;
	[tilespmem:$0x18800] =	vst v63  }
0x76: {  	_ =	swait.ge [sflag:s21], $0x2000  }
0x77: {  	[sflag:s21] =	ssyncset.done $0x0  }
0x78: {  	[sflag:s21] =	ssyncadd.s32 $0xFFFFE000  }
0x79: {  	[spmem:s3] =	stream.indirect.scatter.add.f32 [tilespmem:s17], [sflag:$0x3], $0x40, s18, s19, $0xb8;
	[tilespmem:$0x18800] =	vst v63  }
0x7a: {  	_ =	swait.ge [sflag:s16], $0x2000  }
0x7b: {  	[sflag:s16] =	ssyncset.done $0x0  }
0x7c: {  	[sflag:s16] =	ssyncadd.s32 $0xFFFFE000  }
0x7d: {  	[tilespmem:s17], [sflag:$0x1] =	stream.indirect.gather [spmem:s1], $0x40, s22, s19, $0xb8;
	[tilespmem:$0x18800] =	vst v63  }
0x7e: {  	_ =	swait.ge [sflag:s23], $0x2000  }
0x7f: {  	[sflag:s23] =	ssyncset.done $0x0  }
0x80: {  	[sflag:s23] =	ssyncadd.s32 $0xFFFFE000  }
0x81: {  	[spmem:s3] =	stream.indirect.scatter.add.f32 [tilespmem:s20], [sflag:$0x3], $0x40, s24, s19, $0xb8;
	[tilespmem:$0x18800] =	vst v63  }
0x82: {  	_ =	swait.ge [sflag:s16], $0x2000  }
0x83: {  	[sflag:s16] =	ssyncset.done $0x0  }
0x84: {  	[sflag:s16] =	ssyncadd.s32 $0xFFFFE000  }
0x85: {  	[tilespmem:s20], [sflag:$0x2] =	stream.indirect.gather [spmem:s1], $0x40, s25, s19, $0xb8;
	[tilespmem:$0x18800] =	vst v63  }
0x86: {  	_ =	swait.ge [sflag:s21], $0x2000  }
0x87: {  	[sflag:s21] =	ssyncset.done $0x0  }
0x88: {  	[sflag:s21] =	ssyncadd.s32 $0xFFFFE000  }
0x89: {  	[spmem:s3] =	stream.indirect.scatter.add.f32 [tilespmem:s17], [sflag:$0x3], $0x40, s26, s19, $0xb8;
	[tilespmem:$0x18800] =	vst v63  }
0x8a: {  	_ =	swait.ge [sflag:s16], $0x2000  }
0x8b: {  	[sflag:s16] =	ssyncset.done $0x0  }
0x8c: {  	[sflag:s16] =	ssyncadd.s32 $0xFFFFE000  }
0x8d: {  	[tilespmem:s17], [sflag:$0x1] =	stream.indirect.gather [spmem:s1], $0x40, s28, s19, $0xb8;
	[tilespmem:$0x18800] =	vst v63  }
0x8e: {  	_ =	swait.ge [sflag:s23], $0x2000  }
0x8f: {  	[sflag:s23] =	ssyncset.done $0x0  }
0x90: {  	[sflag:s23] =	ssyncadd.s32 $0xFFFFE000  }
0x91: {  	[spmem:s3] =	stream.indirect.scatter.add.f32 [tilespmem:s20], [sflag:$0x3], $0x40, s29, s19, $0xb8;
	[tilespmem:$0x18800] =	vst v63  }
0x92: {  	_ =	swait.ge [sflag:s16], $0x2000  }
0x93: {  	[sflag:s16] =	ssyncset.done $0x0  }
0x94: {  	[sflag:s16] =	ssyncadd.s32 $0xFFFFE000  }
0x95: {  	[tilespmem:s20], [sflag:$0x2] =	stream.indirect.gather [spmem:s1], $0x40, s30, s19, $0xb8;
	[tilespmem:$0x18800] =	vst v63  }
0x96: {  	_ =	swait.ge [sflag:s21], $0x2000  }
0x97: {  	[sflag:s21] =	ssyncset.done $0x0  }
0x98: {  	[sflag:s21] =	ssyncadd.s32 $0xFFFFE000  }
0x99: {  	[spmem:s3] =	stream.indirect.scatter.add.f32 [tilespmem:s17], [sflag:$0x3], $0x40, s31, s19, $0xb8;
	[tilespmem:$0x18800] =	vst v63  }
0x9a: {  	_ =	swait.ge [sflag:s16], $0x2000  }
0x9b: {  	[sflag:s16] =	ssyncset.done $0x0  }
0x9c: {  	[sflag:s16] =	ssyncadd.s32 $0xFFFFE000  }
0x9d: {  	[tilespmem:s17], [sflag:$0x1] =	stream.indirect.gather [spmem:s1], $0x40, s2, s19, $0xb8;
	[tilespmem:$0x18800] =	vst v63  }
0x9e: {  	_ =	swait.ge [sflag:s23], $0x2000  }
0x9f: {  	[sflag:s23] =	ssyncset.done $0x0  }
0xa0: {  	[sflag:s23] =	ssyncadd.s32 $0xFFFFE000  }
0xa1: {  	[spmem:s3] =	stream.indirect.scatter.add.f32 [tilespmem:s20], [sflag:$0x3], $0x40, s0, s19, $0xb8;
	[tilespmem:$0x18800] =	vst v63  }
0xa2: {  	_ =	swait.ge [sflag:s16], $0x2000  }
0xa3: {  	[sflag:s16] =	ssyncset.done $0x0  }
0xa4: {  	[sflag:s16] =	ssyncadd.s32 $0xFFFFE000  }
0xa5: {  	[tilespmem:s20], [sflag:$0x2] =	stream.indirect.gather [spmem:s1], $0x40, s5, s19, $0xb8;
	[tilespmem:$0x18800] =	vst v63  }
0xa6: {  	_ =	swait.ge [sflag:s21], $0x2000  }
0xa7: {  	[sflag:s21] =	ssyncset.done $0x0  }
0xa8: {  	[sflag:s21] =	ssyncadd.s32 $0xFFFFE000  }
0xa9: {  	[spmem:s3] =	stream.indirect.scatter.add.f32 [tilespmem:s17], [sflag:$0x3], $0x40, s8, s19, $0xb8;
	[tilespmem:$0x18800] =	vst v63  }
0xaa: {  	_ =	swait.ge [sflag:s16], $0x2000  }
0xab: {  	[sflag:s16] =	ssyncset.done $0x0  }
0xac: {  	[sflag:s16] =	ssyncadd.s32 $0xFFFFE000  }
0xad: {  	_ =	swait.ge [sflag:s23], $0x2000  }
0xae: {  	[sflag:s23] =	ssyncset.done $0x0  }
0xaf: {  	[sflag:s23] =	ssyncadd.s32 $0xFFFFE000  }
0xb0: {  	[spmem:s3] =	stream.indirect.scatter.add.f32 [tilespmem:s20], [sflag:$0x3], $0x40, s9, s19, $0xb8;
	[tilespmem:$0x18800] =	vst v63  }
0xb1: {  	_ =	swait.ge [sflag:s16], $0x2000  }
0xb2: {  	s11 =	simm.s32 $0x80;
	s15 =	simm.s32 $0x100;
	[sflag:s16] =	ssyncset.done $0x0  }
.LBB2_4:
0xb3: {  	s6 =	sadd.s32 s11, s14  }
0xb4: {  	[sflag:s16] =	ssyncadd.s32 $0xFFFFE000;
	s10 =	smov.u32 s15;
	s12 =	sadd.s32 $0x80, s15  }
0xb5: {  	[tilespmem:s4], [sflag:$0x3] =	stream.linear.gather [hbm4b:s6+s4], $0x400, $0x38;
	[tilespmem:$0x18800] =	vst v63  }
0xb6: {  	p0 =	sne.s32 s15, $0x480;
	_ =	swait.ge [sflag:s16], $0x400  }
0xb7: {  	[sflag:s16] =	ssyncset.done $0x0  }
0xb8: {  	s6 =	sadd.s32 s11, s13;
	s11 =	smov.u32 s10;
	[sflag:s16] =	ssyncadd.s32 $0xFFFFFC00  }
0xb9: {  	[tilespmem:s18], [sflag:$0x3] =	stream.linear.gather [hbm4b:s6+s4], $0x400, $0x38;
	[tilespmem:$0x18800] =	vst v63  }
0xba: {  	_ =	swait.ge [sflag:s16], $0x400  }
0xbb: {  	[sflag:s16] =	ssyncset.done $0x0  }
0xbc: {  	[sflag:s16] =	ssyncadd.s32 $0xFFFFFC00  }
0xbd: {  	[tilespmem:s17], [sflag:$0x1] =	stream.indirect.gather [spmem:s1], $0x40, s4, s19, $0xb8;
	[tilespmem:$0x18800] =	vst v63  }
0xbe: {  	_ = 	snop  }
0xbf: {  	[tilespmem:s20], [sflag:$0x2] =	stream.indirect.gather [spmem:s1], $0x40, s19, s19, $0xb8;
	[tilespmem:$0x18800] =	vst v63  }
0xc0: {  	_ =	swait.ge [sflag:s21], $0x2000  }
0xc1: {  	[sflag:s21] =	ssyncset.done $0x0  }
0xc2: {  	[sflag:s21] =	ssyncadd.s32 $0xFFFFE000  }
0xc3: {  	[spmem:s3] =	stream.indirect.scatter.add.f32 [tilespmem:s17], [sflag:$0x3], $0x40, s18, s19, $0xb8;
	[tilespmem:$0x18800] =	vst v63  }
0xc4: {  	_ =	swait.ge [sflag:s16], $0x2000  }
0xc5: {  	[sflag:s16] =	ssyncset.done $0x0  }
0xc6: {  	[sflag:s16] =	ssyncadd.s32 $0xFFFFE000  }
0xc7: {  	[tilespmem:s17], [sflag:$0x1] =	stream.indirect.gather [spmem:s1], $0x40, s22, s19, $0xb8;
	[tilespmem:$0x18800] =	vst v63  }
0xc8: {  	_ =	swait.ge [sflag:s23], $0x2000  }
0xc9: {  	[sflag:s23] =	ssyncset.done $0x0  }
0xca: {  	[sflag:s23] =	ssyncadd.s32 $0xFFFFE000  }
0xcb: {  	[spmem:s3] =	stream.indirect.scatter.add.f32 [tilespmem:s20], [sflag:$0x3], $0x40, s24, s19, $0xb8;
	[tilespmem:$0x18800] =	vst v63  }
0xcc: {  	_ =	swait.ge [sflag:s16], $0x2000  }
0xcd: {  	[sflag:s16] =	ssyncset.done $0x0  }
0xce: {  	[sflag:s16] =	ssyncadd.s32 $0xFFFFE000  }
0xcf: {  	[tilespmem:s20], [sflag:$0x2] =	stream.indirect.gather [spmem:s1], $0x40, s25, s19, $0xb8;
	[tilespmem:$0x18800] =	vst v63  }
0xd0: {  	_ =	swait.ge [sflag:s21], $0x2000  }
0xd1: {  	[sflag:s21] =	ssyncset.done $0x0  }
0xd2: {  	[sflag:s21] =	ssyncadd.s32 $0xFFFFE000  }
0xd3: {  	[spmem:s3] =	stream.indirect.scatter.add.f32 [tilespmem:s17], [sflag:$0x3], $0x40, s26, s19, $0xb8;
	[tilespmem:$0x18800] =	vst v63  }
0xd4: {  	_ =	swait.ge [sflag:s16], $0x2000  }
0xd5: {  	[sflag:s16] =	ssyncset.done $0x0  }
0xd6: {  	[sflag:s16] =	ssyncadd.s32 $0xFFFFE000  }
0xd7: {  	[tilespmem:s17], [sflag:$0x1] =	stream.indirect.gather [spmem:s1], $0x40, s28, s19, $0xb8;
	[tilespmem:$0x18800] =	vst v63  }
0xd8: {  	_ =	swait.ge [sflag:s23], $0x2000  }
0xd9: {  	[sflag:s23] =	ssyncset.done $0x0  }
0xda: {  	[sflag:s23] =	ssyncadd.s32 $0xFFFFE000  }
0xdb: {  	[spmem:s3] =	stream.indirect.scatter.add.f32 [tilespmem:s20], [sflag:$0x3], $0x40, s29, s19, $0xb8;
	[tilespmem:$0x18800] =	vst v63  }
0xdc: {  	_ =	swait.ge [sflag:s16], $0x2000  }
0xdd: {  	[sflag:s16] =	ssyncset.done $0x0  }
0xde: {  	[sflag:s16] =	ssyncadd.s32 $0xFFFFE000  }
0xdf: {  	[tilespmem:s20], [sflag:$0x2] =	stream.indirect.gather [spmem:s1], $0x40, s30, s19, $0xb8;
	[tilespmem:$0x18800] =	vst v63  }
0xe0: {  	_ =	swait.ge [sflag:s21], $0x2000  }
0xe1: {  	[sflag:s21] =	ssyncset.done $0x0  }
0xe2: {  	[sflag:s21] =	ssyncadd.s32 $0xFFFFE000  }
0xe3: {  	[spmem:s3] =	stream.indirect.scatter.add.f32 [tilespmem:s17], [sflag:$0x3], $0x40, s31, s19, $0xb8;
	[tilespmem:$0x18800] =	vst v63  }
0xe4: {  	_ =	swait.ge [sflag:s16], $0x2000  }
0xe5: {  	[sflag:s16] =	ssyncset.done $0x0  }
0xe6: {  	[sflag:s16] =	ssyncadd.s32 $0xFFFFE000  }
0xe7: {  	[tilespmem:s17], [sflag:$0x1] =	stream.indirect.gather [spmem:s1], $0x40, s2, s19, $0xb8;
	[tilespmem:$0x18800] =	vst v63  }
0xe8: {  	_ =	swait.ge [sflag:s23], $0x2000  }
0xe9: {  	[sflag:s23] =	ssyncset.done $0x0  }
0xea: {  	[sflag:s23] =	ssyncadd.s32 $0xFFFFE000  }
0xeb: {  	[spmem:s3] =	stream.indirect.scatter.add.f32 [tilespmem:s20], [sflag:$0x3], $0x40, s0, s19, $0xb8;
	[tilespmem:$0x18800] =	vst v63  }
0xec: {  	_ =	swait.ge [sflag:s16], $0x2000  }
0xed: {  	[sflag:s16] =	ssyncset.done $0x0  }
0xee: {  	[sflag:s16] =	ssyncadd.s32 $0xFFFFE000  }
0xef: {  	[tilespmem:s20], [sflag:$0x2] =	stream.indirect.gather [spmem:s1], $0x40, s5, s19, $0xb8;
	[tilespmem:$0x18800] =	vst v63  }
0xf0: {  	_ =	swait.ge [sflag:s21], $0x2000  }
0xf1: {  	[sflag:s21] =	ssyncset.done $0x0  }
0xf2: {  	[sflag:s21] =	ssyncadd.s32 $0xFFFFE000  }
0xf3: {  	[spmem:s3] =	stream.indirect.scatter.add.f32 [tilespmem:s17], [sflag:$0x3], $0x40, s8, s19, $0xb8;
	[tilespmem:$0x18800] =	vst v63  }
0xf4: {  	_ =	swait.ge [sflag:s16], $0x2000  }
0xf5: {  	[sflag:s16] =	ssyncset.done $0x0  }
0xf6: {  	[sflag:s16] =	ssyncadd.s32 $0xFFFFE000  }
0xf7: {  	_ =	swait.ge [sflag:s23], $0x2000  }
.Ltmp1:
0xf8: {  	[sflag:s23] =	ssyncset.done $0x0;
	(pc) =	sbr.rel @p0 .LBB2_4-.Ltmp1, $4  }
0xf9: {  	[sflag:s23] =	ssyncadd.s32 $0xFFFFE000  }
0xfa: {  	[spmem:s3] =	stream.indirect.scatter.add.f32 [tilespmem:s20], [sflag:$0x3], $0x40, s9, s19, $0xb8;
	[tilespmem:$0x18800] =	vst v63  }
0xfb: {  	_ =	swait.ge [sflag:s16], $0x2000  }
0xfc: {  	s15 =	smov.u32 s12;
	[sflag:s16] =	ssyncset.done $0x0  }
0xfd: {  	s6 =	sadd.s32 s11, s14;
	[sflag:s16] =	ssyncadd.s32 $0xFFFFE000  }
0xfe: {  	[tilespmem:s4], [sflag:$0x3] =	stream.linear.gather [hbm4b:s6+s4], $0x400, $0x38;
	[tilespmem:$0x18800] =	vst v63  }
0xff: {  	_ =	swait.ge [sflag:s16], $0x400  }
0x100: {  	[sflag:s16] =	ssyncset.done $0x0  }
0x101: {  	s10 =	sadd.s32 s11, s13;
	[sflag:s16] =	ssyncadd.s32 $0xFFFFFC00  }
0x102: {  	[tilespmem:s18], [sflag:$0x3] =	stream.linear.gather [hbm4b:s10+s4], $0x400, $0x38;
	[tilespmem:$0x18800] =	vst v63  }
0x103: {  	_ =	swait.ge [sflag:s16], $0x400  }
0x104: {  	[sflag:s16] =	ssyncset.done $0x0  }
0x105: {  	[sflag:s16] =	ssyncadd.s32 $0xFFFFFC00  }
0x106: {  	[tilespmem:s17], [sflag:$0x1] =	stream.indirect.gather [spmem:s1], $0x40, s4, s19, $0xb8;
	[tilespmem:$0x18800] =	vst v63  }
0x107: {  	_ = 	snop  }
0x108: {  	[tilespmem:s20], [sflag:$0x2] =	stream.indirect.gather [spmem:s1], $0x40, s19, s19, $0xb8;
	[tilespmem:$0x18800] =	vst v63  }
0x109: {  	_ =	swait.ge [sflag:s21], $0x2000  }
0x10a: {  	[sflag:s21] =	ssyncset.done $0x0  }
0x10b: {  	[sflag:s21] =	ssyncadd.s32 $0xFFFFE000  }
0x10c: {  	[spmem:s3] =	stream.indirect.scatter.add.f32 [tilespmem:s17], [sflag:$0x3], $0x40, s18, s19, $0xb8;
	[tilespmem:$0x18800] =	vst v63  }
0x10d: {  	_ =	swait.ge [sflag:s16], $0x2000  }
0x10e: {  	[sflag:s16] =	ssyncset.done $0x0  }
0x10f: {  	[sflag:s16] =	ssyncadd.s32 $0xFFFFE000  }
0x110: {  	[tilespmem:s17], [sflag:$0x1] =	stream.indirect.gather [spmem:s1], $0x40, s22, s19, $0xb8;
	[tilespmem:$0x18800] =	vst v63  }
0x111: {  	_ =	swait.ge [sflag:s23], $0x2000  }
0x112: {  	[sflag:s23] =	ssyncset.done $0x0  }
0x113: {  	[sflag:s23] =	ssyncadd.s32 $0xFFFFE000  }
0x114: {  	[spmem:s3] =	stream.indirect.scatter.add.f32 [tilespmem:s20], [sflag:$0x3], $0x40, s24, s19, $0xb8;
	[tilespmem:$0x18800] =	vst v63  }
0x115: {  	_ =	swait.ge [sflag:s16], $0x2000  }
0x116: {  	[sflag:s16] =	ssyncset.done $0x0  }
0x117: {  	[sflag:s16] =	ssyncadd.s32 $0xFFFFE000  }
0x118: {  	[tilespmem:s20], [sflag:$0x2] =	stream.indirect.gather [spmem:s1], $0x40, s25, s19, $0xb8;
	[tilespmem:$0x18800] =	vst v63  }
0x119: {  	_ =	swait.ge [sflag:s21], $0x2000  }
0x11a: {  	[sflag:s21] =	ssyncset.done $0x0  }
0x11b: {  	[sflag:s21] =	ssyncadd.s32 $0xFFFFE000  }
0x11c: {  	[spmem:s3] =	stream.indirect.scatter.add.f32 [tilespmem:s17], [sflag:$0x3], $0x40, s26, s19, $0xb8;
	[tilespmem:$0x18800] =	vst v63  }
0x11d: {  	_ =	swait.ge [sflag:s16], $0x2000  }
0x11e: {  	[sflag:s16] =	ssyncset.done $0x0  }
0x11f: {  	[sflag:s16] =	ssyncadd.s32 $0xFFFFE000  }
0x120: {  	[tilespmem:s17], [sflag:$0x1] =	stream.indirect.gather [spmem:s1], $0x40, s28, s19, $0xb8;
	[tilespmem:$0x18800] =	vst v63  }
0x121: {  	_ =	swait.ge [sflag:s23], $0x2000  }
0x122: {  	[sflag:s23] =	ssyncset.done $0x0  }
0x123: {  	[sflag:s23] =	ssyncadd.s32 $0xFFFFE000  }
0x124: {  	[spmem:s3] =	stream.indirect.scatter.add.f32 [tilespmem:s20], [sflag:$0x3], $0x40, s29, s19, $0xb8;
	[tilespmem:$0x18800] =	vst v63  }
0x125: {  	_ =	swait.ge [sflag:s16], $0x2000  }
0x126: {  	[sflag:s16] =	ssyncset.done $0x0  }
0x127: {  	[sflag:s16] =	ssyncadd.s32 $0xFFFFE000  }
0x128: {  	[tilespmem:s20], [sflag:$0x2] =	stream.indirect.gather [spmem:s1], $0x40, s30, s19, $0xb8;
	[tilespmem:$0x18800] =	vst v63  }
0x129: {  	_ =	swait.ge [sflag:s21], $0x2000  }
0x12a: {  	[sflag:s21] =	ssyncset.done $0x0  }
0x12b: {  	[sflag:s21] =	ssyncadd.s32 $0xFFFFE000  }
0x12c: {  	[spmem:s3] =	stream.indirect.scatter.add.f32 [tilespmem:s17], [sflag:$0x3], $0x40, s31, s19, $0xb8;
	[tilespmem:$0x18800] =	vst v63  }
0x12d: {  	_ =	swait.ge [sflag:s16], $0x2000  }
0x12e: {  	[sflag:s16] =	ssyncset.done $0x0  }
0x12f: {  	[sflag:s16] =	ssyncadd.s32 $0xFFFFE000  }
0x130: {  	[tilespmem:s17], [sflag:$0x1] =	stream.indirect.gather [spmem:s1], $0x40, s2, s19, $0xb8;
	[tilespmem:$0x18800] =	vst v63  }
0x131: {  	_ =	swait.ge [sflag:s23], $0x2000  }
0x132: {  	[sflag:s23] =	ssyncset.done $0x0  }
0x133: {  	[sflag:s23] =	ssyncadd.s32 $0xFFFFE000  }
0x134: {  	[spmem:s3] =	stream.indirect.scatter.add.f32 [tilespmem:s20], [sflag:$0x3], $0x40, s0, s19, $0xb8;
	[tilespmem:$0x18800] =	vst v63  }
0x135: {  	_ =	swait.ge [sflag:s16], $0x2000  }
0x136: {  	[sflag:s16] =	ssyncset.done $0x0  }
0x137: {  	[sflag:s16] =	ssyncadd.s32 $0xFFFFE000  }
0x138: {  	[tilespmem:s20], [sflag:$0x2] =	stream.indirect.gather [spmem:s1], $0x40, s5, s19, $0xb8;
	[tilespmem:$0x18800] =	vst v63  }
0x139: {  	_ =	swait.ge [sflag:s21], $0x2000  }
0x13a: {  	[sflag:s21] =	ssyncset.done $0x0  }
0x13b: {  	[sflag:s21] =	ssyncadd.s32 $0xFFFFE000  }
0x13c: {  	[spmem:s3] =	stream.indirect.scatter.add.f32 [tilespmem:s17], [sflag:$0x3], $0x40, s8, s19, $0xb8;
	[tilespmem:$0x18800] =	vst v63  }
0x13d: {  	_ =	swait.ge [sflag:s16], $0x2000  }
0x13e: {  	[sflag:s16] =	ssyncset.done $0x0  }
0x13f: {  	[sflag:s16] =	ssyncadd.s32 $0xFFFFE000  }
0x140: {  	_ =	swait.ge [sflag:s23], $0x2000  }
0x141: {  	[sflag:s23] =	ssyncset.done $0x0  }
0x142: {  	[sflag:s23] =	ssyncadd.s32 $0xFFFFE000  }
0x143: {  	[spmem:s3] =	stream.indirect.scatter.add.f32 [tilespmem:s20], [sflag:$0x3], $0x40, s9, s19, $0xb8;
	[tilespmem:$0x18800] =	vst v63  }
0x144: {  	_ =	swait.ge [sflag:s16], $0x2000  }
0x145: {  	[sflag:s16] =	ssyncset.done $0x0  }
0x146: {  	[sflag:s16] =	ssyncadd.s32 $0xFFFFE000  }
0x147: {  	[bflag:$0x0] =	sbarrier.arrive $0xFFFF  }
0x148: {  	s11 =	rddreg [dreg:$0x8]  }
0x149: {  	s15 =	rddreg [dreg:$0x6]  }
0x14a: {  	s10 =	rddreg [dreg:$0x7];
	s12 =	sshrl.u32 s11, $0x3  }
0x14b: {  	[dreg:$0xe] =	wrdreg s12  }
0x14c: {  	[hbm:s10], [sflag:s15] =	dma.local [spmem:s12], $0x1400  }
0x14d: {  	_ =	swait.ge [sflag:s16], $0x1400  }
0x14e: {  	[sflag:s16] =	ssyncset.done $0x0  }
0x14f: {  	[sflag:s16] =	ssyncadd.s32 $0xFFFFEC00  }
0x150: {  	[bflag:$0x0] =	sbarrier.arrive $0xFFFF  }
0x151: {  	s11 =	rddreg [dreg:$0x9]  }
0x152: {  	s12 =	rddreg [dreg:$0xc]  }
0x153: {  	[spmem:s12], [sflag:s15] =	dma.local [hbm:s11], $0x1400  }
0x154: {  	_ =	swait.ge [sflag:s16], $0x1400  }
0x155: {  	[sflag:s16] =	ssyncset.done $0x0  }
0x156: {  	[sflag:s16] =	ssyncadd.s32 $0xFFFFEC00  }
0x157: {  	[tilespmem:$0x800] =	vst v0  }
0x158: {  	[tilespmem:$0x810] =	vst v0  }
0x159: {  	[tilespmem:$0x820] =	vst v0  }
0x15a: {  	[tilespmem:$0x830] =	vst v0  }
0x15b: {  	[tilespmem:$0x840] =	vst v0  }
0x15c: {  	[tilespmem:$0x850] =	vst v0  }
0x15d: {  	[tilespmem:$0x860] =	vst v0  }
0x15e: {  	[tilespmem:$0x870] =	vst v0  }
0x15f: {  	[tilespmem:$0x880] =	vst v0  }
0x160: {  	[tilespmem:$0x890] =	vst v0  }
0x161: {  	[tilespmem:$0x8A0] =	vst v0  }
0x162: {  	[tilespmem:$0x8B0] =	vst v0  }
0x163: {  	[tilespmem:$0x8C0] =	vst v0  }
0x164: {  	[tilespmem:$0x8D0] =	vst v0  }
0x165: {  	[tilespmem:$0x8E0] =	vst v0  }
0x166: {  	[tilespmem:$0x8F0] =	vst v0  }
0x167: {  	[tilespmem:$0x900] =	vst v0  }
0x168: {  	[tilespmem:$0x910] =	vst v0  }
0x169: {  	[tilespmem:$0x920] =	vst v0  }
0x16a: {  	[tilespmem:$0x930] =	vst v0  }
0x16b: {  	[tilespmem:$0x940] =	vst v0  }
0x16c: {  	[tilespmem:$0x950] =	vst v0  }
0x16d: {  	[tilespmem:$0x960] =	vst v0  }
0x16e: {  	[tilespmem:$0x970] =	vst v0  }
0x16f: {  	[tilespmem:$0x980] =	vst v0  }
0x170: {  	[tilespmem:$0x990] =	vst v0  }
0x171: {  	[tilespmem:$0x9A0] =	vst v0  }
0x172: {  	[tilespmem:$0x9B0] =	vst v0  }
0x173: {  	[tilespmem:$0x9C0] =	vst v0  }
0x174: {  	[tilespmem:$0x9D0] =	vst v0  }
0x175: {  	[tilespmem:$0x9E0] =	vst v0  }
0x176: {  	[tilespmem:$0x9F0] =	vst v0  }
0x177: {  	[tilespmem:$0xA00] =	vst v0  }
0x178: {  	[tilespmem:$0xA10] =	vst v0  }
0x179: {  	[tilespmem:$0xA20] =	vst v0  }
0x17a: {  	[tilespmem:$0xA30] =	vst v0  }
0x17b: {  	[tilespmem:$0xA40] =	vst v0  }
0x17c: {  	[tilespmem:$0xA50] =	vst v0  }
0x17d: {  	[tilespmem:$0xA60] =	vst v0  }
0x17e: {  	[tilespmem:$0xA70] =	vst v0  }
0x17f: {  	[tilespmem:$0xA80] =	vst v0  }
0x180: {  	[tilespmem:$0xA90] =	vst v0  }
0x181: {  	[tilespmem:$0xAA0] =	vst v0  }
0x182: {  	[tilespmem:$0xAB0] =	vst v0  }
0x183: {  	[tilespmem:$0xAC0] =	vst v0  }
0x184: {  	[tilespmem:$0xAD0] =	vst v0  }
0x185: {  	[tilespmem:$0xAE0] =	vst v0  }
0x186: {  	[tilespmem:$0xAF0] =	vst v0  }
0x187: {  	[tilespmem:$0xB00] =	vst v0  }
0x188: {  	[tilespmem:$0xB10] =	vst v0  }
0x189: {  	[tilespmem:$0xB20] =	vst v0  }
0x18a: {  	[tilespmem:$0xB30] =	vst v0  }
0x18b: {  	[tilespmem:$0xB40] =	vst v0  }
0x18c: {  	[tilespmem:$0xB50] =	vst v0  }
0x18d: {  	[tilespmem:$0xB60] =	vst v0  }
0x18e: {  	[tilespmem:$0xB70] =	vst v0  }
0x18f: {  	[tilespmem:$0xB80] =	vst v0  }
0x190: {  	[tilespmem:$0xB90] =	vst v0  }
0x191: {  	[tilespmem:$0xBA0] =	vst v0  }
0x192: {  	[tilespmem:$0xBB0] =	vst v0  }
0x193: {  	[tilespmem:$0xBC0] =	vst v0  }
0x194: {  	[tilespmem:$0xBD0] =	vst v0  }
0x195: {  	[tilespmem:$0xBE0] =	vst v0  }
0x196: {  	s15 =	sadd.s32 $0x0, s7;
	[tilespmem:$0xBF0] =	vst v0  }
0x197: {  	[spmem:s15] =	stream.linear.scatter [tilespmem:s17], [sflag:$0x3], $0x400, $0x38;
	[tilespmem:$0x18800] =	vst v63  }
0x198: {  	s12 =	simm.s32 $0x1000;
	_ =	swait.ge [sflag:s16], $0x400  }
.LBB2_6:
0x199: {  	s6 =	sshra.s32 s12, $0x2;
	[sflag:s16] =	ssyncset.done $0x0;
	p0 =	sne.s32 s12, $0x27000  }
.Ltmp2:
0x19a: {  	s6 =	sadd.s32 s6, s7;
	[sflag:s16] =	ssyncadd.s32 $0xFFFFFC00;
	(pc) =	sbr.rel @p0 .LBB2_6-.Ltmp2, $3  }
0x19b: {  	[spmem:s6] =	stream.linear.scatter [tilespmem:s17], [sflag:$0x3], $0x400, $0x38;
	[tilespmem:$0x18800] =	vst v63  }
0x19c: {  	s12 =	sadd.s32 $0x1000, s12;
	_ =	sdelay $0x1  }
0x19d: {  	_ =	swait.ge [sflag:s16], $0x400  }
0x19e: {  	[sflag:s16] =	ssyncset.done $0x0  }
0x19f: {  	[sflag:s16] =	ssyncadd.s32 $0xFFFFFC00  }
0x1a0: {  	s6 =	sadd.s32 $0x0, s14;
	[bflag:$0x0] =	sbarrier.arrive $0xFFFF  }
0x1a1: {  	[tilespmem:s4], [sflag:$0x3] =	stream.linear.gather [hbm4b:s6+s4], $0x400, $0x38;
	[tilespmem:$0x18800] =	vst v63  }
0x1a2: {  	_ =	swait.ge [sflag:s16], $0x400  }
0x1a3: {  	[sflag:s16] =	ssyncset.done $0x0  }
0x1a4: {  	s15 =	sadd.s32 $0x0, s13;
	[sflag:s16] =	ssyncadd.s32 $0xFFFFFC00  }
0x1a5: {  	[tilespmem:s18], [sflag:$0x3] =	stream.linear.gather [hbm4b:s15+s4], $0x400, $0x38;
	[tilespmem:$0x18800] =	vst v63  }
0x1a6: {  	_ =	swait.ge [sflag:s16], $0x400  }
0x1a7: {  	[sflag:s16] =	ssyncset.done $0x0  }
0x1a8: {  	[sflag:s16] =	ssyncadd.s32 $0xFFFFFC00  }
0x1a9: {  	[tilespmem:s17], [sflag:$0x1] =	stream.indirect.gather [spmem:s1], $0x40, s4, s19, $0xb8;
	[tilespmem:$0x18800] =	vst v63  }
0x1aa: {  	_ = 	snop  }
0x1ab: {  	[tilespmem:s20], [sflag:$0x2] =	stream.indirect.gather [spmem:s1], $0x40, s19, s19, $0xb8;
	[tilespmem:$0x18800] =	vst v63  }
0x1ac: {  	_ =	swait.ge [sflag:s21], $0x2000  }
0x1ad: {  	[sflag:s21] =	ssyncset.done $0x0  }
0x1ae: {  	[sflag:s21] =	ssyncadd.s32 $0xFFFFE000  }
0x1af: {  	[spmem:s3] =	stream.indirect.scatter.add.f32 [tilespmem:s17], [sflag:$0x3], $0x40, s18, s19, $0xb8;
	[tilespmem:$0x18800] =	vst v63  }
0x1b0: {  	_ =	swait.ge [sflag:s16], $0x2000  }
0x1b1: {  	[sflag:s16] =	ssyncset.done $0x0  }
0x1b2: {  	[sflag:s16] =	ssyncadd.s32 $0xFFFFE000  }
0x1b3: {  	[tilespmem:s17], [sflag:$0x1] =	stream.indirect.gather [spmem:s1], $0x40, s22, s19, $0xb8;
	[tilespmem:$0x18800] =	vst v63  }
0x1b4: {  	_ =	swait.ge [sflag:s23], $0x2000  }
0x1b5: {  	[sflag:s23] =	ssyncset.done $0x0  }
0x1b6: {  	[sflag:s23] =	ssyncadd.s32 $0xFFFFE000  }
0x1b7: {  	[spmem:s3] =	stream.indirect.scatter.add.f32 [tilespmem:s20], [sflag:$0x3], $0x40, s24, s19, $0xb8;
	[tilespmem:$0x18800] =	vst v63  }
0x1b8: {  	_ =	swait.ge [sflag:s16], $0x2000  }
0x1b9: {  	[sflag:s16] =	ssyncset.done $0x0  }
0x1ba: {  	[sflag:s16] =	ssyncadd.s32 $0xFFFFE000  }
0x1bb: {  	[tilespmem:s20], [sflag:$0x2] =	stream.indirect.gather [spmem:s1], $0x40, s25, s19, $0xb8;
	[tilespmem:$0x18800] =	vst v63  }
0x1bc: {  	_ =	swait.ge [sflag:s21], $0x2000  }
0x1bd: {  	[sflag:s21] =	ssyncset.done $0x0  }
0x1be: {  	[sflag:s21] =	ssyncadd.s32 $0xFFFFE000  }
0x1bf: {  	[spmem:s3] =	stream.indirect.scatter.add.f32 [tilespmem:s17], [sflag:$0x3], $0x40, s26, s19, $0xb8;
	[tilespmem:$0x18800] =	vst v63  }
0x1c0: {  	_ =	swait.ge [sflag:s16], $0x2000  }
0x1c1: {  	[sflag:s16] =	ssyncset.done $0x0  }
0x1c2: {  	[sflag:s16] =	ssyncadd.s32 $0xFFFFE000  }
0x1c3: {  	[tilespmem:s17], [sflag:$0x1] =	stream.indirect.gather [spmem:s1], $0x40, s28, s19, $0xb8;
	[tilespmem:$0x18800] =	vst v63  }
0x1c4: {  	_ =	swait.ge [sflag:s23], $0x2000  }
0x1c5: {  	[sflag:s23] =	ssyncset.done $0x0  }
0x1c6: {  	[sflag:s23] =	ssyncadd.s32 $0xFFFFE000  }
0x1c7: {  	[spmem:s3] =	stream.indirect.scatter.add.f32 [tilespmem:s20], [sflag:$0x3], $0x40, s29, s19, $0xb8;
	[tilespmem:$0x18800] =	vst v63  }
0x1c8: {  	_ =	swait.ge [sflag:s16], $0x2000  }
0x1c9: {  	[sflag:s16] =	ssyncset.done $0x0  }
0x1ca: {  	[sflag:s16] =	ssyncadd.s32 $0xFFFFE000  }
0x1cb: {  	[tilespmem:s20], [sflag:$0x2] =	stream.indirect.gather [spmem:s1], $0x40, s30, s19, $0xb8;
	[tilespmem:$0x18800] =	vst v63  }
0x1cc: {  	_ =	swait.ge [sflag:s21], $0x2000  }
0x1cd: {  	[sflag:s21] =	ssyncset.done $0x0  }
0x1ce: {  	[sflag:s21] =	ssyncadd.s32 $0xFFFFE000  }
0x1cf: {  	[spmem:s3] =	stream.indirect.scatter.add.f32 [tilespmem:s17], [sflag:$0x3], $0x40, s31, s19, $0xb8;
	[tilespmem:$0x18800] =	vst v63  }
0x1d0: {  	_ =	swait.ge [sflag:s16], $0x2000  }
0x1d1: {  	[sflag:s16] =	ssyncset.done $0x0  }
0x1d2: {  	[sflag:s16] =	ssyncadd.s32 $0xFFFFE000  }
0x1d3: {  	[tilespmem:s17], [sflag:$0x1] =	stream.indirect.gather [spmem:s1], $0x40, s2, s19, $0xb8;
	[tilespmem:$0x18800] =	vst v63  }
0x1d4: {  	_ =	swait.ge [sflag:s23], $0x2000  }
0x1d5: {  	[sflag:s23] =	ssyncset.done $0x0  }
0x1d6: {  	[sflag:s23] =	ssyncadd.s32 $0xFFFFE000  }
0x1d7: {  	[spmem:s3] =	stream.indirect.scatter.add.f32 [tilespmem:s20], [sflag:$0x3], $0x40, s0, s19, $0xb8;
	[tilespmem:$0x18800] =	vst v63  }
0x1d8: {  	_ =	swait.ge [sflag:s16], $0x2000  }
0x1d9: {  	[sflag:s16] =	ssyncset.done $0x0  }
0x1da: {  	[sflag:s16] =	ssyncadd.s32 $0xFFFFE000  }
0x1db: {  	[tilespmem:s20], [sflag:$0x2] =	stream.indirect.gather [spmem:s1], $0x40, s5, s19, $0xb8;
	[tilespmem:$0x18800] =	vst v63  }
0x1dc: {  	_ =	swait.ge [sflag:s21], $0x2000  }
0x1dd: {  	[sflag:s21] =	ssyncset.done $0x0  }
0x1de: {  	[sflag:s21] =	ssyncadd.s32 $0xFFFFE000  }
0x1df: {  	[spmem:s3] =	stream.indirect.scatter.add.f32 [tilespmem:s17], [sflag:$0x3], $0x40, s8, s19, $0xb8;
	[tilespmem:$0x18800] =	vst v63  }
0x1e0: {  	_ =	swait.ge [sflag:s16], $0x2000  }
0x1e1: {  	[sflag:s16] =	ssyncset.done $0x0  }
0x1e2: {  	[sflag:s16] =	ssyncadd.s32 $0xFFFFE000  }
0x1e3: {  	_ =	swait.ge [sflag:s23], $0x2000  }
0x1e4: {  	[sflag:s23] =	ssyncset.done $0x0  }
0x1e5: {  	[sflag:s23] =	ssyncadd.s32 $0xFFFFE000  }
0x1e6: {  	[spmem:s3] =	stream.indirect.scatter.add.f32 [tilespmem:s20], [sflag:$0x3], $0x40, s9, s19, $0xb8;
	[tilespmem:$0x18800] =	vst v63  }
0x1e7: {  	_ =	swait.ge [sflag:s16], $0x2000  }
0x1e8: {  	s12 =	simm.s32 $0x80;
	s15 =	simm.s32 $0x100;
	[sflag:s16] =	ssyncset.done $0x0  }
.LBB2_8:
0x1e9: {  	s10 =	sadd.s32 s12, s14  }
0x1ea: {  	[sflag:s16] =	ssyncadd.s32 $0xFFFFE000;
	s11 =	smov.u32 s15;
	s6 =	sadd.s32 $0x80, s15  }
0x1eb: {  	[tilespmem:s4], [sflag:$0x3] =	stream.linear.gather [hbm4b:s10+s4], $0x400, $0x38;
	[tilespmem:$0x18800] =	vst v63  }
0x1ec: {  	p0 =	sne.s32 s15, $0x480;
	_ =	swait.ge [sflag:s16], $0x400  }
0x1ed: {  	[sflag:s16] =	ssyncset.done $0x0  }
0x1ee: {  	s10 =	sadd.s32 s12, s13;
	s12 =	smov.u32 s11;
	[sflag:s16] =	ssyncadd.s32 $0xFFFFFC00  }
0x1ef: {  	[tilespmem:s18], [sflag:$0x3] =	stream.linear.gather [hbm4b:s10+s4], $0x400, $0x38;
	[tilespmem:$0x18800] =	vst v63  }
0x1f0: {  	_ =	swait.ge [sflag:s16], $0x400  }
0x1f1: {  	[sflag:s16] =	ssyncset.done $0x0  }
0x1f2: {  	[sflag:s16] =	ssyncadd.s32 $0xFFFFFC00  }
0x1f3: {  	[tilespmem:s17], [sflag:$0x1] =	stream.indirect.gather [spmem:s1], $0x40, s4, s19, $0xb8;
	[tilespmem:$0x18800] =	vst v63  }
0x1f4: {  	_ = 	snop  }
0x1f5: {  	[tilespmem:s20], [sflag:$0x2] =	stream.indirect.gather [spmem:s1], $0x40, s19, s19, $0xb8;
	[tilespmem:$0x18800] =	vst v63  }
0x1f6: {  	_ =	swait.ge [sflag:s21], $0x2000  }
0x1f7: {  	[sflag:s21] =	ssyncset.done $0x0  }
0x1f8: {  	[sflag:s21] =	ssyncadd.s32 $0xFFFFE000  }
0x1f9: {  	[spmem:s3] =	stream.indirect.scatter.add.f32 [tilespmem:s17], [sflag:$0x3], $0x40, s18, s19, $0xb8;
	[tilespmem:$0x18800] =	vst v63  }
0x1fa: {  	_ =	swait.ge [sflag:s16], $0x2000  }
0x1fb: {  	[sflag:s16] =	ssyncset.done $0x0  }
0x1fc: {  	[sflag:s16] =	ssyncadd.s32 $0xFFFFE000  }
0x1fd: {  	[tilespmem:s17], [sflag:$0x1] =	stream.indirect.gather [spmem:s1], $0x40, s22, s19, $0xb8;
	[tilespmem:$0x18800] =	vst v63  }
0x1fe: {  	_ =	swait.ge [sflag:s23], $0x2000  }
0x1ff: {  	[sflag:s23] =	ssyncset.done $0x0  }
0x200: {  	[sflag:s23] =	ssyncadd.s32 $0xFFFFE000  }
0x201: {  	[spmem:s3] =	stream.indirect.scatter.add.f32 [tilespmem:s20], [sflag:$0x3], $0x40, s24, s19, $0xb8;
	[tilespmem:$0x18800] =	vst v63  }
0x202: {  	_ =	swait.ge [sflag:s16], $0x2000  }
0x203: {  	[sflag:s16] =	ssyncset.done $0x0  }
0x204: {  	[sflag:s16] =	ssyncadd.s32 $0xFFFFE000  }
0x205: {  	[tilespmem:s20], [sflag:$0x2] =	stream.indirect.gather [spmem:s1], $0x40, s25, s19, $0xb8;
	[tilespmem:$0x18800] =	vst v63  }
0x206: {  	_ =	swait.ge [sflag:s21], $0x2000  }
0x207: {  	[sflag:s21] =	ssyncset.done $0x0  }
0x208: {  	[sflag:s21] =	ssyncadd.s32 $0xFFFFE000  }
0x209: {  	[spmem:s3] =	stream.indirect.scatter.add.f32 [tilespmem:s17], [sflag:$0x3], $0x40, s26, s19, $0xb8;
	[tilespmem:$0x18800] =	vst v63  }
0x20a: {  	_ =	swait.ge [sflag:s16], $0x2000  }
0x20b: {  	[sflag:s16] =	ssyncset.done $0x0  }
0x20c: {  	[sflag:s16] =	ssyncadd.s32 $0xFFFFE000  }
0x20d: {  	[tilespmem:s17], [sflag:$0x1] =	stream.indirect.gather [spmem:s1], $0x40, s28, s19, $0xb8;
	[tilespmem:$0x18800] =	vst v63  }
0x20e: {  	_ =	swait.ge [sflag:s23], $0x2000  }
0x20f: {  	[sflag:s23] =	ssyncset.done $0x0  }
0x210: {  	[sflag:s23] =	ssyncadd.s32 $0xFFFFE000  }
0x211: {  	[spmem:s3] =	stream.indirect.scatter.add.f32 [tilespmem:s20], [sflag:$0x3], $0x40, s29, s19, $0xb8;
	[tilespmem:$0x18800] =	vst v63  }
0x212: {  	_ =	swait.ge [sflag:s16], $0x2000  }
0x213: {  	[sflag:s16] =	ssyncset.done $0x0  }
0x214: {  	[sflag:s16] =	ssyncadd.s32 $0xFFFFE000  }
0x215: {  	[tilespmem:s20], [sflag:$0x2] =	stream.indirect.gather [spmem:s1], $0x40, s30, s19, $0xb8;
	[tilespmem:$0x18800] =	vst v63  }
0x216: {  	_ =	swait.ge [sflag:s21], $0x2000  }
0x217: {  	[sflag:s21] =	ssyncset.done $0x0  }
0x218: {  	[sflag:s21] =	ssyncadd.s32 $0xFFFFE000  }
0x219: {  	[spmem:s3] =	stream.indirect.scatter.add.f32 [tilespmem:s17], [sflag:$0x3], $0x40, s31, s19, $0xb8;
	[tilespmem:$0x18800] =	vst v63  }
0x21a: {  	_ =	swait.ge [sflag:s16], $0x2000  }
0x21b: {  	[sflag:s16] =	ssyncset.done $0x0  }
0x21c: {  	[sflag:s16] =	ssyncadd.s32 $0xFFFFE000  }
0x21d: {  	[tilespmem:s17], [sflag:$0x1] =	stream.indirect.gather [spmem:s1], $0x40, s2, s19, $0xb8;
	[tilespmem:$0x18800] =	vst v63  }
0x21e: {  	_ =	swait.ge [sflag:s23], $0x2000  }
0x21f: {  	[sflag:s23] =	ssyncset.done $0x0  }
0x220: {  	[sflag:s23] =	ssyncadd.s32 $0xFFFFE000  }
0x221: {  	[spmem:s3] =	stream.indirect.scatter.add.f32 [tilespmem:s20], [sflag:$0x3], $0x40, s0, s19, $0xb8;
	[tilespmem:$0x18800] =	vst v63  }
0x222: {  	_ =	swait.ge [sflag:s16], $0x2000  }
0x223: {  	[sflag:s16] =	ssyncset.done $0x0  }
0x224: {  	[sflag:s16] =	ssyncadd.s32 $0xFFFFE000  }
0x225: {  	[tilespmem:s20], [sflag:$0x2] =	stream.indirect.gather [spmem:s1], $0x40, s5, s19, $0xb8;
	[tilespmem:$0x18800] =	vst v63  }
0x226: {  	_ =	swait.ge [sflag:s21], $0x2000  }
0x227: {  	[sflag:s21] =	ssyncset.done $0x0  }
0x228: {  	[sflag:s21] =	ssyncadd.s32 $0xFFFFE000  }
0x229: {  	[spmem:s3] =	stream.indirect.scatter.add.f32 [tilespmem:s17], [sflag:$0x3], $0x40, s8, s19, $0xb8;
	[tilespmem:$0x18800] =	vst v63  }
0x22a: {  	_ =	swait.ge [sflag:s16], $0x2000  }
0x22b: {  	[sflag:s16] =	ssyncset.done $0x0  }
0x22c: {  	[sflag:s16] =	ssyncadd.s32 $0xFFFFE000  }
0x22d: {  	_ =	swait.ge [sflag:s23], $0x2000  }
.Ltmp3:
0x22e: {  	[sflag:s23] =	ssyncset.done $0x0;
	(pc) =	sbr.rel @p0 .LBB2_8-.Ltmp3, $4  }
0x22f: {  	[sflag:s23] =	ssyncadd.s32 $0xFFFFE000  }
0x230: {  	[spmem:s3] =	stream.indirect.scatter.add.f32 [tilespmem:s20], [sflag:$0x3], $0x40, s9, s19, $0xb8;
	[tilespmem:$0x18800] =	vst v63  }
0x231: {  	_ =	swait.ge [sflag:s16], $0x2000  }
0x232: {  	s15 =	smov.u32 s6;
	[sflag:s16] =	ssyncset.done $0x0  }
0x233: {  	s6 =	sadd.s32 s12, s14;
	[sflag:s16] =	ssyncadd.s32 $0xFFFFE000  }
0x234: {  	[tilespmem:s4], [sflag:$0x3] =	stream.linear.gather [hbm4b:s6+s4], $0x400, $0x38;
	[tilespmem:$0x18800] =	vst v63  }
0x235: {  	_ =	swait.ge [sflag:s16], $0x400  }
0x236: {  	[sflag:s16] =	ssyncset.done $0x0  }
0x237: {  	s11 =	sadd.s32 s12, s13;
	[sflag:s16] =	ssyncadd.s32 $0xFFFFFC00  }
0x238: {  	[tilespmem:s18], [sflag:$0x3] =	stream.linear.gather [hbm4b:s11+s4], $0x400, $0x38;
	[tilespmem:$0x18800] =	vst v63  }
0x239: {  	_ =	swait.ge [sflag:s16], $0x400  }
0x23a: {  	[sflag:s16] =	ssyncset.done $0x0  }
0x23b: {  	[sflag:s16] =	ssyncadd.s32 $0xFFFFFC00  }
0x23c: {  	[tilespmem:s17], [sflag:$0x1] =	stream.indirect.gather [spmem:s1], $0x40, s4, s19, $0xb8;
	[tilespmem:$0x18800] =	vst v63  }
0x23d: {  	_ = 	snop  }
0x23e: {  	[tilespmem:s20], [sflag:$0x2] =	stream.indirect.gather [spmem:s1], $0x40, s19, s19, $0xb8;
	[tilespmem:$0x18800] =	vst v63  }
0x23f: {  	_ =	swait.ge [sflag:s21], $0x2000  }
0x240: {  	[sflag:s21] =	ssyncset.done $0x0  }
0x241: {  	[sflag:s21] =	ssyncadd.s32 $0xFFFFE000  }
0x242: {  	[spmem:s3] =	stream.indirect.scatter.add.f32 [tilespmem:s17], [sflag:$0x3], $0x40, s18, s19, $0xb8;
	[tilespmem:$0x18800] =	vst v63  }
0x243: {  	_ =	swait.ge [sflag:s16], $0x2000  }
0x244: {  	[sflag:s16] =	ssyncset.done $0x0  }
0x245: {  	[sflag:s16] =	ssyncadd.s32 $0xFFFFE000  }
0x246: {  	[tilespmem:s17], [sflag:$0x1] =	stream.indirect.gather [spmem:s1], $0x40, s22, s19, $0xb8;
	[tilespmem:$0x18800] =	vst v63  }
0x247: {  	_ =	swait.ge [sflag:s23], $0x2000  }
0x248: {  	[sflag:s23] =	ssyncset.done $0x0  }
0x249: {  	[sflag:s23] =	ssyncadd.s32 $0xFFFFE000  }
0x24a: {  	[spmem:s3] =	stream.indirect.scatter.add.f32 [tilespmem:s20], [sflag:$0x3], $0x40, s24, s19, $0xb8;
	[tilespmem:$0x18800] =	vst v63  }
0x24b: {  	_ =	swait.ge [sflag:s16], $0x2000  }
0x24c: {  	[sflag:s16] =	ssyncset.done $0x0  }
0x24d: {  	[sflag:s16] =	ssyncadd.s32 $0xFFFFE000  }
0x24e: {  	[tilespmem:s20], [sflag:$0x2] =	stream.indirect.gather [spmem:s1], $0x40, s25, s19, $0xb8;
	[tilespmem:$0x18800] =	vst v63  }
0x24f: {  	_ =	swait.ge [sflag:s21], $0x2000  }
0x250: {  	[sflag:s21] =	ssyncset.done $0x0  }
0x251: {  	[sflag:s21] =	ssyncadd.s32 $0xFFFFE000  }
0x252: {  	[spmem:s3] =	stream.indirect.scatter.add.f32 [tilespmem:s17], [sflag:$0x3], $0x40, s26, s19, $0xb8;
	[tilespmem:$0x18800] =	vst v63  }
0x253: {  	_ =	swait.ge [sflag:s16], $0x2000  }
0x254: {  	[sflag:s16] =	ssyncset.done $0x0  }
0x255: {  	[sflag:s16] =	ssyncadd.s32 $0xFFFFE000  }
0x256: {  	[tilespmem:s17], [sflag:$0x1] =	stream.indirect.gather [spmem:s1], $0x40, s28, s19, $0xb8;
	[tilespmem:$0x18800] =	vst v63  }
0x257: {  	_ =	swait.ge [sflag:s23], $0x2000  }
0x258: {  	[sflag:s23] =	ssyncset.done $0x0  }
0x259: {  	[sflag:s23] =	ssyncadd.s32 $0xFFFFE000  }
0x25a: {  	[spmem:s3] =	stream.indirect.scatter.add.f32 [tilespmem:s20], [sflag:$0x3], $0x40, s29, s19, $0xb8;
	[tilespmem:$0x18800] =	vst v63  }
0x25b: {  	_ =	swait.ge [sflag:s16], $0x2000  }
0x25c: {  	[sflag:s16] =	ssyncset.done $0x0  }
0x25d: {  	[sflag:s16] =	ssyncadd.s32 $0xFFFFE000  }
0x25e: {  	[tilespmem:s20], [sflag:$0x2] =	stream.indirect.gather [spmem:s1], $0x40, s30, s19, $0xb8;
	[tilespmem:$0x18800] =	vst v63  }
0x25f: {  	_ =	swait.ge [sflag:s21], $0x2000  }
0x260: {  	[sflag:s21] =	ssyncset.done $0x0  }
0x261: {  	[sflag:s21] =	ssyncadd.s32 $0xFFFFE000  }
0x262: {  	[spmem:s3] =	stream.indirect.scatter.add.f32 [tilespmem:s17], [sflag:$0x3], $0x40, s31, s19, $0xb8;
	[tilespmem:$0x18800] =	vst v63  }
0x263: {  	_ =	swait.ge [sflag:s16], $0x2000  }
0x264: {  	[sflag:s16] =	ssyncset.done $0x0  }
0x265: {  	[sflag:s16] =	ssyncadd.s32 $0xFFFFE000  }
0x266: {  	[tilespmem:s17], [sflag:$0x1] =	stream.indirect.gather [spmem:s1], $0x40, s2, s19, $0xb8;
	[tilespmem:$0x18800] =	vst v63  }
0x267: {  	_ =	swait.ge [sflag:s23], $0x2000  }
0x268: {  	[sflag:s23] =	ssyncset.done $0x0  }
0x269: {  	[sflag:s23] =	ssyncadd.s32 $0xFFFFE000  }
0x26a: {  	[spmem:s3] =	stream.indirect.scatter.add.f32 [tilespmem:s20], [sflag:$0x3], $0x40, s0, s19, $0xb8;
	[tilespmem:$0x18800] =	vst v63  }
0x26b: {  	_ =	swait.ge [sflag:s16], $0x2000  }
0x26c: {  	[sflag:s16] =	ssyncset.done $0x0  }
0x26d: {  	[sflag:s16] =	ssyncadd.s32 $0xFFFFE000  }
0x26e: {  	[tilespmem:s20], [sflag:$0x2] =	stream.indirect.gather [spmem:s1], $0x40, s5, s19, $0xb8;
	[tilespmem:$0x18800] =	vst v63  }
0x26f: {  	_ =	swait.ge [sflag:s21], $0x2000  }
0x270: {  	[sflag:s21] =	ssyncset.done $0x0  }
0x271: {  	[sflag:s21] =	ssyncadd.s32 $0xFFFFE000  }
0x272: {  	[spmem:s3] =	stream.indirect.scatter.add.f32 [tilespmem:s17], [sflag:$0x3], $0x40, s8, s19, $0xb8;
	[tilespmem:$0x18800] =	vst v63  }
0x273: {  	_ =	swait.ge [sflag:s16], $0x2000  }
0x274: {  	[sflag:s16] =	ssyncset.done $0x0  }
0x275: {  	[sflag:s16] =	ssyncadd.s32 $0xFFFFE000  }
0x276: {  	_ =	swait.ge [sflag:s23], $0x2000  }
0x277: {  	[sflag:s23] =	ssyncset.done $0x0  }
0x278: {  	[sflag:s23] =	ssyncadd.s32 $0xFFFFE000  }
0x279: {  	[spmem:s3] =	stream.indirect.scatter.add.f32 [tilespmem:s20], [sflag:$0x3], $0x40, s9, s19, $0xb8;
	[tilespmem:$0x18800] =	vst v63  }
0x27a: {  	_ =	swait.ge [sflag:s16], $0x2000  }
0x27b: {  	[sflag:s16] =	ssyncset.done $0x0  }
0x27c: {  	[sflag:s16] =	ssyncadd.s32 $0xFFFFE000  }
0x27d: {  	[bflag:$0x0] =	sbarrier.arrive $0xFFFF  }
0x27e: {  	s15 =	rddreg [dreg:$0x6]  }
0x27f: {  	s12 =	rddreg [dreg:$0xa]  }
0x280: {  	s10 =	rddreg [dreg:$0xe]  }
0x281: {  	[hbm:s12], [sflag:s15] =	dma.local [spmem:s10], $0x1400  }
0x282: {  	_ =	swait.ge [sflag:s16], $0x1400  }
0x283: {  	s11 =	rddreg [dreg:$0xd]  }
0x284: {  	s12 =	rddreg [dreg:$0xb];
	s10 =	sadd.s32 $0x1, s11  }
0x285: {  	p0 =	sne.s32 s10, s12  }
.Ltmp4:
0x286: {  	_ = 	snop;
	(pc) =	sbr.rel @p0 .LBB2_1-.Ltmp4, $3  }
0x287: {  	[sflag:s16] =	ssyncset.done $0x0  }
0x288: {  	[sflag:s16] =	ssyncadd.s32 $0xFFFFEC00  }
0x289: {  	[bflag:$0x0] =	sbarrier.arrive $0xFFFF;
	_ =	sdelay $0x1  }
0x28a: {  	_ =	sfence.sel $0x180000  }
0x28b: {  	[bflag:$0x0] =	sbarrier.arrive $0xFFFF  }
0x28c: {  	_ =	strace $0x9000004A  }
0x28d: {  	s0 =	stileid.u32;
	[bflag:$0x2] =	sbarrier.arrive $0xFFFF  }
0x28e: {  	p0 =	sne.s32 s0, $0x0;
	s0 =	rddreg [dreg:$0x4]  }
0x28f: {  	s0 =	sadd.s32 @!p0 $0x100000, s0  }
0x290: {  	[sflag:s0] =	ssyncadd.tile.s32 @!p0 $0x1;
	_ =	shalt  }
.Lfunc_end2:
_tile_overlayer_lowered:
.L_overlay_start_2:
0x291: {  	(tag) =	ssettag $0x2  }
0x292: {  	s0 =	rddreg [dreg:$0x0];
	s2 =	stileid.u32  }
0x293: {  	s1 =	rddreg [dreg:$0x1];
	p0 =	sne.s32 s2, $0x0  }
0x294: {  	s3 =	rddreg [dreg:$0x2];
	[bflag:$0x3] =	sbarrier.arrive $0xFFFF;
	s2 =	simm.s32 @!p0 $0x1C03  }
0x295: {  	[timem:s3], [sflag:s2] =	dma.local @!p0 [hbm:s0], s1  }
0x296: {  	s0 =	simm.s32 @!p0 $0x3  }
0x297: {  	_ =	swait.ge @!p0 [sflag:s0], s1  }
0x298: {  	s1 =	ssub.s32 @!p0 $0x0, s1;
	[sflag:s0] =	ssyncset.done @!p0 $0x0  }
0x299: {  	[sflag:s0] =	ssyncadd.s32 @!p0 s1  }
0x29a: {  	[bflag:$0x3] =	sbarrier.arrive $0xFFFF  }
0x29b: {  	_ =	shalt  }

// kernel: kernel.14.cloned.1.call-start
scs
__scs_entry_jumppad:
0x0: {  	(pc) =	sbr.rel $0x88, $3  }
0x1: {  	(tag) =	ssettag $0x0;
	lr =	simm.s32 $0x1  }
0x2: {  	[smem:$0x3F9B] =	sst lr;
	_ =	strace $0xD0000000  }
0x3: {  	_ = 	snop  }
0x4: {  	_ = 	snop  }
0x5: {  	_ = 	snop  }
0x6: {  	_ = 	snop  }
0x7: {  	_ = 	snop  }
__scs_overlays_trampoline_lowered:
0x8: {  	[smem:$0x3FAA] =	sst s0  }
0x9: {  	[smem:$0x3FAB] =	sst s1  }
0xa: {  	[smem:$0x3FAC] =	sst s2  }
0xb: {  	[smem:$0x3FAD] =	sst s3  }
0xc: {  	[smem:$0x3FAE] =	sst s4  }
0xd: {  	[smem:$0x3FAF] =	sst s5  }
0xe: {  	[smem:$0x3FB0] =	sst s6  }
0xf: {  	[smem:$0x3FB1] =	sst s7  }
0x10: {  	[smem:$0x3FB2] =	sst s8  }
0x11: {  	[smem:$0x3FB3] =	sst s9;
	s0 =	simm.s32 @!p0 $0x0  }
0x12: {  	s1 =	sld [smem:$0x3F99];
	s0 =	simm.s32 @p0 $0x1  }
0x13: {  	[smem:$0x3FB4] =	sst s0;
	s0 =	simm.s32 @!p1 $0x0  }
0x14: {  	s2 =	sld [smem:$0x3F98];
	s0 =	simm.s32 @p1 $0x1  }
0x15: {  	[smem:$0x3FB5] =	sst s0;
	s0 =	simm.s32 @!p2 $0x0  }
0x16: {  	s3 =	sld [smem:$0x3FDB];
	s0 =	simm.s32 @p2 $0x1  }
0x17: {  	s4 =	simm.s32 $0x1BF5;
	[smem:$0x3FB7] =	sst s0  }
0x18: {  	s0 =	sld [smem:$0x3F9A];
	_ =	swait.ge [sflag:s4], $0x0  }
0x19: {  	s7 =	sld [smem:$0x3F9B]  }
0x1a: {  	s8 =	sadd.s32 $0xFFFFE003, lr  }
0x1b: {  	s9 =	sadd.s32 $0xFFFFFEF7, lr;
	s5 =	simm.s32 $0xFFFFFFFF;
	p2 =	slt.u32 s8, $0xFFFFF086  }
0x1c: {  	p1 =	slt.u32 s9, $0xF7A;
	s5 =	simm.s32 @!p2 $0x0  }
0x1d: {  	s5 =	simm.s32 @p1 $0x1;
	p0 =	seq.s32 s7, s2  }
0x1e: {  	s7 =	smul.u32 @!p0 $0xF7A, s2;
	p2 =	seq.s32 @!p0 s5, $0x0  }
0x1f: {  	s9 =	smul.u32 $0xF7A, s1;
	s8 =	simm.s32 @!p0 $0x1BF5;
	p2 =	por !p2, p0  }
0x20: {  	[sflag:s8] =	ssyncset.s32 @!p0 $0xFFFFF086;
	s6 =	sadd.s32 @!p0 s3, s7;
	s7 =	simm.s32 @!p0 $0x108  }
0x21: {  	s3 =	sadd.s32 s3, s9;
	s6 =	sadd.s32 @!p0 $0x88, s6;
	s7 =	simm.s32 @p2 $0x1082  }
0x22: {  	[simem:s7], [sflag:s8] =	dma.local @!p0 [hbm:s6], $0xF7A  }
0x23: {  	s9 =	sor.u32 $0xD0000000, s2;
	s6 =	simm.s32 $0x108;
	_ =	swait.ge @!p0 [sflag:s8], $0x0  }
0x24: {  	s3 =	sadd.s32 $0x88, s3;
	s6 =	simm.s32 @!p1 $0x1082;
	[sflag:s4] =	ssyncset.s32 $0xFFFFF086  }
0x25: {  	[simem:s6], [sflag:s4] =	dma.local [hbm:s3], $0xF7A  }
0x26: {  	[smem:$0x3F9B] =	sst s1;
	(tag) =	ssettag s2;
	_ =	strace s9  }
0x27: {  	s1 =	sld [smem:$0x3FAB]  }
0x28: {  	s2 =	sld [smem:$0x3FAC]  }
0x29: {  	s4 =	sld [smem:$0x3FAE]  }
0x2a: {  	p0 =	seq.s32 s5, $0x0;
	s5 =	sld [smem:$0x3FAF]  }
0x2b: {  	s6 =	sld [smem:$0x3FB0]  }
0x2c: {  	s7 =	sld [smem:$0x3FB1]  }
0x2d: {  	s3 =	simm.s32 $0x108;
	s8 =	sld [smem:$0x3FB2]  }
0x2e: {  	s3 =	simm.s32 @!p0 $0x1082;
	s9 =	sld [smem:$0x3FB3]  }
0x2f: {  	lr =	sadd.s32 s0, s3;
	s0 =	sld [smem:$0x3FAA]  }
0x30: {  	s3 =	sld [smem:$0x3FAD]  }
0x31: {  	[smem:$0x3FB6] =	sst s10  }
0x32: {  	s10 =	sld [smem:$0x3FB4];
	_ =	sdelay $0x3  }
0x33: {  	p0 =	seq.s32 s10, $0x1;
	s10 =	sld [smem:$0x3FB6];
	_ =	sdelay $0x3  }
0x34: {  	[smem:$0x3FB6] =	sst s10  }
0x35: {  	s10 =	sld [smem:$0x3FB5];
	_ =	sdelay $0x3  }
0x36: {  	p1 =	seq.s32 s10, $0x1;
	s10 =	sld [smem:$0x3FB6];
	_ =	sdelay $0x3  }
0x37: {  	[smem:$0x3FB6] =	sst s10  }
0x38: {  	s10 =	sld [smem:$0x3FB7]  }
0x39: {  	_ = 	snop;
	(pc) =	sbr.ind lr, $3  }
0x3a: {  	_ = 	snop  }
0x3b: {  	_ = 	snop  }
0x3c: {  	p2 =	seq.s32 s10, $0x1;
	s10 =	sld [smem:$0x3FB6]  }
0x3d: {  	_ =	shalt  }
0x3e: {  	_ =	shalt  }
0x3f: {  	_ =	shalt  }
0x40: {  	_ =	shalt  }
0x41: {  	_ =	shalt  }
0x42: {  	_ =	shalt  }
0x43: {  	_ =	shalt  }
0x44: {  	_ =	shalt  }
0x45: {  	_ =	shalt  }
0x46: {  	_ =	shalt  }
0x47: {  	_ =	shalt  }
0x48: {  	_ =	shalt  }
0x49: {  	_ =	shalt  }
0x4a: {  	_ =	shalt  }
0x4b: {  	_ =	shalt  }
0x4c: {  	_ =	shalt  }
0x4d: {  	_ =	shalt  }
0x4e: {  	_ =	shalt  }
0x4f: {  	_ =	shalt  }
0x50: {  	_ =	shalt  }
0x51: {  	_ =	shalt  }
0x52: {  	_ =	shalt  }
0x53: {  	_ =	shalt  }
0x54: {  	_ =	shalt  }
0x55: {  	_ =	shalt  }
0x56: {  	_ =	shalt  }
0x57: {  	_ =	shalt  }
0x58: {  	_ =	shalt  }
0x59: {  	_ =	shalt  }
0x5a: {  	_ =	shalt  }
0x5b: {  	_ =	shalt  }
0x5c: {  	_ =	shalt  }
0x5d: {  	_ =	shalt  }
0x5e: {  	_ =	shalt  }
0x5f: {  	_ =	shalt  }
0x60: {  	_ =	shalt  }
0x61: {  	_ =	shalt  }
0x62: {  	_ =	shalt  }
0x63: {  	_ =	shalt  }
0x64: {  	_ =	shalt  }
0x65: {  	_ =	shalt  }
0x66: {  	_ =	shalt  }
0x67: {  	_ =	shalt  }
0x68: {  	_ =	shalt  }
0x69: {  	_ =	shalt  }
0x6a: {  	_ =	shalt  }
0x6b: {  	_ =	shalt  }
0x6c: {  	_ =	shalt  }
0x6d: {  	_ =	shalt  }
0x6e: {  	_ =	shalt  }
0x6f: {  	_ =	shalt  }
0x70: {  	_ =	shalt  }
0x71: {  	_ =	shalt  }
0x72: {  	_ =	shalt  }
0x73: {  	_ =	shalt  }
0x74: {  	_ =	shalt  }
0x75: {  	_ =	shalt  }
0x76: {  	_ =	shalt  }
0x77: {  	_ =	shalt  }
0x78: {  	_ =	shalt  }
0x79: {  	_ =	shalt  }
0x7a: {  	_ =	shalt  }
0x7b: {  	_ =	shalt  }
0x7c: {  	_ =	shalt  }
0x7d: {  	_ =	shalt  }
0x7e: {  	_ =	shalt  }
0x7f: {  	_ =	shalt  }
0x80: {  	_ =	shalt  }
0x81: {  	_ =	shalt  }
0x82: {  	_ =	shalt  }
0x83: {  	_ =	shalt  }
0x84: {  	_ =	shalt  }
0x85: {  	_ =	shalt  }
0x86: {  	_ =	shalt  }
0x87: {  	_ =	shalt  }
.Lfunc_end0:
.L_simem_size_0:
called_computation.2_lowered:
.L_overlay_start_0:
0x88: {  	s2 =	sld [smem:$0x3FD9]  }
0x89: {  	s3 =	sld [smem:$0x3FFE];
	_ =	sdelay $0x1  }
0x8a: {  	s1 =	srdreg.scid  }
0x8b: {  	s0 =	sand.u32 $0x1, s1  }
0x8c: {  	s17 =	sshll.u32 s0, $0xA;
	s2 =	sadd.s32 s3, s2  }
0x8d: {  	s2 =	sadd.s32 s2, s17  }
0x8e: {  	[smem:$0x3FC2] =	sst s2  }
0x8f: {  	_ = 	snop  }
0x90: {  	s2 =	sld [smem:$0x3FD0];
	(tm) =	ssettm $0x1  }
0x91: {  	s18 =	sld [smem:$0x3FFB];
	_ =	sdelay $0x3  }
0x92: {  	_ =	strace s18  }
0x93: {  	s3 =	sld [smem:$0x3FFC];
	_ =	sdelay $0x3  }
0x94: {  	_ =	strace s3  }
0x95: {  	s3 =	sld [smem:$0x3FFD];
	_ =	sdelay $0x3  }
0x96: {  	_ =	strace s3  }
0x97: {  	_ =	strace $0x8FFFFFFF  }
0x98: {  	s19 =	sld [smem:$0x3FDB];
	_ =	sdelay $0x1  }
0x99: {  	s4 =	simm.s32 $_scs_section_size  }
0x9a: {  	s5 =	simm.s32 $_size__tile_overlayer_lowered;
	s6 =	simm.s32 $_tile_overlayer_lowered  }
0x9b: {  	s22 =	simm.s32 $0x1BFF;
	s21 =	sshll.u32 s6, $0x1;
	s3 =	sadd.s32 s4, s19  }
0x9c: {  	s7 =	simm.s32 $0x0;
	s20 =	sshll.u32 s5, $0x1;
	s5 =	sadd.s32 s21, s3  }
0x9d: {  	[timem:s7], [sflag:s22] =	dma.local [hbm:s5], s20  }
0x9e: {  	_ =	swait.ge [sflag:s22], s20  }
0x9f: {  	s4 =	ssub.s32 $0x0, s20;
	[sflag:s22] =	ssyncset.done $0x0  }
0xa0: {  	[sflag:s22] =	ssyncadd.s32 s4;
	_ =	sdelay $0x1  }
0xa1: {  	s23 =	simm.s32 $0x1B8B  }
0xa2: {  	_ =	swait.ge [sflag:s23], $0x1  }
0xa3: {  	[sflag:s23] =	ssyncset.done $0x0  }
0xa4: {  	s25 =	simm.s32 $0x1B8E;
	s24 =	sld [smem:$0x3FFE];
	[sflag:s23] =	ssyncadd.s32 $0xFFFFFFFF  }
0xa5: {  	s26 =	simm.s32 $execute0_lowered;
	[smem:$0x3FD2] =	sst s25  }
0xa6: {  	s5 =	sshll.u32 s26, $0x1;
	_ =	strace $0x8000004C;
	[dreg:$0x1] =	wrdreg $0xFFFFFFFF  }
0xa7: {  	s28 =	simm.s32 $_size_execute0_lowered;
	s3 =	sadd.s32 s3, s5;
	[dreg:$0x0] =	wrdreg $0x0  }
0xa8: {  	s5 =	sshll.u32 s28, $0x1;
	[dreg:$0x2] =	wrdreg s3  }
0xa9: {  	[dreg:$0x3] =	wrdreg s5  }
0xaa: {  	[dreg:$0x4] =	wrdreg $0xC0  }
0xab: {  	_ =	task [dreg:s7], $0x5FFFF  }
0xac: {  	[dreg:$0x1] =	wrdreg $0xFFFFFFFF  }
0xad: {  	[dreg:$0x0] =	wrdreg $0x60  }
0xae: {  	[dreg:$0x2] =	wrdreg s24  }
0xaf: {  	[dreg:$0x3] =	wrdreg s2  }
0xb0: {  	[dreg:$0x4] =	wrdreg $0xB0000  }
0xb1: {  	[dreg:$0x5] =	wrdreg $0x38000  }
0xb2: {  	[dreg:$0x6] =	wrdreg $0x9  }
0xb3: {  	_ =	task.clear_ibuf [dreg:s7], $0x7FFFF;
	_ =	strace $0x9000004C  }
0xb4: {  	s29 =	simm.s32 $0x9;
	_ =	strace $0x8000004E  }
0xb5: {  	_ =	swait.ge [sflag:s29], $0x1  }
0xb6: {  	[sflag:s29] =	ssyncadd.s32 $0xFFFFFFFF  }
0xb7: {  	_ =	strace $0x9000004E  }
0xb8: {  	_ =	sfence  }
0xb9: {  	s30 =	sld [smem:$0x0];
	_ =	sdelay $0x2  }
0xba: {  	s31 =	sshll.u32 s1, $0xD;
	s1 =	sshrl.u32 s1, $0x2  }
0xbb: {  	s3 =	sand.u32 $0x4000, s31;
	s1 =	sadd.s32 s1, s30  }
0xbc: {  	s0 =	sor.u32 s3, s0;
	s1 =	sshll.u32 s1, $0x11  }
0xbd: {  	s0 =	sor.u32 s1, s0  }
0xbe: {  	s0 =	sadd.s32 $0x8F2B, s0  }
0xbf: {  	[sflag:s0] =	ssyncadd.remote.s32 $0x1  }
0xc0: {  	_ =	sfence.sel $0xFFFF  }
0xc1: {  	[dreg:$0x0] =	wrdreg $0xFFFFFFFF;
	(pc) =	sbr.abs _section_cstart, $3  }
0xc2: {  	[dreg:$0x1] =	wrdreg $0xFFFFFFFF  }
0xc3: {  	_ =	task.clear_ibuf [dreg:s7], $0x2FFFF;
	_ =	strace $0x9FFFFFFF  }
0xc4: {  	(tm) =	ssettm $0x7FFFFFFF  }
0xc5: {  	_ =	shalt  }
tec
execute0_lowered:
.L_overlay_start_1:
0x0: {  	(tag) =	ssettag $0x1  }
0x1: {  	s0 =	rddreg [dreg:$0x0]  }
0x2: {  	s2 =	rddreg [dreg:$0x1]  }
0x3: {  	s1 =	rddreg [dreg:$0x2];
	s12 =	stileid.u32  }
0x4: {  	s4 =	srdreg.scid;
	s3 =	rddreg [dreg:$0x3]  }
0x5: {  	s13 =	simm.s32 $0x3;
	s14 =	simm.s32 $0x800;
	s15 =	simm.s32 $0x400  }
0x6: {  	s16 =	simm.s32 $0x80;
	s17 =	simm.s32 $0x2000;
	s5 =	smul.u32 $0x7800, s12  }
0x7: {  	s28 =	simm.s32 $0x280;
	s29 =	simm.s32 $0x600;
	s7 =	smul.u32 $0x5000, s12  }
0x8: {  	s30 =	simm.s32 $0x300;
	s6 =	sand.u32 $0x1, s4;
	s21 =	smul.u32 $0x1E000, s12  }
0x9: {  	s31 =	simm.s32 $0x680;
	s4 =	simm.s32 $0x0;
	s8 =	smul.u32 $0x2800, s6  }
0xa: {  	s20 =	sshll.u32 s12, $0x6;
	[smem:$0x7FF] =	sst s4;
	s9 =	smul.u32 $0x78000, s6  }
0xb: {  	s6 =	ssub.s32 $0x2, s6;
	s25 =	sor.u32 $0x1C03, s20;
	s20 =	simm.s32 $0x2  }
0xc: {  	_ =	strace $0x8000004D;
	s10 =	sshrl.u32 s5, $0x3;
	s19 =	sshrl.u32 s6, $0x1  }
0xd: {  	s22 =	sadd.s32 s5, s1;
	s23 =	sshrl.u32 s21, $0x2;
	s21 =	simm.s32 $0x480  }
0xe: {  	[dreg:$0x6] =	wrdreg s25;
	s10 =	sadd.s32 s10, s0;
	s7 =	sadd.s32 s8, s7  }
0xf: {  	s18 =	sadd.s32 s5, s9;
	s9 =	sadd.s32 s23, s3;
	s26 =	sshrl.u32 s22, $0x3  }
0x10: {  	s22 =	simm.s32 $0x180;
	s23 =	simm.s32 $0x500;
	s7 =	sshrl.u32 s7, $0x3  }
0x11: {  	s8 =	sshrl.u32 s18, $0x3;
	s10 =	sadd.s32 $0x1A00, s10;
	[dreg:$0x9] =	wrdreg s26  }
0x12: {  	s18 =	simm.s32 $0x1;
	s26 =	simm.s32 $0x580;
	s11 =	sadd.s32 s7, s0  }
0x13: {  	s0 =	sadd.s32 s8, s0;
	s8 =	ssub.s32 s6, s19;
	[dreg:$0x5] =	wrdreg s10  }
0x14: {  	s10 =	sadd.s32 s7, s2;
	s19 =	simm.s32 $0x100;
	s2 =	simm.s32 $0x380  }
0x15: {  	s7 =	simm.s32 $0x0;
	s0 =	sadd.s32 $0x1FA00, s0;
	s24 =	smax.u32 s8, $0x1  }
0x16: {  	s11 =	sadd.s32 $0x15A00, s11;
	[dreg:$0x7] =	wrdreg s0;
	s0 =	sadd.s32 s5, s3  }
0x17: {  	[dreg:$0x8] =	wrdreg s24;
	s24 =	simm.s32 $0x200;
	s0 =	sshrl.u32 s0, $0x3  }
0x18: {  	v0 =	vimm.f32 $0.0e+00;
	s5 =	simm.s32 $0x780;
	[dreg:$0xa] =	wrdreg s0;
	s0 =	simm.s32 $0x700  }
.LBB2_1:
0x19: {  	[dreg:$0xb] =	wrdreg s7  }
0x1a: {  	s6 =	rddreg [dreg:$0x5]  }
0x1b: {  	s12 =	rddreg [dreg:$0x9]  }
0x1c: {  	[spmem:s12], [sflag:s25] =	dma.local [hbm:s6], $0xF00  }
0x1d: {  	_ =	swait.ge [sflag:s13], $0xF00  }
0x1e: {  	[sflag:s13] =	ssyncset.done $0x0  }
0x1f: {  	[sflag:s13] =	ssyncadd.s32 $0xFFFFF100  }
0x20: {  	[tilespmem:$0x800] =	vst v0  }
0x21: {  	[tilespmem:$0x810] =	vst v0  }
0x22: {  	[tilespmem:$0x820] =	vst v0  }
0x23: {  	[tilespmem:$0x830] =	vst v0  }
0x24: {  	[tilespmem:$0x840] =	vst v0  }
0x25: {  	[tilespmem:$0x850] =	vst v0  }
0x26: {  	[tilespmem:$0x860] =	vst v0  }
0x27: {  	[tilespmem:$0x870] =	vst v0  }
0x28: {  	[tilespmem:$0x880] =	vst v0  }
0x29: {  	[tilespmem:$0x890] =	vst v0  }
0x2a: {  	[tilespmem:$0x8A0] =	vst v0  }
0x2b: {  	[tilespmem:$0x8B0] =	vst v0  }
0x2c: {  	[tilespmem:$0x8C0] =	vst v0  }
0x2d: {  	[tilespmem:$0x8D0] =	vst v0  }
0x2e: {  	[tilespmem:$0x8E0] =	vst v0  }
0x2f: {  	[tilespmem:$0x8F0] =	vst v0  }
0x30: {  	[tilespmem:$0x900] =	vst v0  }
0x31: {  	[tilespmem:$0x910] =	vst v0  }
0x32: {  	[tilespmem:$0x920] =	vst v0  }
0x33: {  	[tilespmem:$0x930] =	vst v0  }
0x34: {  	[tilespmem:$0x940] =	vst v0  }
0x35: {  	[tilespmem:$0x950] =	vst v0  }
0x36: {  	[tilespmem:$0x960] =	vst v0  }
0x37: {  	[tilespmem:$0x970] =	vst v0  }
0x38: {  	[tilespmem:$0x980] =	vst v0  }
0x39: {  	[tilespmem:$0x990] =	vst v0  }
0x3a: {  	[tilespmem:$0x9A0] =	vst v0  }
0x3b: {  	[tilespmem:$0x9B0] =	vst v0  }
0x3c: {  	[tilespmem:$0x9C0] =	vst v0  }
0x3d: {  	[tilespmem:$0x9D0] =	vst v0  }
0x3e: {  	[tilespmem:$0x9E0] =	vst v0  }
0x3f: {  	[tilespmem:$0x9F0] =	vst v0  }
0x40: {  	[tilespmem:$0xA00] =	vst v0  }
0x41: {  	[tilespmem:$0xA10] =	vst v0  }
0x42: {  	[tilespmem:$0xA20] =	vst v0  }
0x43: {  	[tilespmem:$0xA30] =	vst v0  }
0x44: {  	[tilespmem:$0xA40] =	vst v0  }
0x45: {  	[tilespmem:$0xA50] =	vst v0  }
0x46: {  	[tilespmem:$0xA60] =	vst v0  }
0x47: {  	[tilespmem:$0xA70] =	vst v0  }
0x48: {  	[tilespmem:$0xA80] =	vst v0  }
0x49: {  	[tilespmem:$0xA90] =	vst v0  }
0x4a: {  	[tilespmem:$0xAA0] =	vst v0  }
0x4b: {  	[tilespmem:$0xAB0] =	vst v0  }
0x4c: {  	[tilespmem:$0xAC0] =	vst v0  }
0x4d: {  	[tilespmem:$0xAD0] =	vst v0  }
0x4e: {  	[tilespmem:$0xAE0] =	vst v0  }
0x4f: {  	s8 =	sadd.s32 $0x0, s9;
	[tilespmem:$0xAF0] =	vst v0  }
0x50: {  	[spmem:s8] =	stream.linear.scatter [tilespmem:s14], [sflag:$0x3], $0x300, $0x38;
	[tilespmem:$0x12800] =	vst v63  }
0x51: {  	s8 =	simm.s32 $0xC00;
	_ =	swait.ge [sflag:s13], $0x300  }
.LBB2_2:
0x52: {  	s12 =	sshra.s32 s8, $0x2;
	[sflag:s13] =	ssyncset.done $0x0;
	p0 =	sne.s32 s8, $0x1D400  }
.Ltmp0:
0x53: {  	s12 =	sadd.s32 s12, s9;
	[sflag:s13] =	ssyncadd.s32 $0xFFFFFD00;
	(pc) =	sbr.rel @p0 .LBB2_2-.Ltmp0, $3  }
0x54: {  	[spmem:s12] =	stream.linear.scatter [tilespmem:s14], [sflag:$0x3], $0x300, $0x38;
	[tilespmem:$0x12800] =	vst v63  }
0x55: {  	s8 =	sadd.s32 $0xC00, s8;
	_ =	sdelay $0x1  }
0x56: {  	_ =	swait.ge [sflag:s13], $0x300  }
0x57: {  	[sflag:s13] =	ssyncset.done $0x0  }
0x58: {  	[sflag:s13] =	ssyncadd.s32 $0xFFFFFD00  }
0x59: {  	s8 =	sadd.s32 $0x0, s11;
	[bflag:$0x0] =	sbarrier.arrive $0xFFFF  }
0x5a: {  	[tilespmem:s4], [sflag:$0x3] =	stream.linear.gather [hbm4b:s8+s4], $0x400, $0x38;
	[tilespmem:$0x12800] =	vst v63  }
0x5b: {  	_ =	swait.ge [sflag:s13], $0x400  }
0x5c: {  	[sflag:s13] =	ssyncset.done $0x0  }
0x5d: {  	s25 =	sadd.s32 $0x0, s10;
	[sflag:s13] =	ssyncadd.s32 $0xFFFFFC00  }
0x5e: {  	[tilespmem:s15], [sflag:$0x3] =	stream.linear.gather [hbm4b:s25+s4], $0x400, $0x38;
	[tilespmem:$0x12800] =	vst v63  }
0x5f: {  	_ =	swait.ge [sflag:s13], $0x400  }
0x60: {  	[sflag:s13] =	ssyncset.done $0x0  }
0x61: {  	[sflag:s13] =	ssyncadd.s32 $0xFFFFFC00  }
0x62: {  	[tilespmem:s14], [sflag:$0x1] =	stream.indirect.gather [spmem:s1], $0x30, s4, s16, $0xb8;
	[tilespmem:$0x12800] =	vst v63  }
0x63: {  	_ = 	snop  }
0x64: {  	[tilespmem:s17], [sflag:$0x2] =	stream.indirect.gather [spmem:s1], $0x30, s16, s16, $0xb8;
	[tilespmem:$0x12800] =	vst v63  }
0x65: {  	_ =	swait.ge [sflag:s18], $0x1800  }
0x66: {  	[sflag:s18] =	ssyncset.done $0x0  }
0x67: {  	[sflag:s18] =	ssyncadd.s32 $0xFFFFE800  }
0x68: {  	[spmem:s3] =	stream.indirect.scatter.add.f32 [tilespmem:s14], [sflag:$0x3], $0x30, s15, s16, $0xb8;
	[tilespmem:$0x12800] =	vst v63  }
0x69: {  	_ =	swait.ge [sflag:s13], $0x1800  }
0x6a: {  	[sflag:s13] =	ssyncset.done $0x0  }
0x6b: {  	[sflag:s13] =	ssyncadd.s32 $0xFFFFE800  }
0x6c: {  	[tilespmem:s14], [sflag:$0x1] =	stream.indirect.gather [spmem:s1], $0x30, s19, s16, $0xb8;
	[tilespmem:$0x12800] =	vst v63  }
0x6d: {  	_ =	swait.ge [sflag:s20], $0x1800  }
0x6e: {  	[sflag:s20] =	ssyncset.done $0x0  }
0x6f: {  	[sflag:s20] =	ssyncadd.s32 $0xFFFFE800  }
0x70: {  	[spmem:s3] =	stream.indirect.scatter.add.f32 [tilespmem:s17], [sflag:$0x3], $0x30, s21, s16, $0xb8;
	[tilespmem:$0x12800] =	vst v63  }
0x71: {  	_ =	swait.ge [sflag:s13], $0x1800  }
0x72: {  	[sflag:s13] =	ssyncset.done $0x0  }
0x73: {  	[sflag:s13] =	ssyncadd.s32 $0xFFFFE800  }
0x74: {  	[tilespmem:s17], [sflag:$0x2] =	stream.indirect.gather [spmem:s1], $0x30, s22, s16, $0xb8;
	[tilespmem:$0x12800] =	vst v63  }
0x75: {  	_ =	swait.ge [sflag:s18], $0x1800  }
0x76: {  	[sflag:s18] =	ssyncset.done $0x0  }
0x77: {  	[sflag:s18] =	ssyncadd.s32 $0xFFFFE800  }
0x78: {  	[spmem:s3] =	stream.indirect.scatter.add.f32 [tilespmem:s14], [sflag:$0x3], $0x30, s23, s16, $0xb8;
	[tilespmem:$0x12800] =	vst v63  }
0x79: {  	_ =	swait.ge [sflag:s13], $0x1800  }
0x7a: {  	[sflag:s13] =	ssyncset.done $0x0  }
0x7b: {  	[sflag:s13] =	ssyncadd.s32 $0xFFFFE800  }
0x7c: {  	[tilespmem:s14], [sflag:$0x1] =	stream.indirect.gather [spmem:s1], $0x30, s24, s16, $0xb8;
	[tilespmem:$0x12800] =	vst v63  }
0x7d: {  	_ =	swait.ge [sflag:s20], $0x1800  }
0x7e: {  	[sflag:s20] =	ssyncset.done $0x0  }
0x7f: {  	[sflag:s20] =	ssyncadd.s32 $0xFFFFE800  }
0x80: {  	[spmem:s3] =	stream.indirect.scatter.add.f32 [tilespmem:s17], [sflag:$0x3], $0x30, s26, s16, $0xb8;
	[tilespmem:$0x12800] =	vst v63  }
0x81: {  	_ =	swait.ge [sflag:s13], $0x1800  }
0x82: {  	[sflag:s13] =	ssyncset.done $0x0  }
0x83: {  	[sflag:s13] =	ssyncadd.s32 $0xFFFFE800  }
0x84: {  	[tilespmem:s17], [sflag:$0x2] =	stream.indirect.gather [spmem:s1], $0x30, s28, s16, $0xb8;
	[tilespmem:$0x12800] =	vst v63  }
0x85: {  	_ =	swait.ge [sflag:s18], $0x1800  }
0x86: {  	[sflag:s18] =	ssyncset.done $0x0  }
0x87: {  	[sflag:s18] =	ssyncadd.s32 $0xFFFFE800  }
0x88: {  	[spmem:s3] =	stream.indirect.scatter.add.f32 [tilespmem:s14], [sflag:$0x3], $0x30, s29, s16, $0xb8;
	[tilespmem:$0x12800] =	vst v63  }
0x89: {  	_ =	swait.ge [sflag:s13], $0x1800  }
0x8a: {  	[sflag:s13] =	ssyncset.done $0x0  }
0x8b: {  	[sflag:s13] =	ssyncadd.s32 $0xFFFFE800  }
0x8c: {  	[tilespmem:s14], [sflag:$0x1] =	stream.indirect.gather [spmem:s1], $0x30, s30, s16, $0xb8;
	[tilespmem:$0x12800] =	vst v63  }
0x8d: {  	_ =	swait.ge [sflag:s20], $0x1800  }
0x8e: {  	[sflag:s20] =	ssyncset.done $0x0  }
0x8f: {  	[sflag:s20] =	ssyncadd.s32 $0xFFFFE800  }
0x90: {  	[spmem:s3] =	stream.indirect.scatter.add.f32 [tilespmem:s17], [sflag:$0x3], $0x30, s31, s16, $0xb8;
	[tilespmem:$0x12800] =	vst v63  }
0x91: {  	_ =	swait.ge [sflag:s13], $0x1800  }
0x92: {  	[sflag:s13] =	ssyncset.done $0x0  }
0x93: {  	[sflag:s13] =	ssyncadd.s32 $0xFFFFE800  }
0x94: {  	[tilespmem:s17], [sflag:$0x2] =	stream.indirect.gather [spmem:s1], $0x30, s2, s16, $0xb8;
	[tilespmem:$0x12800] =	vst v63  }
0x95: {  	_ =	swait.ge [sflag:s18], $0x1800  }
0x96: {  	[sflag:s18] =	ssyncset.done $0x0  }
0x97: {  	[sflag:s18] =	ssyncadd.s32 $0xFFFFE800  }
0x98: {  	[spmem:s3] =	stream.indirect.scatter.add.f32 [tilespmem:s14], [sflag:$0x3], $0x30, s0, s16, $0xb8;
	[tilespmem:$0x12800] =	vst v63  }
0x99: {  	_ =	swait.ge [sflag:s13], $0x1800  }
0x9a: {  	[sflag:s13] =	ssyncset.done $0x0  }
0x9b: {  	[sflag:s13] =	ssyncadd.s32 $0xFFFFE800  }
0x9c: {  	_ =	swait.ge [sflag:s20], $0x1800  }
0x9d: {  	[sflag:s20] =	ssyncset.done $0x0  }
0x9e: {  	[sflag:s20] =	ssyncadd.s32 $0xFFFFE800  }
0x9f: {  	[spmem:s3] =	stream.indirect.scatter.add.f32 [tilespmem:s17], [sflag:$0x3], $0x30, s5, s16, $0xb8;
	[tilespmem:$0x12800] =	vst v63  }
0xa0: {  	_ =	swait.ge [sflag:s13], $0x1800  }
0xa1: {  	s12 =	simm.s32 $0x100;
	s8 =	simm.s32 $0x80;
	[sflag:s13] =	ssyncset.done $0x0  }
.LBB2_4:
0xa2: {  	s6 =	sadd.s32 s8, s11  }
0xa3: {  	[sflag:s13] =	ssyncadd.s32 $0xFFFFE800;
	s7 =	smov.u32 s12;
	s25 =	sadd.s32 $0x80, s12  }
0xa4: {  	[tilespmem:s4], [sflag:$0x3] =	stream.linear.gather [hbm4b:s6+s4], $0x400, $0x38;
	[tilespmem:$0x12800] =	vst v63  }
0xa5: {  	p0 =	sne.s32 s12, $0x480;
	_ =	swait.ge [sflag:s13], $0x400  }
0xa6: {  	[sflag:s13] =	ssyncset.done $0x0  }
0xa7: {  	s6 =	sadd.s32 s8, s10;
	s8 =	smov.u32 s7;
	[sflag:s13] =	ssyncadd.s32 $0xFFFFFC00  }
0xa8: {  	[tilespmem:s15], [sflag:$0x3] =	stream.linear.gather [hbm4b:s6+s4], $0x400, $0x38;
	[tilespmem:$0x12800] =	vst v63  }
0xa9: {  	_ =	swait.ge [sflag:s13], $0x400  }
0xaa: {  	[sflag:s13] =	ssyncset.done $0x0  }
0xab: {  	[sflag:s13] =	ssyncadd.s32 $0xFFFFFC00  }
0xac: {  	[tilespmem:s14], [sflag:$0x1] =	stream.indirect.gather [spmem:s1], $0x30, s4, s16, $0xb8;
	[tilespmem:$0x12800] =	vst v63  }
0xad: {  	_ = 	snop  }
0xae: {  	[tilespmem:s17], [sflag:$0x2] =	stream.indirect.gather [spmem:s1], $0x30, s16, s16, $0xb8;
	[tilespmem:$0x12800] =	vst v63  }
0xaf: {  	_ =	swait.ge [sflag:s18], $0x1800  }
0xb0: {  	[sflag:s18] =	ssyncset.done $0x0  }
0xb1: {  	[sflag:s18] =	ssyncadd.s32 $0xFFFFE800  }
0xb2: {  	[spmem:s3] =	stream.indirect.scatter.add.f32 [tilespmem:s14], [sflag:$0x3], $0x30, s15, s16, $0xb8;
	[tilespmem:$0x12800] =	vst v63  }
0xb3: {  	_ =	swait.ge [sflag:s13], $0x1800  }
0xb4: {  	[sflag:s13] =	ssyncset.done $0x0  }
0xb5: {  	[sflag:s13] =	ssyncadd.s32 $0xFFFFE800  }
0xb6: {  	[tilespmem:s14], [sflag:$0x1] =	stream.indirect.gather [spmem:s1], $0x30, s19, s16, $0xb8;
	[tilespmem:$0x12800] =	vst v63  }
0xb7: {  	_ =	swait.ge [sflag:s20], $0x1800  }
0xb8: {  	[sflag:s20] =	ssyncset.done $0x0  }
0xb9: {  	[sflag:s20] =	ssyncadd.s32 $0xFFFFE800  }
0xba: {  	[spmem:s3] =	stream.indirect.scatter.add.f32 [tilespmem:s17], [sflag:$0x3], $0x30, s21, s16, $0xb8;
	[tilespmem:$0x12800] =	vst v63  }
0xbb: {  	_ =	swait.ge [sflag:s13], $0x1800  }
0xbc: {  	[sflag:s13] =	ssyncset.done $0x0  }
0xbd: {  	[sflag:s13] =	ssyncadd.s32 $0xFFFFE800  }
0xbe: {  	[tilespmem:s17], [sflag:$0x2] =	stream.indirect.gather [spmem:s1], $0x30, s22, s16, $0xb8;
	[tilespmem:$0x12800] =	vst v63  }
0xbf: {  	_ =	swait.ge [sflag:s18], $0x1800  }
0xc0: {  	[sflag:s18] =	ssyncset.done $0x0  }
0xc1: {  	[sflag:s18] =	ssyncadd.s32 $0xFFFFE800  }
0xc2: {  	[spmem:s3] =	stream.indirect.scatter.add.f32 [tilespmem:s14], [sflag:$0x3], $0x30, s23, s16, $0xb8;
	[tilespmem:$0x12800] =	vst v63  }
0xc3: {  	_ =	swait.ge [sflag:s13], $0x1800  }
0xc4: {  	[sflag:s13] =	ssyncset.done $0x0  }
0xc5: {  	[sflag:s13] =	ssyncadd.s32 $0xFFFFE800  }
0xc6: {  	[tilespmem:s14], [sflag:$0x1] =	stream.indirect.gather [spmem:s1], $0x30, s24, s16, $0xb8;
	[tilespmem:$0x12800] =	vst v63  }
0xc7: {  	_ =	swait.ge [sflag:s20], $0x1800  }
0xc8: {  	[sflag:s20] =	ssyncset.done $0x0  }
0xc9: {  	[sflag:s20] =	ssyncadd.s32 $0xFFFFE800  }
0xca: {  	[spmem:s3] =	stream.indirect.scatter.add.f32 [tilespmem:s17], [sflag:$0x3], $0x30, s26, s16, $0xb8;
	[tilespmem:$0x12800] =	vst v63  }
0xcb: {  	_ =	swait.ge [sflag:s13], $0x1800  }
0xcc: {  	[sflag:s13] =	ssyncset.done $0x0  }
0xcd: {  	[sflag:s13] =	ssyncadd.s32 $0xFFFFE800  }
0xce: {  	[tilespmem:s17], [sflag:$0x2] =	stream.indirect.gather [spmem:s1], $0x30, s28, s16, $0xb8;
	[tilespmem:$0x12800] =	vst v63  }
0xcf: {  	_ =	swait.ge [sflag:s18], $0x1800  }
0xd0: {  	[sflag:s18] =	ssyncset.done $0x0  }
0xd1: {  	[sflag:s18] =	ssyncadd.s32 $0xFFFFE800  }
0xd2: {  	[spmem:s3] =	stream.indirect.scatter.add.f32 [tilespmem:s14], [sflag:$0x3], $0x30, s29, s16, $0xb8;
	[tilespmem:$0x12800] =	vst v63  }
0xd3: {  	_ =	swait.ge [sflag:s13], $0x1800  }
0xd4: {  	[sflag:s13] =	ssyncset.done $0x0  }
0xd5: {  	[sflag:s13] =	ssyncadd.s32 $0xFFFFE800  }
0xd6: {  	[tilespmem:s14], [sflag:$0x1] =	stream.indirect.gather [spmem:s1], $0x30, s30, s16, $0xb8;
	[tilespmem:$0x12800] =	vst v63  }
0xd7: {  	_ =	swait.ge [sflag:s20], $0x1800  }
0xd8: {  	[sflag:s20] =	ssyncset.done $0x0  }
0xd9: {  	[sflag:s20] =	ssyncadd.s32 $0xFFFFE800  }
0xda: {  	[spmem:s3] =	stream.indirect.scatter.add.f32 [tilespmem:s17], [sflag:$0x3], $0x30, s31, s16, $0xb8;
	[tilespmem:$0x12800] =	vst v63  }
0xdb: {  	_ =	swait.ge [sflag:s13], $0x1800  }
0xdc: {  	[sflag:s13] =	ssyncset.done $0x0  }
0xdd: {  	[sflag:s13] =	ssyncadd.s32 $0xFFFFE800  }
0xde: {  	[tilespmem:s17], [sflag:$0x2] =	stream.indirect.gather [spmem:s1], $0x30, s2, s16, $0xb8;
	[tilespmem:$0x12800] =	vst v63  }
0xdf: {  	_ =	swait.ge [sflag:s18], $0x1800  }
0xe0: {  	[sflag:s18] =	ssyncset.done $0x0  }
0xe1: {  	[sflag:s18] =	ssyncadd.s32 $0xFFFFE800  }
0xe2: {  	[spmem:s3] =	stream.indirect.scatter.add.f32 [tilespmem:s14], [sflag:$0x3], $0x30, s0, s16, $0xb8;
	[tilespmem:$0x12800] =	vst v63  }
0xe3: {  	_ =	swait.ge [sflag:s13], $0x1800  }
0xe4: {  	[sflag:s13] =	ssyncset.done $0x0  }
0xe5: {  	[sflag:s13] =	ssyncadd.s32 $0xFFFFE800  }
0xe6: {  	_ =	swait.ge [sflag:s20], $0x1800  }
.Ltmp1:
0xe7: {  	[sflag:s20] =	ssyncset.done $0x0;
	(pc) =	sbr.rel @p0 .LBB2_4-.Ltmp1, $4  }
0xe8: {  	[sflag:s20] =	ssyncadd.s32 $0xFFFFE800  }
0xe9: {  	[spmem:s3] =	stream.indirect.scatter.add.f32 [tilespmem:s17], [sflag:$0x3], $0x30, s5, s16, $0xb8;
	[tilespmem:$0x12800] =	vst v63  }
0xea: {  	_ =	swait.ge [sflag:s13], $0x1800  }
0xeb: {  	s12 =	smov.u32 s25;
	[sflag:s13] =	ssyncset.done $0x0  }
0xec: {  	s6 =	sadd.s32 s8, s11;
	[sflag:s13] =	ssyncadd.s32 $0xFFFFE800  }
0xed: {  	[tilespmem:s4], [sflag:$0x3] =	stream.linear.gather [hbm4b:s6+s4], $0x400, $0x38;
	[tilespmem:$0x12800] =	vst v63  }
0xee: {  	_ =	swait.ge [sflag:s13], $0x400  }
0xef: {  	[sflag:s13] =	ssyncset.done $0x0  }
0xf0: {  	s8 =	sadd.s32 s8, s10;
	[sflag:s13] =	ssyncadd.s32 $0xFFFFFC00  }
0xf1: {  	[tilespmem:s15], [sflag:$0x3] =	stream.linear.gather [hbm4b:s8+s4], $0x400, $0x38;
	[tilespmem:$0x12800] =	vst v63  }
0xf2: {  	_ =	swait.ge [sflag:s13], $0x400  }
0xf3: {  	[sflag:s13] =	ssyncset.done $0x0  }
0xf4: {  	[sflag:s13] =	ssyncadd.s32 $0xFFFFFC00  }
0xf5: {  	[tilespmem:s14], [sflag:$0x1] =	stream.indirect.gather [spmem:s1], $0x30, s4, s16, $0xb8;
	[tilespmem:$0x12800] =	vst v63  }
0xf6: {  	_ = 	snop  }
0xf7: {  	[tilespmem:s17], [sflag:$0x2] =	stream.indirect.gather [spmem:s1], $0x30, s16, s16, $0xb8;
	[tilespmem:$0x12800] =	vst v63  }
0xf8: {  	_ =	swait.ge [sflag:s18], $0x1800  }
0xf9: {  	[sflag:s18] =	ssyncset.done $0x0  }
0xfa: {  	[sflag:s18] =	ssyncadd.s32 $0xFFFFE800  }
0xfb: {  	[spmem:s3] =	stream.indirect.scatter.add.f32 [tilespmem:s14], [sflag:$0x3], $0x30, s15, s16, $0xb8;
	[tilespmem:$0x12800] =	vst v63  }
0xfc: {  	_ =	swait.ge [sflag:s13], $0x1800  }
0xfd: {  	[sflag:s13] =	ssyncset.done $0x0  }
0xfe: {  	[sflag:s13] =	ssyncadd.s32 $0xFFFFE800  }
0xff: {  	[tilespmem:s14], [sflag:$0x1] =	stream.indirect.gather [spmem:s1], $0x30, s19, s16, $0xb8;
	[tilespmem:$0x12800] =	vst v63  }
0x100: {  	_ =	swait.ge [sflag:s20], $0x1800  }
0x101: {  	[sflag:s20] =	ssyncset.done $0x0  }
0x102: {  	[sflag:s20] =	ssyncadd.s32 $0xFFFFE800  }
0x103: {  	[spmem:s3] =	stream.indirect.scatter.add.f32 [tilespmem:s17], [sflag:$0x3], $0x30, s21, s16, $0xb8;
	[tilespmem:$0x12800] =	vst v63  }
0x104: {  	_ =	swait.ge [sflag:s13], $0x1800  }
0x105: {  	[sflag:s13] =	ssyncset.done $0x0  }
0x106: {  	[sflag:s13] =	ssyncadd.s32 $0xFFFFE800  }
0x107: {  	[tilespmem:s17], [sflag:$0x2] =	stream.indirect.gather [spmem:s1], $0x30, s22, s16, $0xb8;
	[tilespmem:$0x12800] =	vst v63  }
0x108: {  	_ =	swait.ge [sflag:s18], $0x1800  }
0x109: {  	[sflag:s18] =	ssyncset.done $0x0  }
0x10a: {  	[sflag:s18] =	ssyncadd.s32 $0xFFFFE800  }
0x10b: {  	[spmem:s3] =	stream.indirect.scatter.add.f32 [tilespmem:s14], [sflag:$0x3], $0x30, s23, s16, $0xb8;
	[tilespmem:$0x12800] =	vst v63  }
0x10c: {  	_ =	swait.ge [sflag:s13], $0x1800  }
0x10d: {  	[sflag:s13] =	ssyncset.done $0x0  }
0x10e: {  	[sflag:s13] =	ssyncadd.s32 $0xFFFFE800  }
0x10f: {  	[tilespmem:s14], [sflag:$0x1] =	stream.indirect.gather [spmem:s1], $0x30, s24, s16, $0xb8;
	[tilespmem:$0x12800] =	vst v63  }
0x110: {  	_ =	swait.ge [sflag:s20], $0x1800  }
0x111: {  	[sflag:s20] =	ssyncset.done $0x0  }
0x112: {  	[sflag:s20] =	ssyncadd.s32 $0xFFFFE800  }
0x113: {  	[spmem:s3] =	stream.indirect.scatter.add.f32 [tilespmem:s17], [sflag:$0x3], $0x30, s26, s16, $0xb8;
	[tilespmem:$0x12800] =	vst v63  }
0x114: {  	_ =	swait.ge [sflag:s13], $0x1800  }
0x115: {  	[sflag:s13] =	ssyncset.done $0x0  }
0x116: {  	[sflag:s13] =	ssyncadd.s32 $0xFFFFE800  }
0x117: {  	[tilespmem:s17], [sflag:$0x2] =	stream.indirect.gather [spmem:s1], $0x30, s28, s16, $0xb8;
	[tilespmem:$0x12800] =	vst v63  }
0x118: {  	_ =	swait.ge [sflag:s18], $0x1800  }
0x119: {  	[sflag:s18] =	ssyncset.done $0x0  }
0x11a: {  	[sflag:s18] =	ssyncadd.s32 $0xFFFFE800  }
0x11b: {  	[spmem:s3] =	stream.indirect.scatter.add.f32 [tilespmem:s14], [sflag:$0x3], $0x30, s29, s16, $0xb8;
	[tilespmem:$0x12800] =	vst v63  }
0x11c: {  	_ =	swait.ge [sflag:s13], $0x1800  }
0x11d: {  	[sflag:s13] =	ssyncset.done $0x0  }
0x11e: {  	[sflag:s13] =	ssyncadd.s32 $0xFFFFE800  }
0x11f: {  	[tilespmem:s14], [sflag:$0x1] =	stream.indirect.gather [spmem:s1], $0x30, s30, s16, $0xb8;
	[tilespmem:$0x12800] =	vst v63  }
0x120: {  	_ =	swait.ge [sflag:s20], $0x1800  }
0x121: {  	[sflag:s20] =	ssyncset.done $0x0  }
0x122: {  	[sflag:s20] =	ssyncadd.s32 $0xFFFFE800  }
0x123: {  	[spmem:s3] =	stream.indirect.scatter.add.f32 [tilespmem:s17], [sflag:$0x3], $0x30, s31, s16, $0xb8;
	[tilespmem:$0x12800] =	vst v63  }
0x124: {  	_ =	swait.ge [sflag:s13], $0x1800  }
0x125: {  	[sflag:s13] =	ssyncset.done $0x0  }
0x126: {  	[sflag:s13] =	ssyncadd.s32 $0xFFFFE800  }
0x127: {  	[tilespmem:s17], [sflag:$0x2] =	stream.indirect.gather [spmem:s1], $0x30, s2, s16, $0xb8;
	[tilespmem:$0x12800] =	vst v63  }
0x128: {  	_ =	swait.ge [sflag:s18], $0x1800  }
0x129: {  	[sflag:s18] =	ssyncset.done $0x0  }
0x12a: {  	[sflag:s18] =	ssyncadd.s32 $0xFFFFE800  }
0x12b: {  	[spmem:s3] =	stream.indirect.scatter.add.f32 [tilespmem:s14], [sflag:$0x3], $0x30, s0, s16, $0xb8;
	[tilespmem:$0x12800] =	vst v63  }
0x12c: {  	_ =	swait.ge [sflag:s13], $0x1800  }
0x12d: {  	[sflag:s13] =	ssyncset.done $0x0  }
0x12e: {  	[sflag:s13] =	ssyncadd.s32 $0xFFFFE800  }
0x12f: {  	_ =	swait.ge [sflag:s20], $0x1800  }
0x130: {  	[sflag:s20] =	ssyncset.done $0x0  }
0x131: {  	[sflag:s20] =	ssyncadd.s32 $0xFFFFE800  }
0x132: {  	[spmem:s3] =	stream.indirect.scatter.add.f32 [tilespmem:s17], [sflag:$0x3], $0x30, s5, s16, $0xb8;
	[tilespmem:$0x12800] =	vst v63  }
0x133: {  	_ =	swait.ge [sflag:s13], $0x1800  }
0x134: {  	[sflag:s13] =	ssyncset.done $0x0  }
0x135: {  	[sflag:s13] =	ssyncadd.s32 $0xFFFFE800  }
0x136: {  	[bflag:$0x0] =	sbarrier.arrive $0xFFFF  }
0x137: {  	s25 =	rddreg [dreg:$0x6]  }
0x138: {  	s12 =	rddreg [dreg:$0x7]  }
0x139: {  	s7 =	rddreg [dreg:$0xa]  }
0x13a: {  	[hbm:s12], [sflag:s25] =	dma.local [spmem:s7], $0xF00  }
0x13b: {  	_ =	swait.ge [sflag:s13], $0xF00  }
0x13c: {  	s8 =	rddreg [dreg:$0xb]  }
0x13d: {  	s12 =	rddreg [dreg:$0x8];
	s7 =	sadd.s32 $0x1, s8  }
0x13e: {  	p0 =	sne.s32 s7, s12  }
.Ltmp2:
0x13f: {  	_ = 	snop;
	(pc) =	sbr.rel @p0 .LBB2_1-.Ltmp2, $3  }
0x140: {  	_ =	sdelay $0x1  }
0x141: {  	[sflag:s13] =	ssyncset.done $0x0  }
0x142: {  	[sflag:s13] =	ssyncadd.s32 $0xFFFFF100  }
0x143: {  	_ =	sfence.sel $0x180000  }
0x144: {  	[bflag:$0x0] =	sbarrier.arrive $0xFFFF  }
0x145: {  	_ =	strace $0x9000004D  }
0x146: {  	s0 =	stileid.u32;
	[bflag:$0x2] =	sbarrier.arrive $0xFFFF  }
0x147: {  	p0 =	sne.s32 s0, $0x0;
	s0 =	rddreg [dreg:$0x4]  }
0x148: {  	s0 =	sadd.s32 @!p0 $0x100000, s0  }
0x149: {  	[sflag:s0] =	ssyncadd.tile.s32 @!p0 $0x1;
	_ =	shalt  }
.Lfunc_end2:
_tile_overlayer_lowered:
.L_overlay_start_2:
0x14a: {  	(tag) =	ssettag $0x2  }
0x14b: {  	s0 =	rddreg [dreg:$0x0];
	s2 =	stileid.u32  }
0x14c: {  	s1 =	rddreg [dreg:$0x1];
	p0 =	sne.s32 s2, $0x0  }
0x14d: {  	s3 =	rddreg [dreg:$0x2];
	[bflag:$0x3] =	sbarrier.arrive $0xFFFF;
	s2 =	simm.s32 @!p0 $0x1C03  }
0x14e: {  	[timem:s3], [sflag:s2] =	dma.local @!p0 [hbm:s0], s1  }
0x14f: {  	s0 =	simm.s32 @!p0 $0x3  }
0x150: {  	_ =	swait.ge @!p0 [sflag:s0], s1  }
0x151: {  	s1 =	ssub.s32 @!p0 $0x0, s1;
	[sflag:s0] =	ssyncset.done @!p0 $0x0  }
0x152: {  	[sflag:s0] =	ssyncadd.s32 @!p0 s1  }
0x153: {  	[bflag:$0x3] =	sbarrier.arrive $0xFFFF  }
0x154: {  	_ =	shalt  }

// kernel: kernel.8.cloned.1.call-start
scs
__scs_entry_jumppad:
0x0: {  	(pc) =	sbr.rel $0x88, $3  }
0x1: {  	(tag) =	ssettag $0x0;
	lr =	simm.s32 $0x1  }
0x2: {  	[smem:$0x3F9B] =	sst lr;
	_ =	strace $0xD0000000  }
0x3: {  	_ = 	snop  }
0x4: {  	_ = 	snop  }
0x5: {  	_ = 	snop  }
0x6: {  	_ = 	snop  }
0x7: {  	_ = 	snop  }
__scs_overlays_trampoline_lowered:
0x8: {  	[smem:$0x3FAA] =	sst s0  }
0x9: {  	[smem:$0x3FAB] =	sst s1  }
0xa: {  	[smem:$0x3FAC] =	sst s2  }
0xb: {  	[smem:$0x3FAD] =	sst s3  }
0xc: {  	[smem:$0x3FAE] =	sst s4  }
0xd: {  	[smem:$0x3FAF] =	sst s5  }
0xe: {  	[smem:$0x3FB0] =	sst s6  }
0xf: {  	[smem:$0x3FB1] =	sst s7  }
0x10: {  	[smem:$0x3FB2] =	sst s8  }
0x11: {  	[smem:$0x3FB3] =	sst s9;
	s0 =	simm.s32 @!p0 $0x0  }
0x12: {  	s1 =	sld [smem:$0x3F99];
	s0 =	simm.s32 @p0 $0x1  }
0x13: {  	[smem:$0x3FB4] =	sst s0;
	s0 =	simm.s32 @!p1 $0x0  }
0x14: {  	s2 =	sld [smem:$0x3F98];
	s0 =	simm.s32 @p1 $0x1  }
0x15: {  	[smem:$0x3FB5] =	sst s0;
	s0 =	simm.s32 @!p2 $0x0  }
0x16: {  	s3 =	sld [smem:$0x3FDB];
	s0 =	simm.s32 @p2 $0x1  }
0x17: {  	s4 =	simm.s32 $0x1BF5;
	[smem:$0x3FB7] =	sst s0  }
0x18: {  	s0 =	sld [smem:$0x3F9A];
	_ =	swait.ge [sflag:s4], $0x0  }
0x19: {  	s7 =	sld [smem:$0x3F9B]  }
0x1a: {  	s8 =	sadd.s32 $0xFFFFE003, lr  }
0x1b: {  	s9 =	sadd.s32 $0xFFFFFEF7, lr;
	s5 =	simm.s32 $0xFFFFFFFF;
	p2 =	slt.u32 s8, $0xFFFFF086  }
0x1c: {  	p1 =	slt.u32 s9, $0xF7A;
	s5 =	simm.s32 @!p2 $0x0  }
0x1d: {  	s5 =	simm.s32 @p1 $0x1;
	p0 =	seq.s32 s7, s2  }
0x1e: {  	s7 =	smul.u32 @!p0 $0xF7A, s2;
	p2 =	seq.s32 @!p0 s5, $0x0  }
0x1f: {  	s9 =	smul.u32 $0xF7A, s1;
	s8 =	simm.s32 @!p0 $0x1BF5;
	p2 =	por !p2, p0  }
0x20: {  	[sflag:s8] =	ssyncset.s32 @!p0 $0xFFFFF086;
	s6 =	sadd.s32 @!p0 s3, s7;
	s7 =	simm.s32 @!p0 $0x108  }
0x21: {  	s3 =	sadd.s32 s3, s9;
	s6 =	sadd.s32 @!p0 $0x88, s6;
	s7 =	simm.s32 @p2 $0x1082  }
0x22: {  	[simem:s7], [sflag:s8] =	dma.local @!p0 [hbm:s6], $0xF7A  }
0x23: {  	s9 =	sor.u32 $0xD0000000, s2;
	s6 =	simm.s32 $0x108;
	_ =	swait.ge @!p0 [sflag:s8], $0x0  }
0x24: {  	s3 =	sadd.s32 $0x88, s3;
	s6 =	simm.s32 @!p1 $0x1082;
	[sflag:s4] =	ssyncset.s32 $0xFFFFF086  }
0x25: {  	[simem:s6], [sflag:s4] =	dma.local [hbm:s3], $0xF7A  }
0x26: {  	[smem:$0x3F9B] =	sst s1;
	(tag) =	ssettag s2;
	_ =	strace s9  }
0x27: {  	s1 =	sld [smem:$0x3FAB]  }
0x28: {  	s2 =	sld [smem:$0x3FAC]  }
0x29: {  	s4 =	sld [smem:$0x3FAE]  }
0x2a: {  	p0 =	seq.s32 s5, $0x0;
	s5 =	sld [smem:$0x3FAF]  }
0x2b: {  	s6 =	sld [smem:$0x3FB0]  }
0x2c: {  	s7 =	sld [smem:$0x3FB1]  }
0x2d: {  	s3 =	simm.s32 $0x108;
	s8 =	sld [smem:$0x3FB2]  }
0x2e: {  	s3 =	simm.s32 @!p0 $0x1082;
	s9 =	sld [smem:$0x3FB3]  }
0x2f: {  	lr =	sadd.s32 s0, s3;
	s0 =	sld [smem:$0x3FAA]  }
0x30: {  	s3 =	sld [smem:$0x3FAD]  }
0x31: {  	[smem:$0x3FB6] =	sst s10  }
0x32: {  	s10 =	sld [smem:$0x3FB4];
	_ =	sdelay $0x3  }
0x33: {  	p0 =	seq.s32 s10, $0x1;
	s10 =	sld [smem:$0x3FB6];
	_ =	sdelay $0x3  }
0x34: {  	[smem:$0x3FB6] =	sst s10  }
0x35: {  	s10 =	sld [smem:$0x3FB5];
	_ =	sdelay $0x3  }
0x36: {  	p1 =	seq.s32 s10, $0x1;
	s10 =	sld [smem:$0x3FB6];
	_ =	sdelay $0x3  }
0x37: {  	[smem:$0x3FB6] =	sst s10  }
0x38: {  	s10 =	sld [smem:$0x3FB7]  }
0x39: {  	_ = 	snop;
	(pc) =	sbr.ind lr, $3  }
0x3a: {  	_ = 	snop  }
0x3b: {  	_ = 	snop  }
0x3c: {  	p2 =	seq.s32 s10, $0x1;
	s10 =	sld [smem:$0x3FB6]  }
0x3d: {  	_ =	shalt  }
0x3e: {  	_ =	shalt  }
0x3f: {  	_ =	shalt  }
0x40: {  	_ =	shalt  }
0x41: {  	_ =	shalt  }
0x42: {  	_ =	shalt  }
0x43: {  	_ =	shalt  }
0x44: {  	_ =	shalt  }
0x45: {  	_ =	shalt  }
0x46: {  	_ =	shalt  }
0x47: {  	_ =	shalt  }
0x48: {  	_ =	shalt  }
0x49: {  	_ =	shalt  }
0x4a: {  	_ =	shalt  }
0x4b: {  	_ =	shalt  }
0x4c: {  	_ =	shalt  }
0x4d: {  	_ =	shalt  }
0x4e: {  	_ =	shalt  }
0x4f: {  	_ =	shalt  }
0x50: {  	_ =	shalt  }
0x51: {  	_ =	shalt  }
0x52: {  	_ =	shalt  }
0x53: {  	_ =	shalt  }
0x54: {  	_ =	shalt  }
0x55: {  	_ =	shalt  }
0x56: {  	_ =	shalt  }
0x57: {  	_ =	shalt  }
0x58: {  	_ =	shalt  }
0x59: {  	_ =	shalt  }
0x5a: {  	_ =	shalt  }
0x5b: {  	_ =	shalt  }
0x5c: {  	_ =	shalt  }
0x5d: {  	_ =	shalt  }
0x5e: {  	_ =	shalt  }
0x5f: {  	_ =	shalt  }
0x60: {  	_ =	shalt  }
0x61: {  	_ =	shalt  }
0x62: {  	_ =	shalt  }
0x63: {  	_ =	shalt  }
0x64: {  	_ =	shalt  }
0x65: {  	_ =	shalt  }
0x66: {  	_ =	shalt  }
0x67: {  	_ =	shalt  }
0x68: {  	_ =	shalt  }
0x69: {  	_ =	shalt  }
0x6a: {  	_ =	shalt  }
0x6b: {  	_ =	shalt  }
0x6c: {  	_ =	shalt  }
0x6d: {  	_ =	shalt  }
0x6e: {  	_ =	shalt  }
0x6f: {  	_ =	shalt  }
0x70: {  	_ =	shalt  }
0x71: {  	_ =	shalt  }
0x72: {  	_ =	shalt  }
0x73: {  	_ =	shalt  }
0x74: {  	_ =	shalt  }
0x75: {  	_ =	shalt  }
0x76: {  	_ =	shalt  }
0x77: {  	_ =	shalt  }
0x78: {  	_ =	shalt  }
0x79: {  	_ =	shalt  }
0x7a: {  	_ =	shalt  }
0x7b: {  	_ =	shalt  }
0x7c: {  	_ =	shalt  }
0x7d: {  	_ =	shalt  }
0x7e: {  	_ =	shalt  }
0x7f: {  	_ =	shalt  }
0x80: {  	_ =	shalt  }
0x81: {  	_ =	shalt  }
0x82: {  	_ =	shalt  }
0x83: {  	_ =	shalt  }
0x84: {  	_ =	shalt  }
0x85: {  	_ =	shalt  }
0x86: {  	_ =	shalt  }
0x87: {  	_ =	shalt  }
.Lfunc_end0:
.L_simem_size_0:
called_computation_lowered:
.L_overlay_start_0:
0x88: {  	s2 =	sld [smem:$0x3FD9]  }
0x89: {  	s3 =	sld [smem:$0x3FFE];
	_ =	sdelay $0x1  }
0x8a: {  	s1 =	srdreg.scid  }
0x8b: {  	s0 =	sand.u32 $0x1, s1  }
0x8c: {  	s16 =	sshll.u32 s0, $0xA;
	s2 =	sadd.s32 s3, s2  }
0x8d: {  	s2 =	sadd.s32 s2, s16  }
0x8e: {  	[smem:$0x3FC2] =	sst s2  }
0x8f: {  	_ = 	snop  }
0x90: {  	(tm) =	ssettm $0x1  }
0x91: {  	s17 =	sld [smem:$0x3FFB];
	_ =	sdelay $0x3  }
0x92: {  	_ =	strace s17  }
0x93: {  	s2 =	sld [smem:$0x3FFC];
	_ =	sdelay $0x3  }
0x94: {  	_ =	strace s2  }
0x95: {  	s2 =	sld [smem:$0x3FFD];
	_ =	sdelay $0x3  }
0x96: {  	_ =	strace s2  }
0x97: {  	_ =	strace $0x8FFFFFFF  }
0x98: {  	s18 =	sld [smem:$0x3FDB];
	_ =	sdelay $0x1  }
0x99: {  	s19 =	simm.s32 $_scs_section_size  }
0x9a: {  	s4 =	simm.s32 $_size__tile_overlayer_lowered;
	s5 =	simm.s32 $_tile_overlayer_lowered  }
0x9b: {  	s22 =	simm.s32 $0x1BFF;
	s21 =	sshll.u32 s5, $0x1;
	s2 =	sadd.s32 s19, s18  }
0x9c: {  	s6 =	simm.s32 $0x0;
	s20 =	sshll.u32 s4, $0x1;
	s4 =	sadd.s32 s21, s2  }
0x9d: {  	[timem:s6], [sflag:s22] =	dma.local [hbm:s4], s20  }
0x9e: {  	_ =	swait.ge [sflag:s22], s20  }
0x9f: {  	s3 =	ssub.s32 $0x0, s20;
	[sflag:s22] =	ssyncset.done $0x0  }
0xa0: {  	[sflag:s22] =	ssyncadd.s32 s3;
	_ =	sdelay $0x1  }
0xa1: {  	s23 =	simm.s32 $0x1B8B  }
0xa2: {  	_ =	swait.ge [sflag:s23], $0x1  }
0xa3: {  	[sflag:s23] =	ssyncset.done $0x0  }
0xa4: {  	s25 =	simm.s32 $0x1B8E;
	s24 =	sld [smem:$0x3FFE];
	[sflag:s23] =	ssyncadd.s32 $0xFFFFFFFF  }
0xa5: {  	s26 =	simm.s32 $execute0_lowered;
	[smem:$0x3FD2] =	sst s25  }
0xa6: {  	s4 =	sshll.u32 s26, $0x1;
	_ =	strace $0x80000046;
	[dreg:$0x1] =	wrdreg $0xFFFFFFFF  }
0xa7: {  	s28 =	simm.s32 $_size_execute0_lowered;
	s2 =	sadd.s32 s2, s4;
	[dreg:$0x0] =	wrdreg $0x0  }
0xa8: {  	s4 =	sshll.u32 s28, $0x1;
	[dreg:$0x2] =	wrdreg s2  }
0xa9: {  	[dreg:$0x3] =	wrdreg s4  }
0xaa: {  	[dreg:$0x4] =	wrdreg $0xC0  }
0xab: {  	_ =	task [dreg:s6], $0x5FFFF  }
0xac: {  	[dreg:$0x1] =	wrdreg $0xFFFFFFFF  }
0xad: {  	[dreg:$0x0] =	wrdreg $0x60  }
0xae: {  	[dreg:$0x2] =	wrdreg s24  }
0xaf: {  	[dreg:$0x3] =	wrdreg $0x9  }
0xb0: {  	_ =	task.clear_ibuf [dreg:s6], $0x4FFFF;
	_ =	strace $0x90000046  }
0xb1: {  	s29 =	simm.s32 $0x9;
	_ =	strace $0x80000048  }
0xb2: {  	_ =	swait.ge [sflag:s29], $0x1  }
0xb3: {  	[sflag:s29] =	ssyncadd.s32 $0xFFFFFFFF  }
0xb4: {  	_ =	strace $0x90000048  }
0xb5: {  	_ =	sfence  }
0xb6: {  	s30 =	sld [smem:$0x0];
	_ =	sdelay $0x2  }
0xb7: {  	s31 =	sshll.u32 s1, $0xD;
	s1 =	sshrl.u32 s1, $0x2  }
0xb8: {  	s3 =	sand.u32 $0x4000, s31;
	s1 =	sadd.s32 s1, s30  }
0xb9: {  	s0 =	sor.u32 s3, s0;
	s1 =	sshll.u32 s1, $0x11  }
0xba: {  	s0 =	sor.u32 s1, s0  }
0xbb: {  	s0 =	sadd.s32 $0x8F2B, s0  }
0xbc: {  	[sflag:s0] =	ssyncadd.remote.s32 $0x1  }
0xbd: {  	_ =	sfence.sel $0xFFFF  }
0xbe: {  	[dreg:$0x0] =	wrdreg $0xFFFFFFFF;
	(pc) =	sbr.abs _section_cstart, $3  }
0xbf: {  	[dreg:$0x1] =	wrdreg $0xFFFFFFFF  }
0xc0: {  	_ =	task.clear_ibuf [dreg:s6], $0x2FFFF;
	_ =	strace $0x9FFFFFFF  }
0xc1: {  	(tm) =	ssettm $0x7FFFFFFF  }
tec
execute0_lowered:
.L_overlay_start_1:
0x0: {  	(tag) =	ssettag $0x1  }
0x1: {  	s1 =	srdreg.scid  }
0x2: {  	s0 =	stileid.u32;
	s5 =	rddreg [dreg:$0x0]  }
0x3: {  	s2 =	simm.s32 $0x0;
	s8 =	simm.s32 $0x80;
	s9 =	simm.s32 $0x400  }
0x4: {  	s10 =	simm.s32 $0x0;
	s3 =	sand.u32 $0x1, s1;
	s29 =	sshll.u32 s0, $0x1  }
0x5: {  	s30 =	sshrl.u32 s0, $0x2;
	s1 =	rddreg [dreg:$0x1];
	s4 =	sor.u32 s3, s29  }
0x6: {  	[smem:$0x7FF] =	sst s2;
	s6 =	smul.u32 $0x14000, s30;
	s7 =	sshll.u32 s4, $0x7  }
0x7: {  	s3 =	ssub.s32 $0x2, s3;
	s4 =	smul.u32 $0x500, s4;
	s7 =	sand.u32 $0x380, s7  }
0x8: {  	_ =	strace $0x80000047;
	s31 =	sshrl.u32 s3, $0x1;
	s6 =	sor.u32 s6, s7  }
0x9: {  	s4 =	sadd.s32 s4, s5;
	s7 =	simm.s32 $0x2800;
	s6 =	sshrl.u32 s6, $0x3  }
0xa: {  	s5 =	sadd.s32 s6, s5;
	s6 =	ssub.s32 s3, s31;
	s3 =	sadd.s32 $0x1A00, s4  }
0xb: {  	v0 =	vimm.f32 $0.0e+00;
	v1 =	vimm.f32 $1.000000000e+00;
	s4 =	sadd.s32 $0xBA00, s5;
	s5 =	smax.u32 s6, $0x1;
	s6 =	simm.s32 $0x1  }
.LBB2_1:
0xc: {  	[tilespmem:s2], [sflag:$0x1] =	stream.linear.gather [hbm4b:s3+s2], $0x2800, $0x38;
	[tilespmem:$0x5000] =	vst v63  }
0xd: {  	_ =	swait.ge [sflag:s6], $0x2800  }
0xe: {  	[sflag:s6] =	ssyncset.done $0x0  }
0xf: {  	s11 =	simm.s32 $0x0;
	[sflag:s6] =	ssyncadd.s32 $0xFFFFD800  }
.LBB2_2:
0x10: {  	p0 =	sne.s32 s11, $0x9FC0  }
.Ltmp0:
0x11: {  	_ = 	snop;
	(pc) =	sbr.rel @p0 .LBB2_2-.Ltmp0, $3  }
0x12: {  	_ =	sdelay $0x1  }
0x13: {  	s12 =	sshra.s32 s11, $0x2  }
0x14: {  	s11 =	sadd.s32 $0x40, s11;
	[tilespmem:s12+$0x2800] =	vst v0  }
0x15: {  	s11 =	simm.s32 $0x0  }
.LBB2_4:
0x16: {  	s12 =	sshra.s32 s11, $0x2  }
0x17: {  	v2 =	vld [tilespmem:s12+$0x0];
	_ =	sdelay $0x7  }
0x18: {  	[tilespmem:v2+s7+$0x0] =	vst.idx.add.f32.msk $0xffff, v1  }
0x19: {  	v2 =	vld [tilespmem:s12+$0x10];
	_ =	sdelay $0x7  }
0x1a: {  	[tilespmem:v2+s7+$0x0] =	vst.idx.add.f32.msk $0xffff, v1  }
0x1b: {  	v2 =	vld [tilespmem:s12+$0x20];
	_ =	sdelay $0x7  }
0x1c: {  	[tilespmem:v2+s7+$0x0] =	vst.idx.add.f32.msk $0xffff, v1  }
0x1d: {  	v2 =	vld [tilespmem:s12+$0x30];
	_ =	sdelay $0x7  }
0x1e: {  	[tilespmem:v2+s7+$0x0] =	vst.idx.add.f32.msk $0xffff, v1  }
0x1f: {  	v2 =	vld [tilespmem:s12+$0x40];
	_ =	sdelay $0x7  }
0x20: {  	[tilespmem:v2+s7+$0x0] =	vst.idx.add.f32.msk $0xffff, v1  }
0x21: {  	v2 =	vld [tilespmem:s12+$0x50];
	_ =	sdelay $0x7  }
0x22: {  	[tilespmem:v2+s7+$0x0] =	vst.idx.add.f32.msk $0xffff, v1  }
0x23: {  	v2 =	vld [tilespmem:s12+$0x60];
	_ =	sdelay $0x7  }
0x24: {  	[tilespmem:v2+s7+$0x0] =	vst.idx.add.f32.msk $0xffff, v1  }
0x25: {  	v2 =	vld [tilespmem:s12+$0x70];
	_ =	sdelay $0x2  }
0x26: {  	p0 =	sne.s32 s11, $0x9E00  }
.Ltmp1:
0x27: {  	_ = 	snop;
	(pc) =	sbr.rel @p0 .LBB2_4-.Ltmp1, $2  }
0x28: {  	_ =	sdelay $0x2  }
0x29: {  	s11 =	sadd.s32 $0x200, s11;
	[tilespmem:v2+s7+$0x0] =	vst.idx.add.f32.msk $0xffff, v1  }
0x2a: {  	s10 =	sadd.s32 $0x1, s10  }
0x2b: {  	p0 =	sne.s32 s10, s5  }
.Ltmp2:
0x2c: {  	_ = 	snop;
	(pc) =	sbr.rel @p0 .LBB2_1-.Ltmp2, $4  }
0x2d: {  	[hbm4b:s4+s8] =	stream.strided.scatter [tilespmem:s7], [sflag:$0x1], $0x2800, s9, s8, $0x38;
	[tilespmem:$0x5000] =	vst v63  }
0x2e: {  	_ =	swait.ge [sflag:s6], $0x2800  }
0x2f: {  	[sflag:s6] =	ssyncset.done $0x0  }
0x30: {  	[sflag:s6] =	ssyncadd.s32 $0xFFFFD800  }
0x31: {  	_ =	sfence.sel $0x180000  }
0x32: {  	[bflag:$0x0] =	sbarrier.arrive $0xFFFF  }
0x33: {  	p0 =	sne.s32 s0, $0x0;
	_ =	strace $0x90000047  }
0x34: {  	s0 =	sadd.s32 @!p0 $0x100000, s1;
	[bflag:$0x2] =	sbarrier.arrive $0xFFFF  }
0x35: {  	[sflag:s0] =	ssyncadd.tile.s32 @!p0 $0x1;
	_ =	shalt  }
.Lfunc_end2:
_tile_overlayer_lowered:
.L_overlay_start_2:
0x36: {  	(tag) =	ssettag $0x2  }
0x37: {  	s0 =	rddreg [dreg:$0x0];
	s2 =	stileid.u32  }
0x38: {  	s1 =	rddreg [dreg:$0x1];
	p0 =	sne.s32 s2, $0x0  }
0x39: {  	s3 =	rddreg [dreg:$0x2];
	[bflag:$0x3] =	sbarrier.arrive $0xFFFF;
	s2 =	simm.s32 @!p0 $0x1C01  }
0x3a: {  	[timem:s3], [sflag:s2] =	dma.local @!p0 [hbm:s0], s1  }
0x3b: {  	s0 =	simm.s32 @!p0 $0x1  }
0x3c: {  	_ =	swait.ge @!p0 [sflag:s0], s1  }
0x3d: {  	s1 =	ssub.s32 @!p0 $0x0, s1;
	[sflag:s0] =	ssyncset.done @!p0 $0x0  }
0x3e: {  	[sflag:s0] =	ssyncadd.s32 @!p0 s1  }
0x3f: {  	[bflag:$0x3] =	sbarrier.arrive $0xFFFF  }
0x40: {  	_ =	shalt  }

</sc_bundles>
